<compile_context>
chip_gen: v7x
topology: tpu7x:2x2x1
jax: 0.10.2.dev20260603
libtpu: 0.0.44.dev20260713+nightly
codegen_flags: <defaults>
</compile_context>

<pallas_src>
import functools

import jax
import jax.numpy as jnp
from jax import lax
from jax.experimental import pallas as pl
from jax.experimental.pallas import tpu as pltpu
from jax.experimental.pallas import tpu_sc as plsc

N = 8192
D = 1024
H = 1024
T = 16
RH = 32

BLK = 256
NBLK = (2 * N + T * BLK) // BLK
NPAD = NBLK * BLK
RB = 512

NW = 32
DPK = D // 2
CH = 80
NSPLIT = 2
NROWS_SPLIT = NPAD // NSPLIT
NBLK_SPLIT = NBLK // NSPLIT



def _router_body(x_ref, w1_ref, b1_ref, w2_ref, b2_ref, ti_ref, tw_ref,
                 xpk_ref):
    x = x_ref[...]
    au = lax.bitcast_convert_type(x[:, :D // 2], jnp.uint32)
    bu = lax.bitcast_convert_type(x[:, D // 2:], jnp.uint32)
    pk = (((au + 0x8000) >> 16)
          | ((bu + 0x8000) & jnp.uint32(0xffff0000)))
    xpk_ref[...] = lax.bitcast_convert_type(pk, jnp.int32)
    h = jnp.tanh(jnp.dot(x, w1_ref[...], preferred_element_type=jnp.float32)
                 + b1_ref[...])
    s = jnp.dot(h, w2_ref[...], preferred_element_type=jnp.float32) + b2_ref[...]
    i1 = jnp.argmax(s, axis=1).astype(jnp.int32)
    v1 = jnp.max(s, axis=1)
    cols = lax.broadcasted_iota(jnp.int32, s.shape, 1)
    s2 = jnp.where(cols == i1[:, None], -jnp.inf, s)
    i2 = jnp.argmax(s2, axis=1).astype(jnp.int32)
    v2 = jnp.max(s2, axis=1)
    e2 = jnp.exp(v2 - v1)
    denom = 1.0 + e2
    ti_ref[...] = jnp.stack([i1, i2], axis=-1)
    tw_ref[...] = jnp.stack([1.0 / denom, e2 / denom], axis=-1)


def _route(x, router_W1, router_b1, router_W2, router_b2):
    return pl.pallas_call(
        _router_body,
        grid=(N // RB,),
        in_specs=[
            pl.BlockSpec((RB, D), lambda i: (i, 0)),
            pl.BlockSpec((D, RH), lambda i: (0, 0)),
            pl.BlockSpec((1, RH), lambda i: (0, 0)),
            pl.BlockSpec((RH, T), lambda i: (0, 0)),
            pl.BlockSpec((1, T), lambda i: (0, 0)),
        ],
        out_specs=[
            pl.BlockSpec((RB, 2), lambda i: (i, 0)),
            pl.BlockSpec((RB, 2), lambda i: (i, 0)),
            pl.BlockSpec((RB, D // 2), lambda i: (i, 0)),
        ],
        out_shape=[
            jax.ShapeDtypeStruct((N, 2), jnp.int32),
            jax.ShapeDtypeStruct((N, 2), jnp.float32),
            jax.ShapeDtypeStruct((N, D // 2), jnp.int32),
        ],
        compiler_params=pltpu.CompilerParams(
            dimension_semantics=("parallel",)),
    )(x, router_W1, router_b1.reshape(1, RH), router_W2,
      router_b2.reshape(1, T))



@functools.cache
def _make_sc_gather(nrows):
    mesh = plsc.VectorSubcoreMesh(core_axis_name="c", subcore_axis_name="s")
    rpw = nrows // NW
    nch = rpw // CH

    @functools.partial(
        pl.kernel,
        mesh=mesh,
        out_type=jax.ShapeDtypeStruct((nrows, DPK), jnp.int32),
        scratch_types=[
            pltpu.VMEM((rpw,), jnp.int32),
            pltpu.VMEM((CH, DPK), jnp.int32),
            pltpu.VMEM((CH, DPK), jnp.int32),
            pltpu.SemaphoreType.DMA,
            pltpu.SemaphoreType.DMA,
            pltpu.SemaphoreType.DMA,
            pltpu.SemaphoreType.DMA,
        ],
    )
    def gather_k(x_hbm, idx_hbm, out_hbm, idx_v, rows0, rows1,
                 gsem0, gsem1, wsem0, wsem1):
        wid = lax.axis_index("s") * 2 + lax.axis_index("c")
        base = wid * rpw
        rows = (rows0, rows1)
        gsem = (gsem0, gsem1)
        wsem = (wsem0, wsem1)
        pltpu.sync_copy(idx_hbm.at[pl.ds(base, rpw)], idx_v)
        gathers = [None] * nch
        writes = [None] * nch
        gathers[0] = pltpu.async_copy(
            x_hbm.at[idx_v.at[pl.ds(0, CH)]], rows[0], gsem[0])
        for j in range(nch):
            cur = j % 2
            if j + 1 < nch:
                nxt = (j + 1) % 2
                if j >= 1:
                    writes[j - 1].wait()
                gathers[j + 1] = pltpu.async_copy(
                    x_hbm.at[idx_v.at[pl.ds((j + 1) * CH, CH)]],
                    rows[nxt], gsem[nxt])
            gathers[j].wait()
            writes[j] = pltpu.async_copy(
                rows[cur], out_hbm.at[pl.ds(base + j * CH, CH)], wsem[cur])
        writes[nch - 2].wait()
        writes[nch - 1].wait()

    return gather_k



def _expert_body(be_ref, na_ref, xg_ref, w_ref, b_ref, hw_ref, g_ref, out_ref):
    i = pl.program_id(0)

    @pl.when(i < na_ref[0])
    def _():
        xi = lax.bitcast_convert_type(xg_ref[...], jnp.uint32)
        xa = lax.bitcast_convert_type(xi << 16, jnp.float32)
        xb = lax.bitcast_convert_type(xi & jnp.uint32(0xffff0000),
                                      jnp.float32)
        z = (jnp.dot(xa, w_ref[0, :DPK, :], preferred_element_type=jnp.float32)
             + jnp.dot(xb, w_ref[0, DPK:, :],
                       preferred_element_type=jnp.float32))
        ht = jnp.tanh(z + b_ref[0])
        outs = jnp.sum(ht * hw_ref[0], axis=1)
        out_ref[...] = (outs * g_ref[0, 0, :])[None, None, :]


def _expert_dispatch(xg, tree_W, tree_b, head_W, gates, block_expert, nact,
                     nblk):
    def _act(i, be, na):
        return jnp.minimum(i, jnp.maximum(na[0] - 1, 0))

    grid_spec = pltpu.PrefetchScalarGridSpec(
        num_scalar_prefetch=2,
        grid=(nblk,),
        in_specs=[
            pl.BlockSpec((BLK, DPK), lambda i, be, na: (_act(i, be, na), 0)),
            pl.BlockSpec((1, D, H),
                         lambda i, be, na: (be[_act(i, be, na)], 0, 0)),
            pl.BlockSpec((1, 1, H),
                         lambda i, be, na: (be[_act(i, be, na)], 0, 0)),
            pl.BlockSpec((1, 1, H),
                         lambda i, be, na: (be[_act(i, be, na)], 0, 0)),
            pl.BlockSpec((1, 1, BLK),
                         lambda i, be, na: (_act(i, be, na), 0, 0)),
        ],
        out_specs=pl.BlockSpec((1, 1, BLK), lambda i, be, na: (i, 0, 0)),
    )
    return pl.pallas_call(
        _expert_body,
        grid_spec=grid_spec,
        out_shape=jax.ShapeDtypeStruct((nblk, 1, BLK), jnp.float32),
        compiler_params=pltpu.CompilerParams(
            dimension_semantics=("arbitrary",)),
    )(block_expert, nact, xg, tree_W, tree_b.reshape(T, 1, H),
      head_W.reshape(T, 1, H), gates.reshape(nblk, 1, BLK))



def kernel(x, router_W1, router_b1, router_W2, router_b2,
           tree_W, tree_b, head_W, head_b, top_k):
    topi, topw, xpk = _route(x, router_W1, router_b1, router_W2, router_b2)

    ef = topi.reshape(-1)
    order = jnp.argsort(ef, stable=True).astype(jnp.int32)
    es = ef[order]
    counts = jnp.zeros((T,), jnp.int32).at[ef].add(1)
    padded = ((counts + BLK - 1) // BLK) * BLK
    csum_p = jnp.cumsum(padded)
    gstart = csum_p - padded
    sstart = jnp.cumsum(counts) - counts
    pos = (gstart[es]
           + (jnp.arange(2 * N, dtype=jnp.int32) - sstart[es]))
    tok = (order // 2).astype(jnp.int32)
    ids_padded = jnp.zeros((NPAD,), jnp.int32).at[pos].set(tok)
    gates_padded = jnp.zeros((NPAD,), jnp.float32).at[pos].set(
        topw.reshape(-1)[order])
    dest = jnp.zeros((2 * N,), jnp.int32).at[order].set(pos).reshape(N, 2)

    total = csum_p[T - 1]
    nact = (total // BLK).astype(jnp.int32).reshape(1)
    blk_starts = jnp.arange(NBLK, dtype=jnp.int32) * BLK
    block_expert = jnp.minimum(
        jnp.searchsorted(csum_p, blk_starts, side="right").astype(jnp.int32),
        T - 1)

    gather = _make_sc_gather(NROWS_SPLIT)
    contribs = []
    for s in range(NSPLIT):
        xg_s = gather(xpk, lax.dynamic_slice_in_dim(
            ids_padded, s * NROWS_SPLIT, NROWS_SPLIT))
        nact_s = jnp.clip(nact - s * NBLK_SPLIT, 0, NBLK_SPLIT)
        be_s = lax.dynamic_slice_in_dim(block_expert, s * NBLK_SPLIT,
                                        NBLK_SPLIT)
        g_s = lax.dynamic_slice_in_dim(gates_padded, s * NROWS_SPLIT,
                                       NROWS_SPLIT)
        contribs.append(
            _expert_dispatch(xg_s, tree_W, tree_b, head_W, g_s, be_s,
                             nact_s, NBLK_SPLIT).reshape(NROWS_SPLIT))
    contrib = jnp.concatenate(contribs)

    y = (contrib[dest[:, 0]] + contrib[dest[:, 1]]
         + jnp.sum(topw * head_b[topi], axis=1))
    y = y[:, None] + jnp.zeros((N, 1), jnp.float32) * jnp.asarray(
        top_k, dtype=jnp.float32)
    return y

# --- scband reference (transcript-rebuilt; emitter-appended) ---
"""Pipeline reference for scband-forest-ecosystem-8263517077512 (READ-ONLY COPY).

The authoritative reference and input builder live on the scoring server;
editing this copy changes nothing except your own understanding.
"""

import jax, jax.numpy as jnp
import numpy as np

N = 8192      # tokens (batch 2 x seq 4096)
D = 1024      # input_dim / d_model
H = 1024      # tree hidden_dim
T = 16        # max_trees (num experts)
RH = 32       # router hidden


def setup_inputs(seed: int = 0) -> dict:
    key = jax.random.key(seed)
    ks = jax.random.split(key, 10)
    x = jax.random.normal(ks[0], (N, D), dtype=jnp.float32)
    router_W1 = jax.random.normal(ks[1], (D, RH), dtype=jnp.float32) / np.sqrt(D)
    router_b1 = jnp.zeros((RH,), dtype=jnp.float32)
    router_W2 = jax.random.normal(ks[2], (RH, T), dtype=jnp.float32) / np.sqrt(RH)
    router_b2 = jnp.zeros((T,), dtype=jnp.float32)
    tree_W = jax.random.normal(ks[3], (T, D, H), dtype=jnp.float32) / np.sqrt(D)
    tree_b = jnp.zeros((T, H), dtype=jnp.float32)
    head_W = jax.random.normal(ks[4], (T, H), dtype=jnp.float32) / np.sqrt(H)
    head_b = jnp.zeros((T,), dtype=jnp.float32)
    return {
        'x': x,
        'router_W1': router_W1, 'router_b1': router_b1,
        'router_W2': router_W2, 'router_b2': router_b2,
        'tree_W': tree_W, 'tree_b': tree_b,
        'head_W': head_W, 'head_b': head_b,
        'top_k': 2,
    }


def _topk_softmax(scores, k):
    # scores: [N, T]. top-k softmax weights scattered back into dense [N, T].
    topv, topi = jax.lax.top_k(scores, k)
    w = jax.nn.softmax(topv, axis=1)
    n = scores.shape[0]
    weights = jnp.zeros_like(scores).at[jnp.arange(n)[:, None], topi].set(w)
    return weights


def reference(x, router_W1, router_b1, router_W2, router_b2,
              tree_W, tree_b, head_W, head_b, top_k):
    # GatingRouter: Linear -> tanh -> Linear, take first T columns (T trees alive)
    hr = jnp.tanh(x @ router_W1 + router_b1)
    scores = hr @ router_W2 + router_b2            # [N, T]
    k = min(2, scores.shape[1])
    weights = _topk_softmax(scores, k)             # [N, T]
    # TreeExpert (default arch): 1 layer Linear(D,H) -> tanh, head Linear(H,1)
    ht = jnp.tanh(jnp.einsum('nd,tdh->nth', x, tree_W) + tree_b[None, :, :])  # [N,T,H]
    outs = jnp.einsum('nth,th->nt', ht, head_W) + head_b[None, :]             # [N,T]
    # weighted mixture: (out_stack * weights.unsqueeze(-1)).sum(dim=1)
    y = jnp.sum(outs * weights, axis=1, keepdims=True)                        # [N,1]
    y = y + jnp.zeros_like(y) * jnp.asarray(top_k, dtype=y.dtype)
    return y

if __name__ == "__main__":
    import jax
    _d = setup_inputs()
    print(jax.jit(kernel)(*tuple(_d.values())))

</pallas_src>

<mosaic_0001>
#map = affine_map<(d0, d1) -> (0, 0)>
#map1 = affine_map<(d0, d1) -> (0)>
module attributes {stable_mosaic.version = 14 : i64} {
  func.func @gather_k(%arg0: i32, %arg1: i32, %arg2: memref<8192x512xi32, #tpu.memory_space<hbm>>, %arg3: memref<10240xi32, #tpu.memory_space<hbm>>, %arg4: memref<10240x512xi32, #tpu.memory_space<hbm>>, %arg5: memref<320xi32, #tpu.memory_space<vmem>>, %arg6: memref<80x512xi32, #tpu.memory_space<vmem>>, %arg7: memref<80x512xi32, #tpu.memory_space<vmem>>, %arg8: memref<!tpu.dma_semaphore, #tpu.memory_space<semaphore_mem>>, %arg9: memref<!tpu.dma_semaphore, #tpu.memory_space<semaphore_mem>>, %arg10: memref<!tpu.dma_semaphore, #tpu.memory_space<semaphore_mem>>, %arg11: memref<!tpu.dma_semaphore, #tpu.memory_space<semaphore_mem>>) attributes {dimension_semantics = [#tpu.dimension_semantics<core_parallel>, #tpu.dimension_semantics<subcore_parallel>], iteration_bounds = array<i64: 2, 16>, scalar_prefetch = 0 : i64, scratch_operands = 7 : i64, tpu.core_type = #tpu.core_type<sc_vector_subcore>, window_params = [{transform_indices = #map}, {transform_indices = #map1}, {transform_indices = #map}]} {
    %mul3A = arith.constant 2 : i32
    %mul3A_0 = arith.muli %arg1, %mul3A : i32
    %add3A = arith.addi %mul3A_0, %arg0 : i32
    %mul3A_1 = arith.constant 320 : i32
    %mul3A_2 = arith.muli %add3A, %mul3A_1 : i32
    "tpu.region"() ({
      %run_scoped3A = tpu.sem_alloc : memref<!tpu.dma_semaphore, #tpu.memory_space<semaphore_mem>>
      %dma_start3A_81 = tpu.memref_slice %arg3[%mul3A_2] : memref<10240xi32, #tpu.memory_space<hbm>> -> memref<320xi32, #tpu.memory_space<hbm>>
      %dma_start3A_82 = tpu.memref_slice %arg3[%mul3A_2] : memref<10240xi32, #tpu.memory_space<hbm>> -> memref<320xi32, #tpu.memory_space<hbm>>
      tpu.enqueue_dma source(%dma_start3A_82 : memref<320xi32, #tpu.memory_space<hbm>>) target(%arg5 : memref<320xi32, #tpu.memory_space<vmem>>) target_semaphore(%run_scoped3A : memref<!tpu.dma_semaphore, #tpu.memory_space<semaphore_mem>>)
      %dma_wait3A_83 = tpu.memref_slice %arg3[%mul3A_2] : memref<10240xi32, #tpu.memory_space<hbm>> -> memref<320xi32, #tpu.memory_space<hbm>>
      %dma_wait3A_84 = tpu.memref_slice %arg3[%mul3A_2] : memref<10240xi32, #tpu.memory_space<hbm>> -> memref<320xi32, #tpu.memory_space<hbm>>
      tpu.wait_dma2 semaphore(%run_scoped3A : memref<!tpu.dma_semaphore, #tpu.memory_space<semaphore_mem>>) src(%dma_wait3A_84 : memref<320xi32, #tpu.memory_space<hbm>>) dst(%arg5 : memref<320xi32, #tpu.memory_space<vmem>>)
      tpu.yield
    }) : () -> ()
    %dma_start3A = arith.constant 0 : i32
    %dma_start3A_3 = tpu.memref_slice %arg5[%dma_start3A] : memref<320xi32, #tpu.memory_space<vmem>> -> memref<80xi32, #tpu.memory_space<vmem>>
    %dma_start3A_4 = arith.constant 0 : i32
    %dma_start3A_5 = arith.constant 0 : i32
    %dma_start3A_6 = tpu.memref_slice %arg2[%dma_start3A_4, %dma_start3A_5] : memref<8192x512xi32, #tpu.memory_space<hbm>> -> memref<8192x512xi32, #tpu.memory_space<hbm>>
    tpu.enqueue_indirect_dma source(%dma_start3A_6 : memref<8192x512xi32, #tpu.memory_space<hbm>>) target(%arg6 : memref<80x512xi32, #tpu.memory_space<vmem>>) offsets(%dma_start3A_3 : memref<80xi32, #tpu.memory_space<vmem>>) semaphore(%arg8 : memref<!tpu.dma_semaphore, #tpu.memory_space<semaphore_mem>>)
    %dma_start3A_7 = arith.constant 80 : i32
    %dma_start3A_8 = tpu.memref_slice %arg5[%dma_start3A_7] : memref<320xi32, #tpu.memory_space<vmem>> -> memref<80xi32, #tpu.memory_space<vmem>>
    %dma_start3A_9 = arith.constant 0 : i32
    %dma_start3A_10 = arith.constant 0 : i32
    %dma_start3A_11 = tpu.memref_slice %arg2[%dma_start3A_9, %dma_start3A_10] : memref<8192x512xi32, #tpu.memory_space<hbm>> -> memref<8192x512xi32, #tpu.memory_space<hbm>>
    tpu.enqueue_indirect_dma source(%dma_start3A_11 : memref<8192x512xi32, #tpu.memory_space<hbm>>) target(%arg7 : memref<80x512xi32, #tpu.memory_space<vmem>>) offsets(%dma_start3A_8 : memref<80xi32, #tpu.memory_space<vmem>>) semaphore(%arg9 : memref<!tpu.dma_semaphore, #tpu.memory_space<semaphore_mem>>)
    %dma_wait3A = arith.constant 0 : i32
    %dma_wait3A_12 = tpu.memref_slice %arg5[%dma_wait3A] : memref<320xi32, #tpu.memory_space<vmem>> -> memref<80xi32, #tpu.memory_space<vmem>>
    %dma_wait3A_13 = arith.constant 0 : i32
    %dma_wait3A_14 = arith.constant 0 : i32
    %dma_wait3A_15 = tpu.memref_slice %arg2[%dma_wait3A_13, %dma_wait3A_14] : memref<8192x512xi32, #tpu.memory_space<hbm>> -> memref<8192x512xi32, #tpu.memory_space<hbm>>
    tpu.wait_indirect_dma semaphore(%arg8 : memref<!tpu.dma_semaphore, #tpu.memory_space<semaphore_mem>>) src(%dma_wait3A_15 : memref<8192x512xi32, #tpu.memory_space<hbm>>) dst(%arg6 : memref<80x512xi32, #tpu.memory_space<vmem>>)
    %add3A_16 = arith.constant 0 : i32
    %add3A_17 = arith.addi %mul3A_2, %add3A_16 : i32
    %dma_start3A_18 = arith.constant 0 : i32
    %dma_start3A_19 = tpu.memref_slice %arg4[%add3A_17, %dma_start3A_18] : memref<10240x512xi32, #tpu.memory_space<hbm>> -> memref<80x512xi32, #tpu.memory_space<hbm>>
    %dma_start3A_20 = arith.constant 0 : i32
    %dma_start3A_21 = tpu.memref_slice %arg4[%add3A_17, %dma_start3A_20] : memref<10240x512xi32, #tpu.memory_space<hbm>> -> memref<80x512xi32, #tpu.memory_space<hbm>>
    tpu.enqueue_dma source(%arg6 : memref<80x512xi32, #tpu.memory_space<vmem>>) target(%dma_start3A_21 : memref<80x512xi32, #tpu.memory_space<hbm>>) target_semaphore(%arg10 : memref<!tpu.dma_semaphore, #tpu.memory_space<semaphore_mem>>)
    %dma_wait3A_22 = arith.constant 0 : i32
    %dma_wait3A_23 = tpu.memref_slice %arg4[%add3A_17, %dma_wait3A_22] : memref<10240x512xi32, #tpu.memory_space<hbm>> -> memref<80x512xi32, #tpu.memory_space<hbm>>
    %dma_wait3A_24 = arith.constant 0 : i32
    %dma_wait3A_25 = tpu.memref_slice %arg4[%add3A_17, %dma_wait3A_24] : memref<10240x512xi32, #tpu.memory_space<hbm>> -> memref<80x512xi32, #tpu.memory_space<hbm>>
    tpu.wait_dma2 semaphore(%arg10 : memref<!tpu.dma_semaphore, #tpu.memory_space<semaphore_mem>>) src(%arg6 : memref<80x512xi32, #tpu.memory_space<vmem>>) dst(%dma_wait3A_25 : memref<80x512xi32, #tpu.memory_space<hbm>>)
    %dma_start3A_26 = arith.constant 160 : i32
    %dma_start3A_27 = tpu.memref_slice %arg5[%dma_start3A_26] : memref<320xi32, #tpu.memory_space<vmem>> -> memref<80xi32, #tpu.memory_space<vmem>>
    %dma_start3A_28 = arith.constant 0 : i32
    %dma_start3A_29 = arith.constant 0 : i32
    %dma_start3A_30 = tpu.memref_slice %arg2[%dma_start3A_28, %dma_start3A_29] : memref<8192x512xi32, #tpu.memory_space<hbm>> -> memref<8192x512xi32, #tpu.memory_space<hbm>>
    tpu.enqueue_indirect_dma source(%dma_start3A_30 : memref<8192x512xi32, #tpu.memory_space<hbm>>) target(%arg6 : memref<80x512xi32, #tpu.memory_space<vmem>>) offsets(%dma_start3A_27 : memref<80xi32, #tpu.memory_space<vmem>>) semaphore(%arg8 : memref<!tpu.dma_semaphore, #tpu.memory_space<semaphore_mem>>)
    %dma_wait3A_31 = arith.constant 80 : i32
    %dma_wait3A_32 = tpu.memref_slice %arg5[%dma_wait3A_31] : memref<320xi32, #tpu.memory_space<vmem>> -> memref<80xi32, #tpu.memory_space<vmem>>
    %dma_wait3A_33 = arith.constant 0 : i32
    %dma_wait3A_34 = arith.constant 0 : i32
    %dma_wait3A_35 = tpu.memref_slice %arg2[%dma_wait3A_33, %dma_wait3A_34] : memref<8192x512xi32, #tpu.memory_space<hbm>> -> memref<8192x512xi32, #tpu.memory_space<hbm>>
    tpu.wait_indirect_dma semaphore(%arg9 : memref<!tpu.dma_semaphore, #tpu.memory_space<semaphore_mem>>) src(%dma_wait3A_35 : memref<8192x512xi32, #tpu.memory_space<hbm>>) dst(%arg7 : memref<80x512xi32, #tpu.memory_space<vmem>>)
    %add3A_36 = arith.constant 80 : i32
    %add3A_37 = arith.addi %mul3A_2, %add3A_36 : i32
    %dma_start3A_38 = arith.constant 0 : i32
    %dma_start3A_39 = tpu.memref_slice %arg4[%add3A_37, %dma_start3A_38] : memref<10240x512xi32, #tpu.memory_space<hbm>> -> memref<80x512xi32, #tpu.memory_space<hbm>>
    %dma_start3A_40 = arith.constant 0 : i32
    %dma_start3A_41 = tpu.memref_slice %arg4[%add3A_37, %dma_start3A_40] : memref<10240x512xi32, #tpu.memory_space<hbm>> -> memref<80x512xi32, #tpu.memory_space<hbm>>
    tpu.enqueue_dma source(%arg7 : memref<80x512xi32, #tpu.memory_space<vmem>>) target(%dma_start3A_41 : memref<80x512xi32, #tpu.memory_space<hbm>>) target_semaphore(%arg11 : memref<!tpu.dma_semaphore, #tpu.memory_space<semaphore_mem>>)
    %dma_wait3A_42 = arith.constant 0 : i32
    %dma_wait3A_43 = tpu.memref_slice %arg4[%add3A_37, %dma_wait3A_42] : memref<10240x512xi32, #tpu.memory_space<hbm>> -> memref<80x512xi32, #tpu.memory_space<hbm>>
    %dma_wait3A_44 = arith.constant 0 : i32
    %dma_wait3A_45 = tpu.memref_slice %arg4[%add3A_37, %dma_wait3A_44] : memref<10240x512xi32, #tpu.memory_space<hbm>> -> memref<80x512xi32, #tpu.memory_space<hbm>>
    tpu.wait_dma2 semaphore(%arg11 : memref<!tpu.dma_semaphore, #tpu.memory_space<semaphore_mem>>) src(%arg7 : memref<80x512xi32, #tpu.memory_space<vmem>>) dst(%dma_wait3A_45 : memref<80x512xi32, #tpu.memory_space<hbm>>)
    %dma_start3A_46 = arith.constant 240 : i32
    %dma_start3A_47 = tpu.memref_slice %arg5[%dma_start3A_46] : memref<320xi32, #tpu.memory_space<vmem>> -> memref<80xi32, #tpu.memory_space<vmem>>
    %dma_start3A_48 = arith.constant 0 : i32
    %dma_start3A_49 = arith.constant 0 : i32
    %dma_start3A_50 = tpu.memref_slice %arg2[%dma_start3A_48, %dma_start3A_49] : memref<8192x512xi32, #tpu.memory_space<hbm>> -> memref<8192x512xi32, #tpu.memory_space<hbm>>
    tpu.enqueue_indirect_dma source(%dma_start3A_50 : memref<8192x512xi32, #tpu.memory_space<hbm>>) target(%arg7 : memref<80x512xi32, #tpu.memory_space<vmem>>) offsets(%dma_start3A_47 : memref<80xi32, #tpu.memory_space<vmem>>) semaphore(%arg9 : memref<!tpu.dma_semaphore, #tpu.memory_space<semaphore_mem>>)
    %dma_wait3A_51 = arith.constant 160 : i32
    %dma_wait3A_52 = tpu.memref_slice %arg5[%dma_wait3A_51] : memref<320xi32, #tpu.memory_space<vmem>> -> memref<80xi32, #tpu.memory_space<vmem>>
    %dma_wait3A_53 = arith.constant 0 : i32
    %dma_wait3A_54 = arith.constant 0 : i32
    %dma_wait3A_55 = tpu.memref_slice %arg2[%dma_wait3A_53, %dma_wait3A_54] : memref<8192x512xi32, #tpu.memory_space<hbm>> -> memref<8192x512xi32, #tpu.memory_space<hbm>>
    tpu.wait_indirect_dma semaphore(%arg8 : memref<!tpu.dma_semaphore, #tpu.memory_space<semaphore_mem>>) src(%dma_wait3A_55 : memref<8192x512xi32, #tpu.memory_space<hbm>>) dst(%arg6 : memref<80x512xi32, #tpu.memory_space<vmem>>)
    %add3A_56 = arith.constant 160 : i32
    %add3A_57 = arith.addi %mul3A_2, %add3A_56 : i32
    %dma_start3A_58 = arith.constant 0 : i32
    %dma_start3A_59 = tpu.memref_slice %arg4[%add3A_57, %dma_start3A_58] : memref<10240x512xi32, #tpu.memory_space<hbm>> -> memref<80x512xi32, #tpu.memory_space<hbm>>
    %dma_start3A_60 = arith.constant 0 : i32
    %dma_start3A_61 = tpu.memref_slice %arg4[%add3A_57, %dma_start3A_60] : memref<10240x512xi32, #tpu.memory_space<hbm>> -> memref<80x512xi32, #tpu.memory_space<hbm>>
    tpu.enqueue_dma source(%arg6 : memref<80x512xi32, #tpu.memory_space<vmem>>) target(%dma_start3A_61 : memref<80x512xi32, #tpu.memory_space<hbm>>) target_semaphore(%arg10 : memref<!tpu.dma_semaphore, #tpu.memory_space<semaphore_mem>>)
    %dma_wait3A_62 = arith.constant 240 : i32
    %dma_wait3A_63 = tpu.memref_slice %arg5[%dma_wait3A_62] : memref<320xi32, #tpu.memory_space<vmem>> -> memref<80xi32, #tpu.memory_space<vmem>>
    %dma_wait3A_64 = arith.constant 0 : i32
    %dma_wait3A_65 = arith.constant 0 : i32
    %dma_wait3A_66 = tpu.memref_slice %arg2[%dma_wait3A_64, %dma_wait3A_65] : memref<8192x512xi32, #tpu.memory_space<hbm>> -> memref<8192x512xi32, #tpu.memory_space<hbm>>
    tpu.wait_indirect_dma semaphore(%arg9 : memref<!tpu.dma_semaphore, #tpu.memory_space<semaphore_mem>>) src(%dma_wait3A_66 : memref<8192x512xi32, #tpu.memory_space<hbm>>) dst(%arg7 : memref<80x512xi32, #tpu.memory_space<vmem>>)
    %add3A_67 = arith.constant 240 : i32
    %add3A_68 = arith.addi %mul3A_2, %add3A_67 : i32
    %dma_start3A_69 = arith.constant 0 : i32
    %dma_start3A_70 = tpu.memref_slice %arg4[%add3A_68, %dma_start3A_69] : memref<10240x512xi32, #tpu.memory_space<hbm>> -> memref<80x512xi32, #tpu.memory_space<hbm>>
    %dma_start3A_71 = arith.constant 0 : i32
    %dma_start3A_72 = tpu.memref_slice %arg4[%add3A_68, %dma_start3A_71] : memref<10240x512xi32, #tpu.memory_space<hbm>> -> memref<80x512xi32, #tpu.memory_space<hbm>>
    tpu.enqueue_dma source(%arg7 : memref<80x512xi32, #tpu.memory_space<vmem>>) target(%dma_start3A_72 : memref<80x512xi32, #tpu.memory_space<hbm>>) target_semaphore(%arg11 : memref<!tpu.dma_semaphore, #tpu.memory_space<semaphore_mem>>)
    %dma_wait3A_73 = arith.constant 0 : i32
    %dma_wait3A_74 = tpu.memref_slice %arg4[%add3A_57, %dma_wait3A_73] : memref<10240x512xi32, #tpu.memory_space<hbm>> -> memref<80x512xi32, #tpu.memory_space<hbm>>
    %dma_wait3A_75 = arith.constant 0 : i32
    %dma_wait3A_76 = tpu.memref_slice %arg4[%add3A_57, %dma_wait3A_75] : memref<10240x512xi32, #tpu.memory_space<hbm>> -> memref<80x512xi32, #tpu.memory_space<hbm>>
    tpu.wait_dma2 semaphore(%arg10 : memref<!tpu.dma_semaphore, #tpu.memory_space<semaphore_mem>>) src(%arg6 : memref<80x512xi32, #tpu.memory_space<vmem>>) dst(%dma_wait3A_76 : memref<80x512xi32, #tpu.memory_space<hbm>>)
    %dma_wait3A_77 = arith.constant 0 : i32
    %dma_wait3A_78 = tpu.memref_slice %arg4[%add3A_68, %dma_wait3A_77] : memref<10240x512xi32, #tpu.memory_space<hbm>> -> memref<80x512xi32, #tpu.memory_space<hbm>>
    %dma_wait3A_79 = arith.constant 0 : i32
    %dma_wait3A_80 = tpu.memref_slice %arg4[%add3A_68, %dma_wait3A_79] : memref<10240x512xi32, #tpu.memory_space<hbm>> -> memref<80x512xi32, #tpu.memory_space<hbm>>
    tpu.wait_dma2 semaphore(%arg11 : memref<!tpu.dma_semaphore, #tpu.memory_space<semaphore_mem>>) src(%arg7 : memref<80x512xi32, #tpu.memory_space<vmem>>) dst(%dma_wait3A_80 : memref<80x512xi32, #tpu.memory_space<hbm>>)
    return
  }
}

#map = affine_map<(d0, d1) -> (0, 0)>
#map1 = affine_map<(d0, d1) -> (0)>
module attributes {stable_mosaic.version = 14 : i64} {
  func.func @gather_k(%arg0: i32, %arg1: i32, %arg2: memref<8192x512xi32, #tpu.memory_space<hbm>>, %arg3: memref<10240xi32, #tpu.memory_space<hbm>>, %arg4: memref<10240x512xi32, #tpu.memory_space<hbm>>, %arg5: memref<320xi32, #tpu.memory_space<vmem>>, %arg6: memref<80x512xi32, #tpu.memory_space<vmem>>, %arg7: memref<80x512xi32, #tpu.memory_space<vmem>>, %arg8: memref<!tpu.dma_semaphore, #tpu.memory_space<semaphore_mem>>, %arg9: memref<!tpu.dma_semaphore, #tpu.memory_space<semaphore_mem>>, %arg10: memref<!tpu.dma_semaphore, #tpu.memory_space<semaphore_mem>>, %arg11: memref<!tpu.dma_semaphore, #tpu.memory_space<semaphore_mem>>) attributes {dimension_semantics = [#tpu.dimension_semantics<core_parallel>, #tpu.dimension_semantics<subcore_parallel>], iteration_bounds = array<i64: 2, 16>, scalar_prefetch = 0 : i64, scratch_operands = 7 : i64, tpu.core_type = #tpu.core_type<sc_vector_subcore>, window_params = [{transform_indices = #map}, {transform_indices = #map1}, {transform_indices = #map}]} {
    %mul3A = arith.constant 2 : i32
    %mul3A_0 = arith.muli %arg1, %mul3A : i32
    %add3A = arith.addi %mul3A_0, %arg0 : i32
    %mul3A_1 = arith.constant 320 : i32
    %mul3A_2 = arith.muli %add3A, %mul3A_1 : i32
    "tpu.region"() ({
      %run_scoped3A = tpu.sem_alloc : memref<!tpu.dma_semaphore, #tpu.memory_space<semaphore_mem>>
      %dma_start3A_81 = tpu.memref_slice %arg3[%mul3A_2] : memref<10240xi32, #tpu.memory_space<hbm>> -> memref<320xi32, #tpu.memory_space<hbm>>
      %dma_start3A_82 = tpu.memref_slice %arg3[%mul3A_2] : memref<10240xi32, #tpu.memory_space<hbm>> -> memref<320xi32, #tpu.memory_space<hbm>>
      tpu.enqueue_dma source(%dma_start3A_82 : memref<320xi32, #tpu.memory_space<hbm>>) target(%arg5 : memref<320xi32, #tpu.memory_space<vmem>>) target_semaphore(%run_scoped3A : memref<!tpu.dma_semaphore, #tpu.memory_space<semaphore_mem>>)
      %dma_wait3A_83 = tpu.memref_slice %arg3[%mul3A_2] : memref<10240xi32, #tpu.memory_space<hbm>> -> memref<320xi32, #tpu.memory_space<hbm>>
      %dma_wait3A_84 = tpu.memref_slice %arg3[%mul3A_2] : memref<10240xi32, #tpu.memory_space<hbm>> -> memref<320xi32, #tpu.memory_space<hbm>>
      tpu.wait_dma2 semaphore(%run_scoped3A : memref<!tpu.dma_semaphore, #tpu.memory_space<semaphore_mem>>) src(%dma_wait3A_84 : memref<320xi32, #tpu.memory_space<hbm>>) dst(%arg5 : memref<320xi32, #tpu.memory_space<vmem>>)
      tpu.yield
    }) : () -> ()
    %dma_start3A = arith.constant 0 : i32
    %dma_start3A_3 = tpu.memref_slice %arg5[%dma_start3A] : memref<320xi32, #tpu.memory_space<vmem>> -> memref<80xi32, #tpu.memory_space<vmem>>
    %dma_start3A_4 = arith.constant 0 : i32
    %dma_start3A_5 = arith.constant 0 : i32
    %dma_start3A_6 = tpu.memref_slice %arg2[%dma_start3A_4, %dma_start3A_5] : memref<8192x512xi32, #tpu.memory_space<hbm>> -> memref<8192x512xi32, #tpu.memory_space<hbm>>
    tpu.enqueue_indirect_dma source(%dma_start3A_6 : memref<8192x512xi32, #tpu.memory_space<hbm>>) target(%arg6 : memref<80x512xi32, #tpu.memory_space<vmem>>) offsets(%dma_start3A_3 : memref<80xi32, #tpu.memory_space<vmem>>) semaphore(%arg8 : memref<!tpu.dma_semaphore, #tpu.memory_space<semaphore_mem>>)
    %dma_start3A_7 = arith.constant 80 : i32
    %dma_start3A_8 = tpu.memref_slice %arg5[%dma_start3A_7] : memref<320xi32, #tpu.memory_space<vmem>> -> memref<80xi32, #tpu.memory_space<vmem>>
    %dma_start3A_9 = arith.constant 0 : i32
    %dma_start3A_10 = arith.constant 0 : i32
    %dma_start3A_11 = tpu.memref_slice %arg2[%dma_start3A_9, %dma_start3A_10] : memref<8192x512xi32, #tpu.memory_space<hbm>> -> memref<8192x512xi32, #tpu.memory_space<hbm>>
    tpu.enqueue_indirect_dma source(%dma_start3A_11 : memref<8192x512xi32, #tpu.memory_space<hbm>>) target(%arg7 : memref<80x512xi32, #tpu.memory_space<vmem>>) offsets(%dma_start3A_8 : memref<80xi32, #tpu.memory_space<vmem>>) semaphore(%arg9 : memref<!tpu.dma_semaphore, #tpu.memory_space<semaphore_mem>>)
    %dma_wait3A = arith.constant 0 : i32
    %dma_wait3A_12 = tpu.memref_slice %arg5[%dma_wait3A] : memref<320xi32, #tpu.memory_space<vmem>> -> memref<80xi32, #tpu.memory_space<vmem>>
    %dma_wait3A_13 = arith.constant 0 : i32
    %dma_wait3A_14 = arith.constant 0 : i32
    %dma_wait3A_15 = tpu.memref_slice %arg2[%dma_wait3A_13, %dma_wait3A_14] : memref<8192x512xi32, #tpu.memory_space<hbm>> -> memref<8192x512xi32, #tpu.memory_space<hbm>>
    tpu.wait_indirect_dma semaphore(%arg8 : memref<!tpu.dma_semaphore, #tpu.memory_space<semaphore_mem>>) src(%dma_wait3A_15 : memref<8192x512xi32, #tpu.memory_space<hbm>>) dst(%arg6 : memref<80x512xi32, #tpu.memory_space<vmem>>)
    %add3A_16 = arith.constant 0 : i32
    %add3A_17 = arith.addi %mul3A_2, %add3A_16 : i32
    %dma_start3A_18 = arith.constant 0 : i32
    %dma_start3A_19 = tpu.memref_slice %arg4[%add3A_17, %dma_start3A_18] : memref<10240x512xi32, #tpu.memory_space<hbm>> -> memref<80x512xi32, #tpu.memory_space<hbm>>
    %dma_start3A_20 = arith.constant 0 : i32
    %dma_start3A_21 = tpu.memref_slice %arg4[%add3A_17, %dma_start3A_20] : memref<10240x512xi32, #tpu.memory_space<hbm>> -> memref<80x512xi32, #tpu.memory_space<hbm>>
    tpu.enqueue_dma source(%arg6 : memref<80x512xi32, #tpu.memory_space<vmem>>) target(%dma_start3A_21 : memref<80x512xi32, #tpu.memory_space<hbm>>) target_semaphore(%arg10 : memref<!tpu.dma_semaphore, #tpu.memory_space<semaphore_mem>>)
    %dma_wait3A_22 = arith.constant 0 : i32
    %dma_wait3A_23 = tpu.memref_slice %arg4[%add3A_17, %dma_wait3A_22] : memref<10240x512xi32, #tpu.memory_space<hbm>> -> memref<80x512xi32, #tpu.memory_space<hbm>>
    %dma_wait3A_24 = arith.constant 0 : i32
    %dma_wait3A_25 = tpu.memref_slice %arg4[%add3A_17, %dma_wait3A_24] : memref<10240x512xi32, #tpu.memory_space<hbm>> -> memref<80x512xi32, #tpu.memory_space<hbm>>
    tpu.wait_dma2 semaphore(%arg10 : memref<!tpu.dma_semaphore, #tpu.memory_space<semaphore_mem>>) src(%arg6 : memref<80x512xi32, #tpu.memory_space<vmem>>) dst(%dma_wait3A_25 : memref<80x512xi32, #tpu.memory_space<hbm>>)
    %dma_start3A_26 = arith.constant 160 : i32
    %dma_start3A_27 = tpu.memref_slice %arg5[%dma_start3A_26] : memref<320xi32, #tpu.memory_space<vmem>> -> memref<80xi32, #tpu.memory_space<vmem>>
    %dma_start3A_28 = arith.constant 0 : i32
    %dma_start3A_29 = arith.constant 0 : i32
    %dma_start3A_30 = tpu.memref_slice %arg2[%dma_start3A_28, %dma_start3A_29] : memref<8192x512xi32, #tpu.memory_space<hbm>> -> memref<8192x512xi32, #tpu.memory_space<hbm>>
    tpu.enqueue_indirect_dma source(%dma_start3A_30 : memref<8192x512xi32, #tpu.memory_space<hbm>>) target(%arg6 : memref<80x512xi32, #tpu.memory_space<vmem>>) offsets(%dma_start3A_27 : memref<80xi32, #tpu.memory_space<vmem>>) semaphore(%arg8 : memref<!tpu.dma_semaphore, #tpu.memory_space<semaphore_mem>>)
    %dma_wait3A_31 = arith.constant 80 : i32
    %dma_wait3A_32 = tpu.memref_slice %arg5[%dma_wait3A_31] : memref<320xi32, #tpu.memory_space<vmem>> -> memref<80xi32, #tpu.memory_space<vmem>>
    %dma_wait3A_33 = arith.constant 0 : i32
    %dma_wait3A_34 = arith.constant 0 : i32
    %dma_wait3A_35 = tpu.memref_slice %arg2[%dma_wait3A_33, %dma_wait3A_34] : memref<8192x512xi32, #tpu.memory_space<hbm>> -> memref<8192x512xi32, #tpu.memory_space<hbm>>
    tpu.wait_indirect_dma semaphore(%arg9 : memref<!tpu.dma_semaphore, #tpu.memory_space<semaphore_mem>>) src(%dma_wait3A_35 : memref<8192x512xi32, #tpu.memory_space<hbm>>) dst(%arg7 : memref<80x512xi32, #tpu.memory_space<vmem>>)
    %add3A_36 = arith.constant 80 : i32
    %add3A_37 = arith.addi %mul3A_2, %add3A_36 : i32
    %dma_start3A_38 = arith.constant 0 : i32
    %dma_start3A_39 = tpu.memref_slice %arg4[%add3A_37, %dma_start3A_38] : memref<10240x512xi32, #tpu.memory_space<hbm>> -> memref<80x512xi32, #tpu.memory_space<hbm>>
    %dma_start3A_40 = arith.constant 0 : i32
    %dma_start3A_41 = tpu.memref_slice %arg4[%add3A_37, %dma_start3A_40] : memref<10240x512xi32, #tpu.memory_space<hbm>> -> memref<80x512xi32, #tpu.memory_space<hbm>>
    tpu.enqueue_dma source(%arg7 : memref<80x512xi32, #tpu.memory_space<vmem>>) target(%dma_start3A_41 : memref<80x512xi32, #tpu.memory_space<hbm>>) target_semaphore(%arg11 : memref<!tpu.dma_semaphore, #tpu.memory_space<semaphore_mem>>)
    %dma_wait3A_42 = arith.constant 0 : i32
    %dma_wait3A_43 = tpu.memref_slice %arg4[%add3A_37, %dma_wait3A_42] : memref<10240x512xi32, #tpu.memory_space<hbm>> -> memref<80x512xi32, #tpu.memory_space<hbm>>
    %dma_wait3A_44 = arith.constant 0 : i32
    %dma_wait3A_45 = tpu.memref_slice %arg4[%add3A_37, %dma_wait3A_44] : memref<10240x512xi32, #tpu.memory_space<hbm>> -> memref<80x512xi32, #tpu.memory_space<hbm>>
    tpu.wait_dma2 semaphore(%arg11 : memref<!tpu.dma_semaphore, #tpu.memory_space<semaphore_mem>>) src(%arg7 : memref<80x512xi32, #tpu.memory_space<vmem>>) dst(%dma_wait3A_45 : memref<80x512xi32, #tpu.memory_space<hbm>>)
    %dma_start3A_46 = arith.constant 240 : i32
    %dma_start3A_47 = tpu.memref_slice %arg5[%dma_start3A_46] : memref<320xi32, #tpu.memory_space<vmem>> -> memref<80xi32, #tpu.memory_space<vmem>>
    %dma_start3A_48 = arith.constant 0 : i32
    %dma_start3A_49 = arith.constant 0 : i32
    %dma_start3A_50 = tpu.memref_slice %arg2[%dma_start3A_48, %dma_start3A_49] : memref<8192x512xi32, #tpu.memory_space<hbm>> -> memref<8192x512xi32, #tpu.memory_space<hbm>>
    tpu.enqueue_indirect_dma source(%dma_start3A_50 : memref<8192x512xi32, #tpu.memory_space<hbm>>) target(%arg7 : memref<80x512xi32, #tpu.memory_space<vmem>>) offsets(%dma_start3A_47 : memref<80xi32, #tpu.memory_space<vmem>>) semaphore(%arg9 : memref<!tpu.dma_semaphore, #tpu.memory_space<semaphore_mem>>)
    %dma_wait3A_51 = arith.constant 160 : i32
    %dma_wait3A_52 = tpu.memref_slice %arg5[%dma_wait3A_51] : memref<320xi32, #tpu.memory_space<vmem>> -> memref<80xi32, #tpu.memory_space<vmem>>
    %dma_wait3A_53 = arith.constant 0 : i32
    %dma_wait3A_54 = arith.constant 0 : i32
    %dma_wait3A_55 = tpu.memref_slice %arg2[%dma_wait3A_53, %dma_wait3A_54] : memref<8192x512xi32, #tpu.memory_space<hbm>> -> memref<8192x512xi32, #tpu.memory_space<hbm>>
    tpu.wait_indirect_dma semaphore(%arg8 : memref<!tpu.dma_semaphore, #tpu.memory_space<semaphore_mem>>) src(%dma_wait3A_55 : memref<8192x512xi32, #tpu.memory_space<hbm>>) dst(%arg6 : memref<80x512xi32, #tpu.memory_space<vmem>>)
    %add3A_56 = arith.constant 160 : i32
    %add3A_57 = arith.addi %mul3A_2, %add3A_56 : i32
    %dma_start3A_58 = arith.constant 0 : i32
    %dma_start3A_59 = tpu.memref_slice %arg4[%add3A_57, %dma_start3A_58] : memref<10240x512xi32, #tpu.memory_space<hbm>> -> memref<80x512xi32, #tpu.memory_space<hbm>>
    %dma_start3A_60 = arith.constant 0 : i32
    %dma_start3A_61 = tpu.memref_slice %arg4[%add3A_57, %dma_start3A_60] : memref<10240x512xi32, #tpu.memory_space<hbm>> -> memref<80x512xi32, #tpu.memory_space<hbm>>
    tpu.enqueue_dma source(%arg6 : memref<80x512xi32, #tpu.memory_space<vmem>>) target(%dma_start3A_61 : memref<80x512xi32, #tpu.memory_space<hbm>>) target_semaphore(%arg10 : memref<!tpu.dma_semaphore, #tpu.memory_space<semaphore_mem>>)
    %dma_wait3A_62 = arith.constant 240 : i32
    %dma_wait3A_63 = tpu.memref_slice %arg5[%dma_wait3A_62] : memref<320xi32, #tpu.memory_space<vmem>> -> memref<80xi32, #tpu.memory_space<vmem>>
    %dma_wait3A_64 = arith.constant 0 : i32
    %dma_wait3A_65 = arith.constant 0 : i32
    %dma_wait3A_66 = tpu.memref_slice %arg2[%dma_wait3A_64, %dma_wait3A_65] : memref<8192x512xi32, #tpu.memory_space<hbm>> -> memref<8192x512xi32, #tpu.memory_space<hbm>>
    tpu.wait_indirect_dma semaphore(%arg9 : memref<!tpu.dma_semaphore, #tpu.memory_space<semaphore_mem>>) src(%dma_wait3A_66 : memref<8192x512xi32, #tpu.memory_space<hbm>>) dst(%arg7 : memref<80x512xi32, #tpu.memory_space<vmem>>)
    %add3A_67 = arith.constant 240 : i32
    %add3A_68 = arith.addi %mul3A_2, %add3A_67 : i32
    %dma_start3A_69 = arith.constant 0 : i32
    %dma_start3A_70 = tpu.memref_slice %arg4[%add3A_68, %dma_start3A_69] : memref<10240x512xi32, #tpu.memory_space<hbm>> -> memref<80x512xi32, #tpu.memory_space<hbm>>
    %dma_start3A_71 = arith.constant 0 : i32
    %dma_start3A_72 = tpu.memref_slice %arg4[%add3A_68, %dma_start3A_71] : memref<10240x512xi32, #tpu.memory_space<hbm>> -> memref<80x512xi32, #tpu.memory_space<hbm>>
    tpu.enqueue_dma source(%arg7 : memref<80x512xi32, #tpu.memory_space<vmem>>) target(%dma_start3A_72 : memref<80x512xi32, #tpu.memory_space<hbm>>) target_semaphore(%arg11 : memref<!tpu.dma_semaphore, #tpu.memory_space<semaphore_mem>>)
    %dma_wait3A_73 = arith.constant 0 : i32
    %dma_wait3A_74 = tpu.memref_slice %arg4[%add3A_57, %dma_wait3A_73] : memref<10240x512xi32, #tpu.memory_space<hbm>> -> memref<80x512xi32, #tpu.memory_space<hbm>>
    %dma_wait3A_75 = arith.constant 0 : i32
    %dma_wait3A_76 = tpu.memref_slice %arg4[%add3A_57, %dma_wait3A_75] : memref<10240x512xi32, #tpu.memory_space<hbm>> -> memref<80x512xi32, #tpu.memory_space<hbm>>
    tpu.wait_dma2 semaphore(%arg10 : memref<!tpu.dma_semaphore, #tpu.memory_space<semaphore_mem>>) src(%arg6 : memref<80x512xi32, #tpu.memory_space<vmem>>) dst(%dma_wait3A_76 : memref<80x512xi32, #tpu.memory_space<hbm>>)
    %dma_wait3A_77 = arith.constant 0 : i32
    %dma_wait3A_78 = tpu.memref_slice %arg4[%add3A_68, %dma_wait3A_77] : memref<10240x512xi32, #tpu.memory_space<hbm>> -> memref<80x512xi32, #tpu.memory_space<hbm>>
    %dma_wait3A_79 = arith.constant 0 : i32
    %dma_wait3A_80 = tpu.memref_slice %arg4[%add3A_68, %dma_wait3A_79] : memref<10240x512xi32, #tpu.memory_space<hbm>> -> memref<80x512xi32, #tpu.memory_space<hbm>>
    tpu.wait_dma2 semaphore(%arg11 : memref<!tpu.dma_semaphore, #tpu.memory_space<semaphore_mem>>) src(%arg7 : memref<80x512xi32, #tpu.memory_space<vmem>>) dst(%dma_wait3A_80 : memref<80x512xi32, #tpu.memory_space<hbm>>)
    return
  }
}

module attributes {stable_mosaic.version = 14 : i64} {
  func.func @_router_body(%arg0: i32, %arg1: memref<512x1024xf32, #tpu.memory_space<vmem>>, %arg2: memref<1024x32xf32, #tpu.memory_space<vmem>>, %arg3: memref<1x32xf32, #tpu.memory_space<vmem>>, %arg4: memref<32x16xf32, #tpu.memory_space<vmem>>, %arg5: memref<1x16xf32, #tpu.memory_space<vmem>>, %arg6: memref<512x2xi32, #tpu.memory_space<vmem>>, %arg7: memref<512x2xf32, #tpu.memory_space<vmem>>, %arg8: memref<512x512xi32, #tpu.memory_space<vmem>>) attributes {dimension_semantics = [#tpu.dimension_semantics<parallel>], iteration_bounds = array<i64: 16>, scalar_prefetch = 0 : i64, scratch_operands = 0 : i64, tpu.core_type = #tpu.core_type<tc>, window_params = [{transform_indices = @transform_0, window_bounds = array<i64: 512, 1024>}, {pipeline_mode = #tpu.pipeline_mode<synchronous>, transform_indices = @transform_1, window_bounds = array<i64: 1024, 32>}, {pipeline_mode = #tpu.pipeline_mode<synchronous>, transform_indices = @transform_2, window_bounds = array<i64: 1, 32>}, {pipeline_mode = #tpu.pipeline_mode<synchronous>, transform_indices = @transform_3, window_bounds = array<i64: 32, 16>}, {pipeline_mode = #tpu.pipeline_mode<synchronous>, transform_indices = @transform_4, window_bounds = array<i64: 1, 16>}, {transform_indices = @transform_5, window_bounds = array<i64: 512, 2>}, {transform_indices = @transform_6, window_bounds = array<i64: 512, 2>}, {transform_indices = @transform_7, window_bounds = array<i64: 512, 512>}]} {
    %get3A = arith.constant 0 : index
    %get3A_0 = arith.constant 0 : index
    %get3A_1 = vector.load %arg1[%get3A, %get3A_0] : memref<512x1024xf32, #tpu.memory_space<vmem>>, vector<512x1024xf32>
    %slice3A = vector.extract_strided_slice %get3A_1 {offsets = [0, 0], sizes = [512, 512], strides = [1, 1]} : vector<512x1024xf32> to vector<512x512xf32>
    %bitcast_convert_type3A = tpu.bitcast %slice3A : vector<512x512xf32> -> vector<512x512xi32>
    %slice3A_2 = vector.extract_strided_slice %get3A_1 {offsets = [0, 512], sizes = [512, 512], strides = [1, 1]} : vector<512x1024xf32> to vector<512x512xf32>
    %bitcast_convert_type3A_3 = tpu.bitcast %slice3A_2 : vector<512x512xf32> -> vector<512x512xi32>
    %add3A = arith.constant 32768 : i32
    %add3A_4 = vector.broadcast %add3A : i32 to vector<512x512xi32>
    %add3A_5 = arith.addi %bitcast_convert_type3A, %add3A_4 : vector<512x512xi32>
    %shift_right_logical3A = arith.constant 16 : i32
    %shift_right_logical3A_6 = vector.broadcast %shift_right_logical3A : i32 to vector<512x512xi32>
    %shift_right_logical3A_7 = arith.shrui %add3A_5, %shift_right_logical3A_6 : vector<512x512xi32>
    %add3A_8 = arith.constant 32768 : i32
    %add3A_9 = vector.broadcast %add3A_8 : i32 to vector<512x512xi32>
    %add3A_10 = arith.addi %bitcast_convert_type3A_3, %add3A_9 : vector<512x512xi32>
    %and3A = arith.constant -65536 : i32
    %and3A_11 = vector.broadcast %and3A : i32 to vector<512x512xi32>
    %and3A_12 = arith.andi %add3A_10, %and3A_11 : vector<512x512xi32>
    %or3A = arith.ori %shift_right_logical3A_7, %and3A_12 : vector<512x512xi32>
    %bitcast_convert_type3A_13 = tpu.bitcast %or3A : vector<512x512xi32> -> vector<512x512xi32>
    %swap3A = arith.constant 0 : index
    %swap3A_14 = arith.constant 0 : index
    %swap3A_15 = vector.load %arg8[%swap3A, %swap3A_14] : memref<512x512xi32, #tpu.memory_space<vmem>>, vector<512x512xi32>
    tpu.vector_store %arg8[%swap3A, %swap3A_14], %bitcast_convert_type3A_13 {strides = array<i32>} : memref<512x512xi32, #tpu.memory_space<vmem>>, vector<512x512xi32>,
    %get3A_16 = arith.constant 0 : index
    %get3A_17 = arith.constant 0 : index
    %get3A_18 = vector.load %arg2[%get3A_16, %get3A_17] : memref<1024x32xf32, #tpu.memory_space<vmem>>, vector<1024x32xf32>
    %dot_general3A = arith.constant dense<0.000000e+00> : vector<512x32xf32>
    %dot_general3A_19 = tpu.matmul %get3A_1, %get3A_18, %dot_general3A {dimension_numbers = #tpu.dot_dimension_numbers<[1], [0], [0], [1], [0, 0, 1, 1], [], []>, transpose_lhs_hint = false} : vector<512x1024xf32>, vector<1024x32xf32>, vector<512x32xf32> -> vector<512x32xf32>
    %get3A_20 = arith.constant 0 : index
    %get3A_21 = arith.constant 0 : index
    %get3A_22 = vector.load %arg3[%get3A_20, %get3A_21] : memref<1x32xf32, #tpu.memory_space<vmem>>, vector<1x32xf32>
    %add3A_23 = vector.broadcast %get3A_22 : vector<1x32xf32> to vector<512x32xf32>
    %add3A_24 = arith.addf %dot_general3A_19, %add3A_23 : vector<512x32xf32>
    %tanh3A = math.tanh %add3A_24 : vector<512x32xf32>
    %get3A_25 = arith.constant 0 : index
    %get3A_26 = arith.constant 0 : index
    %get3A_27 = vector.load %arg4[%get3A_25, %get3A_26] : memref<32x16xf32, #tpu.memory_space<vmem>>, vector<32x16xf32>
    %dot_general3A_28 = arith.constant dense<0.000000e+00> : vector<512x16xf32>
    %dot_general3A_29 = tpu.matmul %tanh3A, %get3A_27, %dot_general3A_28 {dimension_numbers = #tpu.dot_dimension_numbers<[1], [0], [0], [1], [0, 0, 1, 1], [], []>, transpose_lhs_hint = false} : vector<512x32xf32>, vector<32x16xf32>, vector<512x16xf32> -> vector<512x16xf32>
    %get3A_30 = arith.constant 0 : index
    %get3A_31 = arith.constant 0 : index
    %get3A_32 = vector.load %arg5[%get3A_30, %get3A_31] : memref<1x16xf32, #tpu.memory_space<vmem>>, vector<1x16xf32>
    %add3A_33 = vector.broadcast %get3A_32 : vector<1x16xf32> to vector<512x16xf32>
    %add3A_34 = arith.addf %dot_general3A_29, %add3A_33 : vector<512x16xf32>
    %argmax3A = tpu.reduce_index %add3A_34 {axis = 1 : i32, kind = #tpu.reduction_kind<arg_max>} : vector<512x16xf32> -> vector<512xi32>
    %reduce_max3A = arith.constant dense<0xFF800000> : vector<512xf32>
    %reduce_max3A_35 = vector.multi_reduction <maximumf>, %add3A_34, %reduce_max3A [1] : vector<512x16xf32> to vector<512xf32>
    %iota3A = tpu.iota {dimensions = array<i32: 1>} : vector<512x16xi32>
    %broadcast_in_dim3A = vector.shape_cast %argmax3A : vector<512xi32> to vector<512x1xi32>
    %eq3A = vector.broadcast %broadcast_in_dim3A : vector<512x1xi32> to vector<512x16xi32>
    %eq3A_36 = arith.cmpi eq, %iota3A, %eq3A : vector<512x16xi32>
    %jit3A = arith.constant 0xFF800000 : f32
    %broadcast_in_dim3A_37 = vector.broadcast %jit3A : f32 to vector<512x16xf32>
    %select_n3A = arith.select %eq3A_36, %broadcast_in_dim3A_37, %add3A_34 : vector<512x16xi1>, vector<512x16xf32>
    %argmax3A_38 = tpu.reduce_index %select_n3A {axis = 1 : i32, kind = #tpu.reduction_kind<arg_max>} : vector<512x16xf32> -> vector<512xi32>
    %reduce_max3A_39 = arith.constant dense<0xFF800000> : vector<512xf32>
    %reduce_max3A_40 = vector.multi_reduction <maximumf>, %select_n3A, %reduce_max3A_39 [1] : vector<512x16xf32> to vector<512xf32>
    %sub3A = arith.subf %reduce_max3A_40, %reduce_max3A_35 : vector<512xf32>
    %exp3A = math.exp %sub3A : vector<512xf32>
    %add3A_41 = arith.constant 1.000000e+00 : f32
    %add3A_42 = vector.broadcast %add3A_41 : f32 to vector<512xf32>
    %add3A_43 = arith.addf %add3A_42, %exp3A : vector<512xf32>
    %stack3A = vector.shape_cast %argmax3A : vector<512xi32> to vector<512x1xi32>
    %stack3A_44 = vector.shape_cast %argmax3A_38 : vector<512xi32> to vector<512x1xi32>
    %stack3A_45 = tpu.concatenate %stack3A, %stack3A_44 in 1 : vector<512x1xi32>, vector<512x1xi32> -> vector<512x2xi32>
    %swap3A_46 = arith.constant 0 : index
    %swap3A_47 = arith.constant 0 : index
    %swap3A_48 = vector.load %arg6[%swap3A_46, %swap3A_47] : memref<512x2xi32, #tpu.memory_space<vmem>>, vector<512x2xi32>
    tpu.vector_store %arg6[%swap3A_46, %swap3A_47], %stack3A_45 {strides = array<i32>} : memref<512x2xi32, #tpu.memory_space<vmem>>, vector<512x2xi32>,
    %div3A = arith.constant 1.000000e+00 : f32
    %div3A_49 = vector.broadcast %div3A : f32 to vector<512xf32>
    %div3A_50 = arith.divf %div3A_49, %add3A_43 : vector<512xf32>
    %div3A_51 = arith.divf %exp3A, %add3A_43 : vector<512xf32>
    %stack3A_52 = vector.shape_cast %div3A_50 : vector<512xf32> to vector<512x1xf32>
    %stack3A_53 = vector.shape_cast %div3A_51 : vector<512xf32> to vector<512x1xf32>
    %stack3A_54 = tpu.concatenate %stack3A_52, %stack3A_53 in 1 : vector<512x1xf32>, vector<512x1xf32> -> vector<512x2xf32>
    %swap3A_55 = arith.constant 0 : index
    %swap3A_56 = arith.constant 0 : index
    %swap3A_57 = vector.load %arg7[%swap3A_55, %swap3A_56] : memref<512x2xf32, #tpu.memory_space<vmem>>, vector<512x2xf32>
    tpu.vector_store %arg7[%swap3A_55, %swap3A_56], %stack3A_54 {strides = array<i32>} : memref<512x2xf32, #tpu.memory_space<vmem>>, vector<512x2xf32>,
    return
  }
  func.func @transform_0(%arg0: i32) -> (i32, i32) {
    %c0_i32 = arith.constant 0 : i32
    %c0_i32_0 = arith.constant 0 : i32
    return %arg0, %c0_i32 : i32, i32
  }
  func.func @transform_1(%arg0: i32) -> (i32, i32) {
    %c0_i32 = arith.constant 0 : i32
    %c0_i32_0 = arith.constant 0 : i32
    %c0_i32_1 = arith.constant 0 : i32
    return %c0_i32, %c0_i32_0 : i32, i32
  }
  func.func @transform_2(%arg0: i32) -> (i32, i32) {
    %c0_i32 = arith.constant 0 : i32
    %c0_i32_0 = arith.constant 0 : i32
    %c0_i32_1 = arith.constant 0 : i32
    return %c0_i32, %c0_i32_0 : i32, i32
  }
  func.func @transform_3(%arg0: i32) -> (i32, i32) {
    %c0_i32 = arith.constant 0 : i32
    %c0_i32_0 = arith.constant 0 : i32
    %c0_i32_1 = arith.constant 0 : i32
    return %c0_i32, %c0_i32_0 : i32, i32
  }
  func.func @transform_4(%arg0: i32) -> (i32, i32) {
    %c0_i32 = arith.constant 0 : i32
    %c0_i32_0 = arith.constant 0 : i32
    %c0_i32_1 = arith.constant 0 : i32
    return %c0_i32, %c0_i32_0 : i32, i32
  }
  func.func @transform_5(%arg0: i32) -> (i32, i32) {
    %c0_i32 = arith.constant 0 : i32
    %c0_i32_0 = arith.constant 0 : i32
    return %arg0, %c0_i32 : i32, i32
  }
  func.func @transform_6(%arg0: i32) -> (i32, i32) {
    %c0_i32 = arith.constant 0 : i32
    %c0_i32_0 = arith.constant 0 : i32
    return %arg0, %c0_i32 : i32, i32
  }
  func.func @transform_7(%arg0: i32) -> (i32, i32) {
    %c0_i32 = arith.constant 0 : i32
    %c0_i32_0 = arith.constant 0 : i32
    return %arg0, %c0_i32 : i32, i32
  }
}

module attributes {stable_mosaic.version = 14 : i64} {
  func.func @_expert_body(%arg0: i32, %arg1: memref<40xi32, #tpu.memory_space<smem>>, %arg2: memref<1xi32, #tpu.memory_space<smem>>, %arg3: memref<256x512xi32, #tpu.memory_space<vmem>>, %arg4: memref<1x1024x1024xf32, #tpu.memory_space<vmem>>, %arg5: memref<1x1x1024xf32, #tpu.memory_space<vmem>>, %arg6: memref<1x1x1024xf32, #tpu.memory_space<vmem>>, %arg7: memref<1x1x256xf32, #tpu.memory_space<vmem>>, %arg8: memref<1x1x256xf32, #tpu.memory_space<vmem>>) attributes {dimension_semantics = [#tpu.dimension_semantics<arbitrary>], iteration_bounds = array<i64: 40>, scalar_prefetch = 2 : i64, scratch_operands = 0 : i64, tpu.core_type = #tpu.core_type<tc>, window_params = [{transform_indices = @transform_0, window_bounds = array<i64: 256, 512>}, {transform_indices = @transform_1, window_bounds = array<i64: 1, 1024, 1024>}, {transform_indices = @transform_2, window_bounds = array<i64: 1, 1, 1024>}, {transform_indices = @transform_3, window_bounds = array<i64: 1, 1, 1024>}, {transform_indices = @transform_4, window_bounds = array<i64: 1, 1, 256>}, {transform_indices = @transform_5, window_bounds = array<i64: 1, 1, 256>}]} {
    %get3A = arith.constant 0 : index
    %get3A_0 = memref.load %arg2[%get3A] : memref<1xi32, #tpu.memory_space<smem>>
    %lt3A = arith.cmpi slt, %arg0, %get3A_0 : i32
    %convert_element_type3A = arith.extui %lt3A : i1 to i32
    %cond3A = arith.constant 0 : i32
    %cond3A_1 = arith.cmpi ne, %convert_element_type3A, %cond3A : i32
    scf.if %cond3A_1 {
      %get3A_2 = arith.constant 0 : index
      %get3A_3 = arith.constant 0 : index
      %get3A_4 = vector.load %arg3[%get3A_2, %get3A_3] : memref<256x512xi32, #tpu.memory_space<vmem>>, vector<256x512xi32>
      %bitcast_convert_type3A = tpu.bitcast %get3A_4 : vector<256x512xi32> -> vector<256x512xi32>
      %shift_left3A = arith.constant 16 : i32
      %shift_left3A_5 = vector.broadcast %shift_left3A : i32 to vector<256x512xi32>
      %shift_left3A_6 = arith.shli %bitcast_convert_type3A, %shift_left3A_5 : vector<256x512xi32>
      %bitcast_convert_type3A_7 = tpu.bitcast %shift_left3A_6 : vector<256x512xi32> -> vector<256x512xf32>
      %and3A = arith.constant -65536 : i32
      %and3A_8 = vector.broadcast %and3A : i32 to vector<256x512xi32>
      %and3A_9 = arith.andi %bitcast_convert_type3A, %and3A_8 : vector<256x512xi32>
      %bitcast_convert_type3A_10 = tpu.bitcast %and3A_9 : vector<256x512xi32> -> vector<256x512xf32>
      %get3A_11 = arith.constant 0 : index
      %get3A_12 = arith.constant 0 : index
      %get3A_13 = arith.constant 0 : index
      %get3A_14 = vector.load %arg4[%get3A_11, %get3A_12, %get3A_13] : memref<1x1024x1024xf32, #tpu.memory_space<vmem>>, vector<1x512x1024xf32>
      %get3A_15 = vector.shape_cast %get3A_14 : vector<1x512x1024xf32> to vector<512x1024xf32>
      %dot_general3A = arith.constant dense<0.000000e+00> : vector<256x1024xf32>
      %dot_general3A_16 = tpu.matmul %bitcast_convert_type3A_7, %get3A_15, %dot_general3A {dimension_numbers = #tpu.dot_dimension_numbers<[1], [0], [0], [1], [0, 0, 1, 1], [], []>, transpose_lhs_hint = false} : vector<256x512xf32>, vector<512x1024xf32>, vector<256x1024xf32> -> vector<256x1024xf32>
      %get3A_17 = arith.constant 0 : index
      %get3A_18 = arith.constant 512 : index
      %get3A_19 = arith.constant 0 : index
      %get3A_20 = vector.load %arg4[%get3A_17, %get3A_18, %get3A_19] : memref<1x1024x1024xf32, #tpu.memory_space<vmem>>, vector<1x512x1024xf32>
      %get3A_21 = vector.shape_cast %get3A_20 : vector<1x512x1024xf32> to vector<512x1024xf32>
      %dot_general3A_22 = arith.constant dense<0.000000e+00> : vector<256x1024xf32>
      %dot_general3A_23 = tpu.matmul %bitcast_convert_type3A_10, %get3A_21, %dot_general3A_22 {dimension_numbers = #tpu.dot_dimension_numbers<[1], [0], [0], [1], [0, 0, 1, 1], [], []>, transpose_lhs_hint = false} : vector<256x512xf32>, vector<512x1024xf32>, vector<256x1024xf32> -> vector<256x1024xf32>
      %add3A = arith.addf %dot_general3A_16, %dot_general3A_23 : vector<256x1024xf32>
      %get3A_24 = arith.constant 0 : index
      %get3A_25 = arith.constant 0 : index
      %get3A_26 = arith.constant 0 : index
      %get3A_27 = vector.load %arg5[%get3A_24, %get3A_25, %get3A_26] : memref<1x1x1024xf32, #tpu.memory_space<vmem>>, vector<1x1x1024xf32>
      %get3A_28 = vector.shape_cast %get3A_27 : vector<1x1x1024xf32> to vector<1x1024xf32>
      %add3A_29 = vector.broadcast %get3A_28 : vector<1x1024xf32> to vector<256x1024xf32>
      %add3A_30 = arith.addf %add3A, %add3A_29 : vector<256x1024xf32>
      %tanh3A = math.tanh %add3A_30 : vector<256x1024xf32>
      %get3A_31 = arith.constant 0 : index
      %get3A_32 = arith.constant 0 : index
      %get3A_33 = arith.constant 0 : index
      %get3A_34 = vector.load %arg6[%get3A_31, %get3A_32, %get3A_33] : memref<1x1x1024xf32, #tpu.memory_space<vmem>>, vector<1x1x1024xf32>
      %get3A_35 = vector.shape_cast %get3A_34 : vector<1x1x1024xf32> to vector<1x1024xf32>
      %mul3A = vector.broadcast %get3A_35 : vector<1x1024xf32> to vector<256x1024xf32>
      %mul3A_36 = arith.mulf %tanh3A, %mul3A : vector<256x1024xf32>
      %reduce_sum3A = arith.constant dense<0.000000e+00> : vector<256xf32>
      %reduce_sum3A_37 = vector.multi_reduction <add>, %mul3A_36, %reduce_sum3A [1] : vector<256x1024xf32> to vector<256xf32>
      %get3A_38 = arith.constant 0 : index
      %get3A_39 = arith.constant 0 : index
      %get3A_40 = arith.constant 0 : index
      %get3A_41 = vector.load %arg7[%get3A_38, %get3A_39, %get3A_40] : memref<1x1x256xf32, #tpu.memory_space<vmem>>, vector<1x1x256xf32>
      %get3A_42 = vector.shape_cast %get3A_41 : vector<1x1x256xf32> to vector<256xf32>
      %mul3A_43 = arith.mulf %reduce_sum3A_37, %get3A_42 : vector<256xf32>
      %broadcast_in_dim3A = vector.shape_cast %mul3A_43 : vector<256xf32> to vector<1x1x256xf32>
      %swap3A = arith.constant 0 : index
      %swap3A_44 = arith.constant 0 : index
      %swap3A_45 = arith.constant 0 : index
      %swap3A_46 = vector.load %arg8[%swap3A, %swap3A_44, %swap3A_45] : memref<1x1x256xf32, #tpu.memory_space<vmem>>, vector<1x1x256xf32>
      tpu.vector_store %arg8[%swap3A, %swap3A_44, %swap3A_45], %broadcast_in_dim3A {strides = array<i32>} : memref<1x1x256xf32, #tpu.memory_space<vmem>>, vector<1x1x256xf32>,
    } else {
    }
    return
  }
  func.func @transform_0(%arg0: i32, %arg1: memref<40xi32, #tpu.memory_space<smem>>, %arg2: memref<1xi32, #tpu.memory_space<smem>>) -> (i32, i32) {
    %get3A = arith.constant 0 : index
    %get3A_0 = memref.load %arg2[%get3A] : memref<1xi32, #tpu.memory_space<smem>>
    %sub3A = arith.constant 1 : i32
    %sub3A_1 = arith.subi %get3A_0, %sub3A : i32
    %max3A = arith.constant 0 : i32
    %max3A_2 = arith.maxsi %sub3A_1, %max3A : i32
    %min3A = arith.minsi %arg0, %max3A_2 : i32
    %c0_i32 = arith.constant 0 : i32
    %c0_i32_3 = arith.constant 0 : i32
    return %min3A, %c0_i32 : i32, i32
  }
  func.func @transform_1(%arg0: i32, %arg1: memref<40xi32, #tpu.memory_space<smem>>, %arg2: memref<1xi32, #tpu.memory_space<smem>>) -> (i32, i32, i32) {
    %get3A = arith.constant 0 : index
    %get3A_0 = memref.load %arg2[%get3A] : memref<1xi32, #tpu.memory_space<smem>>
    %sub3A = arith.constant 1 : i32
    %sub3A_1 = arith.subi %get3A_0, %sub3A : i32
    %max3A = arith.constant 0 : i32
    %max3A_2 = arith.maxsi %sub3A_1, %max3A : i32
    %min3A = arith.minsi %arg0, %max3A_2 : i32
    %get3A_3 = arith.index_cast %min3A : i32 to index
    %get3A_4 = memref.load %arg1[%get3A_3] : memref<40xi32, #tpu.memory_space<smem>>
    %c0_i32 = arith.constant 0 : i32
    %c0_i32_5 = arith.constant 0 : i32
    %c0_i32_6 = arith.constant 0 : i32
    return %get3A_4, %c0_i32, %c0_i32_5 : i32, i32, i32
  }
  func.func @transform_2(%arg0: i32, %arg1: memref<40xi32, #tpu.memory_space<smem>>, %arg2: memref<1xi32, #tpu.memory_space<smem>>) -> (i32, i32, i32) {
    %get3A = arith.constant 0 : index
    %get3A_0 = memref.load %arg2[%get3A] : memref<1xi32, #tpu.memory_space<smem>>
    %sub3A = arith.constant 1 : i32
    %sub3A_1 = arith.subi %get3A_0, %sub3A : i32
    %max3A = arith.constant 0 : i32
    %max3A_2 = arith.maxsi %sub3A_1, %max3A : i32
    %min3A = arith.minsi %arg0, %max3A_2 : i32
    %get3A_3 = arith.index_cast %min3A : i32 to index
    %get3A_4 = memref.load %arg1[%get3A_3] : memref<40xi32, #tpu.memory_space<smem>>
    %c0_i32 = arith.constant 0 : i32
    %c0_i32_5 = arith.constant 0 : i32
    %c0_i32_6 = arith.constant 0 : i32
    return %get3A_4, %c0_i32, %c0_i32_5 : i32, i32, i32
  }
  func.func @transform_3(%arg0: i32, %arg1: memref<40xi32, #tpu.memory_space<smem>>, %arg2: memref<1xi32, #tpu.memory_space<smem>>) -> (i32, i32, i32) {
    %get3A = arith.constant 0 : index
    %get3A_0 = memref.load %arg2[%get3A] : memref<1xi32, #tpu.memory_space<smem>>
    %sub3A = arith.constant 1 : i32
    %sub3A_1 = arith.subi %get3A_0, %sub3A : i32
    %max3A = arith.constant 0 : i32
    %max3A_2 = arith.maxsi %sub3A_1, %max3A : i32
    %min3A = arith.minsi %arg0, %max3A_2 : i32
    %get3A_3 = arith.index_cast %min3A : i32 to index
    %get3A_4 = memref.load %arg1[%get3A_3] : memref<40xi32, #tpu.memory_space<smem>>
    %c0_i32 = arith.constant 0 : i32
    %c0_i32_5 = arith.constant 0 : i32
    %c0_i32_6 = arith.constant 0 : i32
    return %get3A_4, %c0_i32, %c0_i32_5 : i32, i32, i32
  }
  func.func @transform_4(%arg0: i32, %arg1: memref<40xi32, #tpu.memory_space<smem>>, %arg2: memref<1xi32, #tpu.memory_space<smem>>) -> (i32, i32, i32) {
    %get3A = arith.constant 0 : index
    %get3A_0 = memref.load %arg2[%get3A] : memref<1xi32, #tpu.memory_space<smem>>
    %sub3A = arith.constant 1 : i32
    %sub3A_1 = arith.subi %get3A_0, %sub3A : i32
    %max3A = arith.constant 0 : i32
    %max3A_2 = arith.maxsi %sub3A_1, %max3A : i32
    %min3A = arith.minsi %arg0, %max3A_2 : i32
    %c0_i32 = arith.constant 0 : i32
    %c0_i32_3 = arith.constant 0 : i32
    %c0_i32_4 = arith.constant 0 : i32
    return %min3A, %c0_i32, %c0_i32_3 : i32, i32, i32
  }
  func.func @transform_5(%arg0: i32, %arg1: memref<40xi32, #tpu.memory_space<smem>>, %arg2: memref<1xi32, #tpu.memory_space<smem>>) -> (i32, i32, i32) {
    %c0_i32 = arith.constant 0 : i32
    %c0_i32_0 = arith.constant 0 : i32
    %c0_i32_1 = arith.constant 0 : i32
    return %arg0, %c0_i32, %c0_i32_0 : i32, i32, i32
  }
}

</mosaic_0001>

<sc_bundles>
// kernel: gather_offload_async_start.1
scs
__scs_entry_jumppad:
0x0: {  	(pc) =	sbr.rel $0x88, $3  }
0x1: {  	(tag) =	ssettag $0x0;
	lr =	simm.s32 $0x1  }
0x2: {  	[smem:$0x3F97] =	sst lr;
	_ =	strace $0xD0000000  }
0x3: {  	_ = 	snop  }
0x4: {  	_ = 	snop  }
0x5: {  	_ = 	snop  }
0x6: {  	_ = 	snop  }
0x7: {  	_ = 	snop  }
__scs_overlays_trampoline_lowered:
0x8: {  	[smem:$0x3FA6] =	sst s0  }
0x9: {  	[smem:$0x3FA7] =	sst s1  }
0xa: {  	[smem:$0x3FA8] =	sst s2  }
0xb: {  	[smem:$0x3FA9] =	sst s3  }
0xc: {  	[smem:$0x3FAA] =	sst s4  }
0xd: {  	[smem:$0x3FAB] =	sst s5  }
0xe: {  	[smem:$0x3FAC] =	sst s6  }
0xf: {  	[smem:$0x3FAD] =	sst s7  }
0x10: {  	[smem:$0x3FAE] =	sst s8  }
0x11: {  	[smem:$0x3FAF] =	sst s9;
	s0 =	simm.s32 @!p0 $0x0  }
0x12: {  	s1 =	sld [smem:$0x3F95];
	s0 =	simm.s32 @p0 $0x1  }
0x13: {  	[smem:$0x3FB0] =	sst s0;
	s0 =	simm.s32 @!p1 $0x0  }
0x14: {  	s2 =	sld [smem:$0x3F94];
	s0 =	simm.s32 @p1 $0x1  }
0x15: {  	[smem:$0x3FB1] =	sst s0;
	s0 =	simm.s32 @!p2 $0x0  }
0x16: {  	s3 =	sld [smem:$0x3FDB];
	s0 =	simm.s32 @p2 $0x1  }
0x17: {  	s4 =	simm.s32 $0x1BF5;
	[smem:$0x3FB3] =	sst s0  }
0x18: {  	s0 =	sld [smem:$0x3F96];
	_ =	swait.ge [sflag:s4], $0x0  }
0x19: {  	s7 =	sld [smem:$0x3F97]  }
0x1a: {  	s8 =	sadd.s32 $0xFFFFE003, lr  }
0x1b: {  	s9 =	sadd.s32 $0xFFFFFEF7, lr;
	s5 =	simm.s32 $0xFFFFFFFF;
	p2 =	slt.u32 s8, $0xFFFFF086  }
0x1c: {  	p1 =	slt.u32 s9, $0xF7A;
	s5 =	simm.s32 @!p2 $0x0  }
0x1d: {  	s5 =	simm.s32 @p1 $0x1;
	p0 =	seq.s32 s7, s2  }
0x1e: {  	s7 =	smul.u32 @!p0 $0xF7A, s2;
	p2 =	seq.s32 @!p0 s5, $0x0  }
0x1f: {  	s9 =	smul.u32 $0xF7A, s1;
	s8 =	simm.s32 @!p0 $0x1BF5;
	p2 =	por !p2, p0  }
0x20: {  	[sflag:s8] =	ssyncset.s32 @!p0 $0xFFFFF086;
	s6 =	sadd.s32 @!p0 s3, s7;
	s7 =	simm.s32 @!p0 $0x108  }
0x21: {  	s3 =	sadd.s32 s3, s9;
	s6 =	sadd.s32 @!p0 $0x88, s6;
	s7 =	simm.s32 @p2 $0x1082  }
0x22: {  	[simem:s7], [sflag:s8] =	dma.local @!p0 [hbm:s6], $0xF7A  }
0x23: {  	s9 =	sor.u32 $0xD0000000, s2;
	s6 =	simm.s32 $0x108;
	_ =	swait.ge @!p0 [sflag:s8], $0x0  }
0x24: {  	s3 =	sadd.s32 $0x88, s3;
	s6 =	simm.s32 @!p1 $0x1082;
	[sflag:s4] =	ssyncset.s32 $0xFFFFF086  }
0x25: {  	[simem:s6], [sflag:s4] =	dma.local [hbm:s3], $0xF7A  }
0x26: {  	[smem:$0x3F97] =	sst s1;
	(tag) =	ssettag s2;
	_ =	strace s9  }
0x27: {  	s1 =	sld [smem:$0x3FA7]  }
0x28: {  	s2 =	sld [smem:$0x3FA8]  }
0x29: {  	s4 =	sld [smem:$0x3FAA]  }
0x2a: {  	p0 =	seq.s32 s5, $0x0;
	s5 =	sld [smem:$0x3FAB]  }
0x2b: {  	s6 =	sld [smem:$0x3FAC]  }
0x2c: {  	s7 =	sld [smem:$0x3FAD]  }
0x2d: {  	s3 =	simm.s32 $0x108;
	s8 =	sld [smem:$0x3FAE]  }
0x2e: {  	s3 =	simm.s32 @!p0 $0x1082;
	s9 =	sld [smem:$0x3FAF]  }
0x2f: {  	lr =	sadd.s32 s0, s3;
	s0 =	sld [smem:$0x3FA6]  }
0x30: {  	s3 =	sld [smem:$0x3FA9]  }
0x31: {  	[smem:$0x3FB2] =	sst s10  }
0x32: {  	s10 =	sld [smem:$0x3FB0];
	_ =	sdelay $0x3  }
0x33: {  	p0 =	seq.s32 s10, $0x1;
	s10 =	sld [smem:$0x3FB2];
	_ =	sdelay $0x3  }
0x34: {  	[smem:$0x3FB2] =	sst s10  }
0x35: {  	s10 =	sld [smem:$0x3FB1];
	_ =	sdelay $0x3  }
0x36: {  	p1 =	seq.s32 s10, $0x1;
	s10 =	sld [smem:$0x3FB2];
	_ =	sdelay $0x3  }
0x37: {  	[smem:$0x3FB2] =	sst s10  }
0x38: {  	s10 =	sld [smem:$0x3FB3]  }
0x39: {  	_ = 	snop;
	(pc) =	sbr.ind lr, $3  }
0x3a: {  	_ = 	snop  }
0x3b: {  	_ = 	snop  }
0x3c: {  	p2 =	seq.s32 s10, $0x1;
	s10 =	sld [smem:$0x3FB2]  }
0x3d: {  	_ =	shalt  }
0x3e: {  	_ =	shalt  }
0x3f: {  	_ =	shalt  }
0x40: {  	_ =	shalt  }
0x41: {  	_ =	shalt  }
0x42: {  	_ =	shalt  }
0x43: {  	_ =	shalt  }
0x44: {  	_ =	shalt  }
0x45: {  	_ =	shalt  }
0x46: {  	_ =	shalt  }
0x47: {  	_ =	shalt  }
0x48: {  	_ =	shalt  }
0x49: {  	_ =	shalt  }
0x4a: {  	_ =	shalt  }
0x4b: {  	_ =	shalt  }
0x4c: {  	_ =	shalt  }
0x4d: {  	_ =	shalt  }
0x4e: {  	_ =	shalt  }
0x4f: {  	_ =	shalt  }
0x50: {  	_ =	shalt  }
0x51: {  	_ =	shalt  }
0x52: {  	_ =	shalt  }
0x53: {  	_ =	shalt  }
0x54: {  	_ =	shalt  }
0x55: {  	_ =	shalt  }
0x56: {  	_ =	shalt  }
0x57: {  	_ =	shalt  }
0x58: {  	_ =	shalt  }
0x59: {  	_ =	shalt  }
0x5a: {  	_ =	shalt  }
0x5b: {  	_ =	shalt  }
0x5c: {  	_ =	shalt  }
0x5d: {  	_ =	shalt  }
0x5e: {  	_ =	shalt  }
0x5f: {  	_ =	shalt  }
0x60: {  	_ =	shalt  }
0x61: {  	_ =	shalt  }
0x62: {  	_ =	shalt  }
0x63: {  	_ =	shalt  }
0x64: {  	_ =	shalt  }
0x65: {  	_ =	shalt  }
0x66: {  	_ =	shalt  }
0x67: {  	_ =	shalt  }
0x68: {  	_ =	shalt  }
0x69: {  	_ =	shalt  }
0x6a: {  	_ =	shalt  }
0x6b: {  	_ =	shalt  }
0x6c: {  	_ =	shalt  }
0x6d: {  	_ =	shalt  }
0x6e: {  	_ =	shalt  }
0x6f: {  	_ =	shalt  }
0x70: {  	_ =	shalt  }
0x71: {  	_ =	shalt  }
0x72: {  	_ =	shalt  }
0x73: {  	_ =	shalt  }
0x74: {  	_ =	shalt  }
0x75: {  	_ =	shalt  }
0x76: {  	_ =	shalt  }
0x77: {  	_ =	shalt  }
0x78: {  	_ =	shalt  }
0x79: {  	_ =	shalt  }
0x7a: {  	_ =	shalt  }
0x7b: {  	_ =	shalt  }
0x7c: {  	_ =	shalt  }
0x7d: {  	_ =	shalt  }
0x7e: {  	_ =	shalt  }
0x7f: {  	_ =	shalt  }
0x80: {  	_ =	shalt  }
0x81: {  	_ =	shalt  }
0x82: {  	_ =	shalt  }
0x83: {  	_ =	shalt  }
0x84: {  	_ =	shalt  }
0x85: {  	_ =	shalt  }
0x86: {  	_ =	shalt  }
0x87: {  	_ =	shalt  }
.Lfunc_end0:
.L_simem_size_0:
called_computation.2_lowered:
.L_overlay_start_0:
0x88: {  	s2 =	sld [smem:$0x3FD9]  }
0x89: {  	s3 =	sld [smem:$0x3FFE];
	_ =	sdelay $0x1  }
0x8a: {  	s1 =	srdreg.scid  }
0x8b: {  	s0 =	sand.u32 $0x1, s1  }
0x8c: {  	s16 =	sshll.u32 s0, $0xA;
	s2 =	sadd.s32 s3, s2  }
0x8d: {  	s2 =	sadd.s32 s2, s16  }
0x8e: {  	[smem:$0x3FBE] =	sst s2  }
0x8f: {  	_ = 	snop  }
0x90: {  	(tm) =	ssettm $0x1  }
0x91: {  	s17 =	sld [smem:$0x3FFB];
	_ =	sdelay $0x3  }
0x92: {  	_ =	strace s17  }
0x93: {  	s2 =	sld [smem:$0x3FFC];
	_ =	sdelay $0x3  }
0x94: {  	_ =	strace s2  }
0x95: {  	s2 =	sld [smem:$0x3FFD];
	_ =	sdelay $0x3  }
0x96: {  	_ =	strace s2  }
0x97: {  	_ =	strace $0x8FFFFFFF  }
0x98: {  	s18 =	sld [smem:$0x3FDB];
	_ =	sdelay $0x1  }
0x99: {  	s19 =	simm.s32 $_scs_section_size  }
0x9a: {  	s4 =	simm.s32 $_size__tile_overlayer_lowered;
	s5 =	simm.s32 $_tile_overlayer_lowered  }
0x9b: {  	s22 =	simm.s32 $0x1BFF;
	s21 =	sshll.u32 s5, $0x1;
	s2 =	sadd.s32 s19, s18  }
0x9c: {  	s6 =	simm.s32 $0x0;
	s20 =	sshll.u32 s4, $0x1;
	s4 =	sadd.s32 s21, s2  }
0x9d: {  	[timem:s6], [sflag:s22] =	dma.local [hbm:s4], s20  }
0x9e: {  	_ =	swait.ge [sflag:s22], s20  }
0x9f: {  	s3 =	ssub.s32 $0x0, s20;
	[sflag:s22] =	ssyncset.done $0x0  }
0xa0: {  	[sflag:s22] =	ssyncadd.s32 s3;
	_ =	sdelay $0x1  }
0xa1: {  	s23 =	simm.s32 $0x1B8B  }
0xa2: {  	_ =	swait.ge [sflag:s23], $0x1  }
0xa3: {  	[sflag:s23] =	ssyncset.done $0x0  }
0xa4: {  	s25 =	simm.s32 $0x1B8E;
	s24 =	sld [smem:$0x3FFE];
	[sflag:s23] =	ssyncadd.s32 $0xFFFFFFFF  }
0xa5: {  	s26 =	simm.s32 $execute0_lowered;
	[smem:$0x3FD2] =	sst s25  }
0xa6: {  	s4 =	sshll.u32 s26, $0x1;
	_ =	strace $0x8000004C;
	[dreg:$0x1] =	wrdreg $0xFFFFFFFF  }
0xa7: {  	s28 =	simm.s32 $_size_execute0_lowered;
	s2 =	sadd.s32 s2, s4;
	[dreg:$0x0] =	wrdreg $0x0  }
0xa8: {  	s4 =	sshll.u32 s28, $0x1;
	[dreg:$0x2] =	wrdreg s2  }
0xa9: {  	[dreg:$0x3] =	wrdreg s4  }
0xaa: {  	[dreg:$0x4] =	wrdreg $0xC0  }
0xab: {  	_ =	task [dreg:s6], $0x5FFFF  }
0xac: {  	[dreg:$0x1] =	wrdreg $0xFFFFFFFF  }
0xad: {  	[dreg:$0x0] =	wrdreg $0x60  }
0xae: {  	[dreg:$0x2] =	wrdreg s24  }
0xaf: {  	[dreg:$0x3] =	wrdreg $0x9  }
0xb0: {  	_ =	task.clear_ibuf [dreg:s6], $0x4FFFF;
	_ =	strace $0x9000004C  }
0xb1: {  	s29 =	simm.s32 $0x9;
	_ =	strace $0x8000004E  }
0xb2: {  	_ =	swait.ge [sflag:s29], $0x1  }
0xb3: {  	[sflag:s29] =	ssyncadd.s32 $0xFFFFFFFF  }
0xb4: {  	_ =	strace $0x9000004E  }
0xb5: {  	_ =	sfence  }
0xb6: {  	s30 =	sld [smem:$0x0];
	_ =	sdelay $0x2  }
0xb7: {  	s31 =	sshll.u32 s1, $0xD;
	s1 =	sshrl.u32 s1, $0x2  }
0xb8: {  	s3 =	sand.u32 $0x4000, s31;
	s1 =	sadd.s32 s1, s30  }
0xb9: {  	s0 =	sor.u32 s3, s0;
	s1 =	sshll.u32 s1, $0x11  }
0xba: {  	s0 =	sor.u32 s1, s0  }
0xbb: {  	s0 =	sadd.s32 $0x8F2B, s0  }
0xbc: {  	[sflag:s0] =	ssyncadd.remote.s32 $0x1  }
0xbd: {  	_ =	sfence.sel $0xFFFF  }
0xbe: {  	[dreg:$0x0] =	wrdreg $0xFFFFFFFF;
	(pc) =	sbr.abs _section_cstart, $3  }
0xbf: {  	[dreg:$0x1] =	wrdreg $0xFFFFFFFF  }
0xc0: {  	_ =	task.clear_ibuf [dreg:s6], $0x2FFFF;
	_ =	strace $0x9FFFFFFF  }
0xc1: {  	(tm) =	ssettm $0x7FFFFFFF  }
tec
execute0_lowered:
.L_overlay_start_1:
0x0: {  	(tag) =	ssettag $0x1  }
0x1: {  	s0 =	srdreg.scid;
	s5 =	rddreg [dreg:$0x0]  }
0x2: {  	s1 =	stileid.u32;
	s6 =	simm.s32 $0x1;
	s9 =	simm.s32 $0x1  }
0x3: {  	s10 =	simm.s32 $0x3;
	s13 =	simm.s32 $0x0;
	s2 =	sshll.u32 s0, $0x8  }
0x4: {  	s12 =	simm.s32 $0x0;
	s3 =	sshll.u32 s1, $0x9;
	s2 =	sand.u32 $0x100, s2  }
0x5: {  	s0 =	rddreg [dreg:$0x1];
	_ =	strace $0x8000004D;
	s2 =	sor.u32 s3, s2  }
0x6: {  	s4 =	sadd.s32 $0xC2000, s5;
	[sflag:s6] =	ssyncpa.u1 $0x0;
	s8 =	ssub.s32 $0x4000, s2  }
.Ltmp0:
0x7: {  	s3 =	sadd.s32 $0xC0800, s5;
	s7 =	sand.u32 $0x1F00, s8;
	(pc) =	sbr.rel .LBB2_1-.Ltmp0, $4  }
0x8: {  	s5 =	sadd.s32 $0xC1000, s5;
	s11 =	smov.u32 s2;
	p0 =	sne.s32 s7, $0x0  }
0x9: {  	s8 =	sshrl.u32 s8, $0xD;
	s7 =	simm.s32 $0x2;
	s9 =	simm.s32 @!p0 $0x0  }
0xa: {  	[sflag:s7] =	ssyncpa.u1 $0x0;
	p0 =	por $0x0, $0x0;
	s8 =	sadd.s32 s9, s8  }
0xb: {  	vm0 =	vmmov $0xffff;
	[sflag:s10] =	ssyncpa.u1 $0x0;
	s10 =	simm.s32 $0x0;
	s9 =	sadd.s32 $0x1, s8  }
.LBB2_4:
0xc: {  	v2 =	vnsel vm1, $0x0, v2  }
0xd: {  	vm1 =	vgt.s32 v0, $0x0;
	v2 =	vmin.u32 v2, $0x3FFF  }
0xe: {  	v0 =	vnsel vm1, $0x0, v0  }
0xf: {  	v0 =	vmin.u32 v0, $0x3FFF  }
0x10: {  	[tilespmem:s15], [sflag:$0x1] =	stream.indirect_vreg.gather [hbm4b:s3+s10], $0x1, v1, vm0, $0x4038;
	[tilespmem:$0x400] =	vst v63  }
0x11: {  	(ifvalue) =	ssetifvalue $0x7FFFFFFF  }
0x12: {  	[tilespmem:s16], [sflag:$0x1] =	stream.indirect_vreg.gather [hbm4b:s3+s10], $0x1, v2, vm0, $0x4038;
	[tilespmem:$0x400] =	vst v63  }
0x13: {  	s29 =	sadd.s32 $0x10, s16;
	(ifvalue) =	ssetifvalue $0x7FFFFFFF  }
0x14: {  	[tilespmem:s29], [sflag:$0x1] =	stream.indirect_vreg.gather [hbm4b:s3+s10], $0x1, v0, vm0, $0x4038;
	[tilespmem:$0x400] =	vst v63  }
0x15: {  	_ =	swait.ge [sflag:s6], $0x100  }
0x16: {  	s30 =	sshrl.u32 s13, $0x3;
	[sflag:s6] =	ssyncset.done $0x0  }
0x17: {  	s31 =	sand.u32 $0x7, s13;
	s15 =	sadd.s32 s5, s30;
	[sflag:s6] =	ssyncadd.s32 $0xFFFFFF00  }
0x18: {  	[hbm4b:s15+s31] =	stream.linear.scatter [tilespmem:s14], [sflag:$0x3], $0x100, $0x38;
	[tilespmem:$0x400] =	vst v63  }
.LBB2_5:
0x19: {  	s15 =	sadd.s32 $0x2000, s11  }
0x1a: {  	p2 =	sgt.s32 s15, $0x3FFF  }
0x1b: {  	s15 =	smov.u32 @p2 s2;
	p2 =	sne.s32 s12, s9  }
.Ltmp1:
0x1c: {  	p1 =	slt.u32 s12, $0x2;
	(pc) =	sbr.rel @!p2 .LBB2_6-.Ltmp1, $4  }
0x1d: {  	s14 =	simm.s32 @!p1 $0x3  }
0x1e: {  	s16 =	sadd.s32 $0x1, s12;
	_ =	swait.ge @!p1 [sflag:s14], $0x100  }
0x1f: {  	s13 =	smov.u32 s11;
	p0 =	por !p0, !p0;
	[sflag:s14] =	ssyncset.done @!p1 $0x0  }
0x20: {  	s12 =	smov.u32 s16;
	s11 =	smov.u32 s15;
	[sflag:s14] =	ssyncadd.s32 @!p1 $0xFFFFFF00  }
.LBB2_1:
0x21: {  	p1 =	sge.u32 s12, s8  }
0x22: {  	s14 =	sxor.u32 @!p1 $0xFFFFFFFF, s12  }
0x23: {  	s31 =	sadd.s32 $0xFFFFFFFF, s12;
	s15 =	sshrl.u32 @!p1 s11, $0x3;
	s14 =	sshll.u32 @!p1 s14, $0x8  }
0x24: {  	s16 =	sand.u32 @!p1 $0x7, s11;
	s15 =	sadd.s32 @!p1 s4, s15;
	s14 =	sand.u32 @!p1 $0x100, s14  }
0x25: {  	[tilespmem:s14], [sflag:$0x2] =	stream.linear.gather @!p1 [hbm4b:s15+s16], $0x100, $0x38;
	[tilespmem:$0x400] =	vst v63  }
0x26: {  	p1 =	sge.u32 s31, s8  }
.Ltmp2:
0x27: {  	_ = 	snop;
	(pc) =	sbr.rel @p1 .LBB2_5-.Ltmp2, $1  }
0x28: {  	_ =	sdelay $0x3  }
0x29: {  	s14 =	simm.s32 $0x1  }
0x2a: {  	_ =	swait.ge [sflag:s7], $0x100;
	s14 =	simm.s32 @!p0 $0x0  }
0x2b: {  	[sflag:s7] =	ssyncset.done $0x0;
	s14 =	sshll.u32 s14, $0x8  }
0x2c: {  	[sflag:s7] =	ssyncadd.s32 $0xFFFFFF00;
	(ifvalue) =	ssetifvalue $0x7FFFFFFF;
	v0 =	vld.msk [tilespmem:s14+$0x0 ss:$0x1], $0xffff;
	_ =	sdelay $0x4  }
0x2d: {  	s15 =	sadd.s32 $0x10, s14;
	vm1 =	vgt.s32 v0, $0x0  }
0x2e: {  	v2 =	vld.msk [tilespmem:s15+$0x0 ss:$0x1], $0xffff;
	v1 =	vnsel vm1, $0x0, v0  }
0x2f: {  	v1 =	vmin.u32 v1, $0x3FFF;
	_ =	sdelay $0x1  }
0x30: {  	s16 =	sshll.u32 s12, $0x8;
	s18 =	simm.s32 $0x20  }
0x31: {  	s16 =	sand.u32 $0x100, s16;
	s17 =	sadd.s32 $0x10, s15;
	s15 =	sor.u32 $0x200, s14  }
0x32: {  	s14 =	sor.u32 $0x200, s16;
	s16 =	sadd.s32 $0x10, s15;
	v0 =	vld.msk [tilespmem:s17+$0x0 ss:$0x1], $0xffff;
	vm1 =	vgt.s32 v2, $0x0;
	(ifvalue) =	ssetifvalue $0x7FFFFFFF  }
.LBB2_3:
0x33: {  	[tilespmem:s15], [sflag:$0x1] =	stream.indirect_vreg.gather [hbm4b:s3+s10], $0x1, v1, vm0, $0x4038;
	[tilespmem:$0x400] =	vst v63  }
0x34: {  	s18 =	sadd.s32 $0x10, s18  }
0x35: {  	v2 =	vnsel vm1, $0x0, v2;
	p1 =	slt.u32 s18, $0xF0  }
.Ltmp3:
0x36: {  	s15 =	smov.u32 s16;
	v1 =	vmin.u32 v2, $0x3FFF;
	(pc) =	sbr.rel @p1 .LBB2_3-.Ltmp3, $3  }
0x37: {  	_ =	sdelay $0x1  }
0x38: {  	s17 =	sadd.s32 $0x10, s17  }
0x39: {  	vm1 =	vgt.s32 v0, $0x0;
	s16 =	sadd.s32 $0x10, s16;
	v2 =	vmov v0;
	(ifvalue) =	ssetifvalue $0x7FFFFFFF;
	v0 =	vld.msk [tilespmem:s17+$0x0 ss:$0x1], $0xffff  }
.Ltmp4:
0x3a: {  	_ = 	snop;
	(pc) =	sbr.rel .LBB2_4-.Ltmp4, $1  }
0x3b: {  	_ =	sdelay $0x3  }
.LBB2_6:
0x3c: {  	_ =	sfence.sel $0x180000  }
0x3d: {  	s2 =	simm.s32 $0x2;
	[bflag:$0x0] =	sbarrier.arrive $0xFFFF  }
0x3e: {  	s30 =	simm.s32 $0x3;
	[sflag:s2] =	ssyncpa.u1 $0x1  }
0x3f: {  	s31 =	simm.s32 $0x1;
	[sflag:s30] =	ssyncpa.u1 $0x1  }
0x40: {  	[sflag:s31] =	ssyncpa.u1 $0x1  }
0x41: {  	p0 =	sne.s32 s1, $0x0;
	_ =	strace $0x9000004D  }
0x42: {  	s0 =	sadd.s32 @!p0 $0x100000, s0;
	[bflag:$0x2] =	sbarrier.arrive $0xFFFF  }
0x43: {  	[sflag:s0] =	ssyncadd.tile.s32 @!p0 $0x1;
	_ =	shalt  }
.Lfunc_end2:
_tile_overlayer_lowered:
.L_overlay_start_2:
0x44: {  	(tag) =	ssettag $0x2  }
0x45: {  	s0 =	rddreg [dreg:$0x0];
	s2 =	stileid.u32  }
0x46: {  	s1 =	rddreg [dreg:$0x1];
	p0 =	sne.s32 s2, $0x0  }
0x47: {  	s3 =	rddreg [dreg:$0x2];
	[bflag:$0x3] =	sbarrier.arrive $0xFFFF;
	s2 =	simm.s32 @!p0 $0x1C01  }
0x48: {  	[timem:s3], [sflag:s2] =	dma.local @!p0 [hbm:s0], s1  }
0x49: {  	s0 =	simm.s32 @!p0 $0x1  }
0x4a: {  	_ =	swait.ge @!p0 [sflag:s0], s1  }
0x4b: {  	s1 =	ssub.s32 @!p0 $0x0, s1;
	[sflag:s0] =	ssyncset.done @!p0 $0x0  }
0x4c: {  	[sflag:s0] =	ssyncadd.s32 @!p0 s1  }
0x4d: {  	[bflag:$0x3] =	sbarrier.arrive $0xFFFF  }
0x4e: {  	_ =	shalt  }

// kernel: gather_offload_async_start.2
scs
__scs_entry_jumppad:
0x0: {  	(pc) =	sbr.rel $0x88, $3  }
0x1: {  	(tag) =	ssettag $0x0;
	lr =	simm.s32 $0x1  }
0x2: {  	[smem:$0x3F97] =	sst lr;
	_ =	strace $0xD0000000  }
0x3: {  	_ = 	snop  }
0x4: {  	_ = 	snop  }
0x5: {  	_ = 	snop  }
0x6: {  	_ = 	snop  }
0x7: {  	_ = 	snop  }
__scs_overlays_trampoline_lowered:
0x8: {  	[smem:$0x3FA6] =	sst s0  }
0x9: {  	[smem:$0x3FA7] =	sst s1  }
0xa: {  	[smem:$0x3FA8] =	sst s2  }
0xb: {  	[smem:$0x3FA9] =	sst s3  }
0xc: {  	[smem:$0x3FAA] =	sst s4  }
0xd: {  	[smem:$0x3FAB] =	sst s5  }
0xe: {  	[smem:$0x3FAC] =	sst s6  }
0xf: {  	[smem:$0x3FAD] =	sst s7  }
0x10: {  	[smem:$0x3FAE] =	sst s8  }
0x11: {  	[smem:$0x3FAF] =	sst s9;
	s0 =	simm.s32 @!p0 $0x0  }
0x12: {  	s1 =	sld [smem:$0x3F95];
	s0 =	simm.s32 @p0 $0x1  }
0x13: {  	[smem:$0x3FB0] =	sst s0;
	s0 =	simm.s32 @!p1 $0x0  }
0x14: {  	s2 =	sld [smem:$0x3F94];
	s0 =	simm.s32 @p1 $0x1  }
0x15: {  	[smem:$0x3FB1] =	sst s0;
	s0 =	simm.s32 @!p2 $0x0  }
0x16: {  	s3 =	sld [smem:$0x3FDB];
	s0 =	simm.s32 @p2 $0x1  }
0x17: {  	s4 =	simm.s32 $0x1BF5;
	[smem:$0x3FB3] =	sst s0  }
0x18: {  	s0 =	sld [smem:$0x3F96];
	_ =	swait.ge [sflag:s4], $0x0  }
0x19: {  	s7 =	sld [smem:$0x3F97]  }
0x1a: {  	s8 =	sadd.s32 $0xFFFFE003, lr  }
0x1b: {  	s9 =	sadd.s32 $0xFFFFFEF7, lr;
	s5 =	simm.s32 $0xFFFFFFFF;
	p2 =	slt.u32 s8, $0xFFFFF086  }
0x1c: {  	p1 =	slt.u32 s9, $0xF7A;
	s5 =	simm.s32 @!p2 $0x0  }
0x1d: {  	s5 =	simm.s32 @p1 $0x1;
	p0 =	seq.s32 s7, s2  }
0x1e: {  	s7 =	smul.u32 @!p0 $0xF7A, s2;
	p2 =	seq.s32 @!p0 s5, $0x0  }
0x1f: {  	s9 =	smul.u32 $0xF7A, s1;
	s8 =	simm.s32 @!p0 $0x1BF5;
	p2 =	por !p2, p0  }
0x20: {  	[sflag:s8] =	ssyncset.s32 @!p0 $0xFFFFF086;
	s6 =	sadd.s32 @!p0 s3, s7;
	s7 =	simm.s32 @!p0 $0x108  }
0x21: {  	s3 =	sadd.s32 s3, s9;
	s6 =	sadd.s32 @!p0 $0x88, s6;
	s7 =	simm.s32 @p2 $0x1082  }
0x22: {  	[simem:s7], [sflag:s8] =	dma.local @!p0 [hbm:s6], $0xF7A  }
0x23: {  	s9 =	sor.u32 $0xD0000000, s2;
	s6 =	simm.s32 $0x108;
	_ =	swait.ge @!p0 [sflag:s8], $0x0  }
0x24: {  	s3 =	sadd.s32 $0x88, s3;
	s6 =	simm.s32 @!p1 $0x1082;
	[sflag:s4] =	ssyncset.s32 $0xFFFFF086  }
0x25: {  	[simem:s6], [sflag:s4] =	dma.local [hbm:s3], $0xF7A  }
0x26: {  	[smem:$0x3F97] =	sst s1;
	(tag) =	ssettag s2;
	_ =	strace s9  }
0x27: {  	s1 =	sld [smem:$0x3FA7]  }
0x28: {  	s2 =	sld [smem:$0x3FA8]  }
0x29: {  	s4 =	sld [smem:$0x3FAA]  }
0x2a: {  	p0 =	seq.s32 s5, $0x0;
	s5 =	sld [smem:$0x3FAB]  }
0x2b: {  	s6 =	sld [smem:$0x3FAC]  }
0x2c: {  	s7 =	sld [smem:$0x3FAD]  }
0x2d: {  	s3 =	simm.s32 $0x108;
	s8 =	sld [smem:$0x3FAE]  }
0x2e: {  	s3 =	simm.s32 @!p0 $0x1082;
	s9 =	sld [smem:$0x3FAF]  }
0x2f: {  	lr =	sadd.s32 s0, s3;
	s0 =	sld [smem:$0x3FA6]  }
0x30: {  	s3 =	sld [smem:$0x3FA9]  }
0x31: {  	[smem:$0x3FB2] =	sst s10  }
0x32: {  	s10 =	sld [smem:$0x3FB0];
	_ =	sdelay $0x3  }
0x33: {  	p0 =	seq.s32 s10, $0x1;
	s10 =	sld [smem:$0x3FB2];
	_ =	sdelay $0x3  }
0x34: {  	[smem:$0x3FB2] =	sst s10  }
0x35: {  	s10 =	sld [smem:$0x3FB1];
	_ =	sdelay $0x3  }
0x36: {  	p1 =	seq.s32 s10, $0x1;
	s10 =	sld [smem:$0x3FB2];
	_ =	sdelay $0x3  }
0x37: {  	[smem:$0x3FB2] =	sst s10  }
0x38: {  	s10 =	sld [smem:$0x3FB3]  }
0x39: {  	_ = 	snop;
	(pc) =	sbr.ind lr, $3  }
0x3a: {  	_ = 	snop  }
0x3b: {  	_ = 	snop  }
0x3c: {  	p2 =	seq.s32 s10, $0x1;
	s10 =	sld [smem:$0x3FB2]  }
0x3d: {  	_ =	shalt  }
0x3e: {  	_ =	shalt  }
0x3f: {  	_ =	shalt  }
0x40: {  	_ =	shalt  }
0x41: {  	_ =	shalt  }
0x42: {  	_ =	shalt  }
0x43: {  	_ =	shalt  }
0x44: {  	_ =	shalt  }
0x45: {  	_ =	shalt  }
0x46: {  	_ =	shalt  }
0x47: {  	_ =	shalt  }
0x48: {  	_ =	shalt  }
0x49: {  	_ =	shalt  }
0x4a: {  	_ =	shalt  }
0x4b: {  	_ =	shalt  }
0x4c: {  	_ =	shalt  }
0x4d: {  	_ =	shalt  }
0x4e: {  	_ =	shalt  }
0x4f: {  	_ =	shalt  }
0x50: {  	_ =	shalt  }
0x51: {  	_ =	shalt  }
0x52: {  	_ =	shalt  }
0x53: {  	_ =	shalt  }
0x54: {  	_ =	shalt  }
0x55: {  	_ =	shalt  }
0x56: {  	_ =	shalt  }
0x57: {  	_ =	shalt  }
0x58: {  	_ =	shalt  }
0x59: {  	_ =	shalt  }
0x5a: {  	_ =	shalt  }
0x5b: {  	_ =	shalt  }
0x5c: {  	_ =	shalt  }
0x5d: {  	_ =	shalt  }
0x5e: {  	_ =	shalt  }
0x5f: {  	_ =	shalt  }
0x60: {  	_ =	shalt  }
0x61: {  	_ =	shalt  }
0x62: {  	_ =	shalt  }
0x63: {  	_ =	shalt  }
0x64: {  	_ =	shalt  }
0x65: {  	_ =	shalt  }
0x66: {  	_ =	shalt  }
0x67: {  	_ =	shalt  }
0x68: {  	_ =	shalt  }
0x69: {  	_ =	shalt  }
0x6a: {  	_ =	shalt  }
0x6b: {  	_ =	shalt  }
0x6c: {  	_ =	shalt  }
0x6d: {  	_ =	shalt  }
0x6e: {  	_ =	shalt  }
0x6f: {  	_ =	shalt  }
0x70: {  	_ =	shalt  }
0x71: {  	_ =	shalt  }
0x72: {  	_ =	shalt  }
0x73: {  	_ =	shalt  }
0x74: {  	_ =	shalt  }
0x75: {  	_ =	shalt  }
0x76: {  	_ =	shalt  }
0x77: {  	_ =	shalt  }
0x78: {  	_ =	shalt  }
0x79: {  	_ =	shalt  }
0x7a: {  	_ =	shalt  }
0x7b: {  	_ =	shalt  }
0x7c: {  	_ =	shalt  }
0x7d: {  	_ =	shalt  }
0x7e: {  	_ =	shalt  }
0x7f: {  	_ =	shalt  }
0x80: {  	_ =	shalt  }
0x81: {  	_ =	shalt  }
0x82: {  	_ =	shalt  }
0x83: {  	_ =	shalt  }
0x84: {  	_ =	shalt  }
0x85: {  	_ =	shalt  }
0x86: {  	_ =	shalt  }
0x87: {  	_ =	shalt  }
.Lfunc_end0:
.L_simem_size_0:
called_computation.3_lowered:
.L_overlay_start_0:
0x88: {  	s2 =	sld [smem:$0x3FD9]  }
0x89: {  	s3 =	sld [smem:$0x3FFE];
	_ =	sdelay $0x1  }
0x8a: {  	s1 =	srdreg.scid  }
0x8b: {  	s0 =	sand.u32 $0x1, s1  }
0x8c: {  	s17 =	sshll.u32 s0, $0xA;
	s2 =	sadd.s32 s3, s2  }
0x8d: {  	s2 =	sadd.s32 s2, s17  }
0x8e: {  	[smem:$0x3FBE] =	sst s2  }
0x8f: {  	_ = 	snop  }
0x90: {  	(tm) =	ssettm $0x1  }
0x91: {  	s18 =	sld [smem:$0x3FFB];
	_ =	sdelay $0x3  }
0x92: {  	_ =	strace s18  }
0x93: {  	s2 =	sld [smem:$0x3FFC];
	_ =	sdelay $0x3  }
0x94: {  	_ =	strace s2  }
0x95: {  	s2 =	sld [smem:$0x3FFD];
	_ =	sdelay $0x3  }
0x96: {  	_ =	strace s2  }
0x97: {  	_ =	strace $0x8FFFFFFF  }
0x98: {  	s19 =	sld [smem:$0x3FDB];
	_ =	sdelay $0x1  }
0x99: {  	s20 =	simm.s32 $_scs_section_size  }
0x9a: {  	s4 =	simm.s32 $_size__tile_overlayer_lowered;
	s5 =	simm.s32 $_tile_overlayer_lowered  }
0x9b: {  	s6 =	simm.s32 $0x1BFF;
	s21 =	sshll.u32 s5, $0x1;
	s3 =	sadd.s32 s20, s19  }
0x9c: {  	s22 =	simm.s32 $0x0;
	s4 =	sshll.u32 s4, $0x1;
	s5 =	sadd.s32 s21, s3  }
0x9d: {  	[timem:s22], [sflag:s6] =	dma.local [hbm:s5], s4  }
0x9e: {  	_ =	swait.ge [sflag:s6], s4  }
0x9f: {  	s4 =	ssub.s32 $0x0, s4;
	[sflag:s6] =	ssyncset.done $0x0  }
0xa0: {  	[sflag:s6] =	ssyncadd.s32 s4;
	_ =	sdelay $0x1  }
0xa1: {  	s23 =	simm.s32 $0x1B8B  }
0xa2: {  	_ =	swait.ge [sflag:s23], $0x1  }
0xa3: {  	[sflag:s23] =	ssyncset.done $0x0  }
0xa4: {  	[sflag:s23] =	ssyncadd.s32 $0xFFFFFFFF  }
0xa5: {  	s4 =	sld [smem:$0x0]  }
0xa6: {  	s5 =	sand.u32 $0xFFFFFFFE, s1  }
0xa7: {  	p0 =	sne.s32 s1, s5  }
0xa8: {  	s5 =	sshll.u32 @p0 s5, $0xE  }
0xa9: {  	s5 =	sadd.s32 @p0 $0x11B8D, s5;
	s6 =	sshll.u32 @p0 s4, $0x11  }
0xaa: {  	s5 =	sor.u32 @p0 s6, s5  }
0xab: {  	[sflag:s5] =	ssyncadd.remote.s32 @p0 $0x1;
	_ =	sdelay $0x1  }
0xac: {  	s5 =	simm.s32 @p0 $0x1B8D  }
0xad: {  	_ =	swait.eq @p0 [sflag:s5], $0x1  }
0xae: {  	[sflag:s5] =	ssyncadd.s32 @p0 $0xFFFFFFFF  }
0xaf: {  	s6 =	sshll.u32 @!p0 s1, $0xE  }
0xb0: {  	s6 =	sor.u32 @!p0 $0x4000, s6;
	s5 =	simm.s32 @!p0 $0x1B8D  }
0xb1: {  	s4 =	sshll.u32 @!p0 s4, $0x11;
	s6 =	sadd.s32 @!p0 $0x11B8D, s6;
	_ =	swait.eq @!p0 [sflag:s5], $0x1  }
0xb2: {  	s4 =	sor.u32 @!p0 s4, s6;
	[sflag:s5] =	ssyncadd.s32 @!p0 $0xFFFFFFFF  }
0xb3: {  	s25 =	simm.s32 $0x1B8E;
	s24 =	sld [smem:$0x3FFE];
	[sflag:s4] =	ssyncadd.remote.s32 @!p0 $0x1  }
0xb4: {  	s26 =	simm.s32 $execute0_lowered;
	[smem:$0x3FD2] =	sst s25  }
0xb5: {  	s5 =	sshll.u32 s26, $0x1;
	_ =	strace $0x80000058;
	[dreg:$0x1] =	wrdreg $0xFFFFFFFF  }
0xb6: {  	s28 =	simm.s32 $_size_execute0_lowered;
	s3 =	sadd.s32 s3, s5;
	[dreg:$0x0] =	wrdreg $0x0  }
0xb7: {  	s5 =	sshll.u32 s28, $0x1;
	[dreg:$0x2] =	wrdreg s3  }
0xb8: {  	[dreg:$0x3] =	wrdreg s5  }
0xb9: {  	[dreg:$0x4] =	wrdreg $0xC0  }
0xba: {  	_ =	task [dreg:s22], $0x5FFFF  }
0xbb: {  	[dreg:$0x1] =	wrdreg $0xFFFFFFFF  }
0xbc: {  	[dreg:$0x0] =	wrdreg $0x60  }
0xbd: {  	[dreg:$0x2] =	wrdreg s24  }
0xbe: {  	[dreg:$0x3] =	wrdreg $0x9  }
0xbf: {  	_ =	task.clear_ibuf [dreg:s22], $0x4FFFF;
	_ =	strace $0x90000058  }
0xc0: {  	s29 =	simm.s32 $0x9;
	_ =	strace $0x8000005A  }
0xc1: {  	_ =	swait.ge [sflag:s29], $0x1  }
0xc2: {  	[sflag:s29] =	ssyncadd.s32 $0xFFFFFFFF  }
0xc3: {  	_ =	strace $0x9000005A  }
0xc4: {  	_ =	sfence  }
0xc5: {  	s30 =	sld [smem:$0x0];
	_ =	sdelay $0x2  }
0xc6: {  	s31 =	sshll.u32 s1, $0xD;
	s1 =	sshrl.u32 s1, $0x2  }
0xc7: {  	s4 =	sand.u32 $0x4000, s31;
	s1 =	sadd.s32 s1, s30  }
0xc8: {  	s0 =	sor.u32 s4, s0;
	s1 =	sshll.u32 s1, $0x11  }
0xc9: {  	s0 =	sor.u32 s1, s0  }
0xca: {  	s0 =	sadd.s32 $0x8F2B, s0  }
0xcb: {  	[sflag:s0] =	ssyncadd.remote.s32 $0x1  }
0xcc: {  	_ =	sfence.sel $0xFFFF  }
0xcd: {  	[dreg:$0x0] =	wrdreg $0xFFFFFFFF;
	(pc) =	sbr.abs _section_cstart, $3  }
0xce: {  	[dreg:$0x1] =	wrdreg $0xFFFFFFFF  }
0xcf: {  	_ =	task.clear_ibuf [dreg:s22], $0x2FFFF;
	_ =	strace $0x9FFFFFFF  }
0xd0: {  	(tm) =	ssettm $0x7FFFFFFF  }
0xd1: {  	_ =	shalt  }
tec
execute0_lowered:
.L_overlay_start_1:
0x0: {  	(tag) =	ssettag $0x1  }
0x1: {  	s1 =	srdreg.scid  }
0x2: {  	s0 =	stileid.u32;
	s2 =	rddreg [dreg:$0x0];
	s6 =	simm.s32 $0x1  }
0x3: {  	s9 =	simm.s32 $0x1;
	s10 =	simm.s32 $0x3;
	s1 =	sshll.u32 s1, $0x7  }
0x4: {  	s13 =	simm.s32 $0x0;
	s3 =	sshll.u32 s0, $0x8;
	s4 =	sand.u32 $0x80, s1  }
0x5: {  	s12 =	simm.s32 $0x0;
	s5 =	sadd.s32 $0xE00, s2;
	s3 =	sor.u32 s3, s4  }
0x6: {  	s1 =	rddreg [dreg:$0x1];
	_ =	strace $0x80000059;
	s8 =	ssub.s32 $0x2000, s3  }
.Ltmp0:
0x7: {  	s4 =	sadd.s32 $0xC3600, s2;
	s7 =	sand.u32 $0xF80, s8;
	(pc) =	sbr.rel .LBB2_1-.Ltmp0, $4  }
0x8: {  	[sflag:s6] =	ssyncpa.u1 $0x0;
	s11 =	smov.u32 s3;
	p0 =	sne.s32 s7, $0x0  }
0x9: {  	s8 =	sshrl.u32 s8, $0xC;
	s7 =	simm.s32 $0x2;
	s9 =	simm.s32 @!p0 $0x0  }
0xa: {  	[sflag:s7] =	ssyncpa.u1 $0x0;
	p0 =	por $0x0, $0x0;
	s8 =	sadd.s32 s9, s8  }
0xb: {  	vm0 =	vmmov $0xffff;
	[sflag:s10] =	ssyncpa.u1 $0x0;
	s10 =	simm.s32 $0x0;
	s9 =	sadd.s32 $0x1, s8  }
.LBB2_4:
0xc: {  	v2 =	vnsel vm1, $0x0, v2  }
0xd: {  	vm1 =	vgt.s32 v0, $0x0;
	v2 =	vmin.u32 v2, $0x4FFF  }
0xe: {  	v0 =	vnsel vm1, $0x0, v0  }
0xf: {  	v0 =	vmin.u32 v0, $0x4FFF  }
0x10: {  	[tilespmem:s15], [sflag:$0x1] =	stream.indirect_vreg.gather [hbm4b:s2+s10], $0x1, v1, vm0, $0x4038;
	[tilespmem:$0x200] =	vst v63  }
0x11: {  	(ifvalue) =	ssetifvalue $0x7FFFFFFF  }
0x12: {  	[tilespmem:s16], [sflag:$0x1] =	stream.indirect_vreg.gather [hbm4b:s2+s10], $0x1, v2, vm0, $0x4038;
	[tilespmem:$0x200] =	vst v63  }
0x13: {  	s29 =	sadd.s32 $0x10, s16;
	(ifvalue) =	ssetifvalue $0x7FFFFFFF  }
0x14: {  	[tilespmem:s29], [sflag:$0x1] =	stream.indirect_vreg.gather [hbm4b:s2+s10], $0x1, v0, vm0, $0x4038;
	[tilespmem:$0x200] =	vst v63  }
0x15: {  	_ =	swait.ge [sflag:s6], $0x80  }
0x16: {  	s30 =	sshrl.u32 s13, $0x3;
	[sflag:s6] =	ssyncset.done $0x0  }
0x17: {  	s31 =	sand.u32 $0x7, s13;
	s15 =	sadd.s32 s5, s30;
	[sflag:s6] =	ssyncadd.s32 $0xFFFFFF80  }
0x18: {  	[hbm4b:s15+s31] =	stream.linear.scatter [tilespmem:s14], [sflag:$0x3], $0x80, $0x38;
	[tilespmem:$0x200] =	vst v63  }
.LBB2_5:
0x19: {  	s15 =	sadd.s32 $0x1000, s11  }
0x1a: {  	p2 =	sgt.s32 s15, $0x1FFF  }
0x1b: {  	s15 =	smov.u32 @p2 s3;
	p2 =	sne.s32 s12, s9  }
.Ltmp1:
0x1c: {  	p1 =	slt.u32 s12, $0x2;
	(pc) =	sbr.rel @!p2 .LBB2_6-.Ltmp1, $4  }
0x1d: {  	s14 =	simm.s32 @!p1 $0x3  }
0x1e: {  	s16 =	sadd.s32 $0x1, s12;
	_ =	swait.ge @!p1 [sflag:s14], $0x80  }
0x1f: {  	s13 =	smov.u32 s11;
	p0 =	por !p0, !p0;
	[sflag:s14] =	ssyncset.done @!p1 $0x0  }
0x20: {  	s12 =	smov.u32 s16;
	s11 =	smov.u32 s15;
	[sflag:s14] =	ssyncadd.s32 @!p1 $0xFFFFFF80  }
.LBB2_1:
0x21: {  	p1 =	sge.u32 s12, s8  }
0x22: {  	s14 =	sxor.u32 @!p1 $0xFFFFFFFF, s12  }
0x23: {  	s31 =	sadd.s32 $0xFFFFFFFF, s12;
	s15 =	sshrl.u32 @!p1 s11, $0x3;
	s14 =	sshll.u32 @!p1 s14, $0x7  }
0x24: {  	s16 =	sand.u32 @!p1 $0x7, s11;
	s15 =	sadd.s32 @!p1 s4, s15;
	s14 =	sand.u32 @!p1 $0x80, s14  }
0x25: {  	[tilespmem:s14], [sflag:$0x2] =	stream.linear.gather @!p1 [hbm4b:s15+s16], $0x80, $0x38;
	[tilespmem:$0x200] =	vst v63  }
0x26: {  	p1 =	sge.u32 s31, s8  }
.Ltmp2:
0x27: {  	_ = 	snop;
	(pc) =	sbr.rel @p1 .LBB2_5-.Ltmp2, $1  }
0x28: {  	_ =	sdelay $0x3  }
0x29: {  	s14 =	simm.s32 $0x1  }
0x2a: {  	_ =	swait.ge [sflag:s7], $0x80;
	s14 =	simm.s32 @!p0 $0x0  }
0x2b: {  	[sflag:s7] =	ssyncset.done $0x0;
	s14 =	sshll.u32 s14, $0x7  }
0x2c: {  	[sflag:s7] =	ssyncadd.s32 $0xFFFFFF80;
	(ifvalue) =	ssetifvalue $0x7FFFFFFF;
	v0 =	vld.msk [tilespmem:s14+$0x0 ss:$0x1], $0xffff;
	_ =	sdelay $0x4  }
0x2d: {  	s15 =	sadd.s32 $0x10, s14;
	vm1 =	vgt.s32 v0, $0x0  }
0x2e: {  	v2 =	vld.msk [tilespmem:s15+$0x0 ss:$0x1], $0xffff;
	v1 =	vnsel vm1, $0x0, v0  }
0x2f: {  	v1 =	vmin.u32 v1, $0x4FFF;
	_ =	sdelay $0x1  }
0x30: {  	s16 =	sshll.u32 s12, $0x7;
	s18 =	simm.s32 $0x20  }
0x31: {  	s16 =	sand.u32 $0x80, s16;
	s17 =	sadd.s32 $0x10, s15;
	s15 =	sor.u32 $0x100, s14  }
0x32: {  	s14 =	sor.u32 $0x100, s16;
	s16 =	sadd.s32 $0x10, s15;
	v0 =	vld.msk [tilespmem:s17+$0x0 ss:$0x1], $0xffff;
	vm1 =	vgt.s32 v2, $0x0;
	(ifvalue) =	ssetifvalue $0x7FFFFFFF  }
.LBB2_3:
0x33: {  	[tilespmem:s15], [sflag:$0x1] =	stream.indirect_vreg.gather [hbm4b:s2+s10], $0x1, v1, vm0, $0x4038;
	[tilespmem:$0x200] =	vst v63  }
0x34: {  	s18 =	sadd.s32 $0x10, s18  }
0x35: {  	v2 =	vnsel vm1, $0x0, v2;
	p1 =	slt.u32 s18, $0x70  }
.Ltmp3:
0x36: {  	s15 =	smov.u32 s16;
	v1 =	vmin.u32 v2, $0x4FFF;
	(pc) =	sbr.rel @p1 .LBB2_3-.Ltmp3, $3  }
0x37: {  	_ =	sdelay $0x1  }
0x38: {  	s17 =	sadd.s32 $0x10, s17  }
0x39: {  	vm1 =	vgt.s32 v0, $0x0;
	s16 =	sadd.s32 $0x10, s16;
	v2 =	vmov v0;
	(ifvalue) =	ssetifvalue $0x7FFFFFFF;
	v0 =	vld.msk [tilespmem:s17+$0x0 ss:$0x1], $0xffff  }
.Ltmp4:
0x3a: {  	_ = 	snop;
	(pc) =	sbr.rel .LBB2_4-.Ltmp4, $1  }
0x3b: {  	_ =	sdelay $0x3  }
.LBB2_6:
0x3c: {  	_ =	sfence.sel $0x180000  }
0x3d: {  	s2 =	simm.s32 $0x2;
	[bflag:$0x0] =	sbarrier.arrive $0xFFFF  }
0x3e: {  	s30 =	simm.s32 $0x3;
	[sflag:s2] =	ssyncpa.u1 $0x1  }
0x3f: {  	s31 =	simm.s32 $0x1;
	[sflag:s30] =	ssyncpa.u1 $0x1  }
0x40: {  	[sflag:s31] =	ssyncpa.u1 $0x1  }
0x41: {  	p0 =	sne.s32 s0, $0x0;
	_ =	strace $0x90000059  }
0x42: {  	s0 =	sadd.s32 @!p0 $0x100000, s1;
	[bflag:$0x2] =	sbarrier.arrive $0xFFFF  }
0x43: {  	[sflag:s0] =	ssyncadd.tile.s32 @!p0 $0x1;
	_ =	shalt  }
.Lfunc_end2:
_tile_overlayer_lowered:
.L_overlay_start_2:
0x44: {  	(tag) =	ssettag $0x2  }
0x45: {  	s0 =	rddreg [dreg:$0x0];
	s2 =	stileid.u32  }
0x46: {  	s1 =	rddreg [dreg:$0x1];
	p0 =	sne.s32 s2, $0x0  }
0x47: {  	s3 =	rddreg [dreg:$0x2];
	[bflag:$0x3] =	sbarrier.arrive $0xFFFF;
	s2 =	simm.s32 @!p0 $0x1C01  }
0x48: {  	[timem:s3], [sflag:s2] =	dma.local @!p0 [hbm:s0], s1  }
0x49: {  	s0 =	simm.s32 @!p0 $0x1  }
0x4a: {  	_ =	swait.ge @!p0 [sflag:s0], s1  }
0x4b: {  	s1 =	ssub.s32 @!p0 $0x0, s1;
	[sflag:s0] =	ssyncset.done @!p0 $0x0  }
0x4c: {  	[sflag:s0] =	ssyncadd.s32 @!p0 s1  }
0x4d: {  	[bflag:$0x3] =	sbarrier.arrive $0xFFFF  }
0x4e: {  	_ =	shalt  }

// kernel: gather_offload_async_start.3
scs
__scs_entry_jumppad:
0x0: {  	(pc) =	sbr.rel $0x88, $3  }
0x1: {  	(tag) =	ssettag $0x0;
	lr =	simm.s32 $0x1  }
0x2: {  	[smem:$0x3F97] =	sst lr;
	_ =	strace $0xD0000000  }
0x3: {  	_ = 	snop  }
0x4: {  	_ = 	snop  }
0x5: {  	_ = 	snop  }
0x6: {  	_ = 	snop  }
0x7: {  	_ = 	snop  }
__scs_overlays_trampoline_lowered:
0x8: {  	[smem:$0x3FA6] =	sst s0  }
0x9: {  	[smem:$0x3FA7] =	sst s1  }
0xa: {  	[smem:$0x3FA8] =	sst s2  }
0xb: {  	[smem:$0x3FA9] =	sst s3  }
0xc: {  	[smem:$0x3FAA] =	sst s4  }
0xd: {  	[smem:$0x3FAB] =	sst s5  }
0xe: {  	[smem:$0x3FAC] =	sst s6  }
0xf: {  	[smem:$0x3FAD] =	sst s7  }
0x10: {  	[smem:$0x3FAE] =	sst s8  }
0x11: {  	[smem:$0x3FAF] =	sst s9;
	s0 =	simm.s32 @!p0 $0x0  }
0x12: {  	s1 =	sld [smem:$0x3F95];
	s0 =	simm.s32 @p0 $0x1  }
0x13: {  	[smem:$0x3FB0] =	sst s0;
	s0 =	simm.s32 @!p1 $0x0  }
0x14: {  	s2 =	sld [smem:$0x3F94];
	s0 =	simm.s32 @p1 $0x1  }
0x15: {  	[smem:$0x3FB1] =	sst s0;
	s0 =	simm.s32 @!p2 $0x0  }
0x16: {  	s3 =	sld [smem:$0x3FDB];
	s0 =	simm.s32 @p2 $0x1  }
0x17: {  	s4 =	simm.s32 $0x1BF5;
	[smem:$0x3FB3] =	sst s0  }
0x18: {  	s0 =	sld [smem:$0x3F96];
	_ =	swait.ge [sflag:s4], $0x0  }
0x19: {  	s7 =	sld [smem:$0x3F97]  }
0x1a: {  	s8 =	sadd.s32 $0xFFFFE003, lr  }
0x1b: {  	s9 =	sadd.s32 $0xFFFFFEF7, lr;
	s5 =	simm.s32 $0xFFFFFFFF;
	p2 =	slt.u32 s8, $0xFFFFF086  }
0x1c: {  	p1 =	slt.u32 s9, $0xF7A;
	s5 =	simm.s32 @!p2 $0x0  }
0x1d: {  	s5 =	simm.s32 @p1 $0x1;
	p0 =	seq.s32 s7, s2  }
0x1e: {  	s7 =	smul.u32 @!p0 $0xF7A, s2;
	p2 =	seq.s32 @!p0 s5, $0x0  }
0x1f: {  	s9 =	smul.u32 $0xF7A, s1;
	s8 =	simm.s32 @!p0 $0x1BF5;
	p2 =	por !p2, p0  }
0x20: {  	[sflag:s8] =	ssyncset.s32 @!p0 $0xFFFFF086;
	s6 =	sadd.s32 @!p0 s3, s7;
	s7 =	simm.s32 @!p0 $0x108  }
0x21: {  	s3 =	sadd.s32 s3, s9;
	s6 =	sadd.s32 @!p0 $0x88, s6;
	s7 =	simm.s32 @p2 $0x1082  }
0x22: {  	[simem:s7], [sflag:s8] =	dma.local @!p0 [hbm:s6], $0xF7A  }
0x23: {  	s9 =	sor.u32 $0xD0000000, s2;
	s6 =	simm.s32 $0x108;
	_ =	swait.ge @!p0 [sflag:s8], $0x0  }
0x24: {  	s3 =	sadd.s32 $0x88, s3;
	s6 =	simm.s32 @!p1 $0x1082;
	[sflag:s4] =	ssyncset.s32 $0xFFFFF086  }
0x25: {  	[simem:s6], [sflag:s4] =	dma.local [hbm:s3], $0xF7A  }
0x26: {  	[smem:$0x3F97] =	sst s1;
	(tag) =	ssettag s2;
	_ =	strace s9  }
0x27: {  	s1 =	sld [smem:$0x3FA7]  }
0x28: {  	s2 =	sld [smem:$0x3FA8]  }
0x29: {  	s4 =	sld [smem:$0x3FAA]  }
0x2a: {  	p0 =	seq.s32 s5, $0x0;
	s5 =	sld [smem:$0x3FAB]  }
0x2b: {  	s6 =	sld [smem:$0x3FAC]  }
0x2c: {  	s7 =	sld [smem:$0x3FAD]  }
0x2d: {  	s3 =	simm.s32 $0x108;
	s8 =	sld [smem:$0x3FAE]  }
0x2e: {  	s3 =	simm.s32 @!p0 $0x1082;
	s9 =	sld [smem:$0x3FAF]  }
0x2f: {  	lr =	sadd.s32 s0, s3;
	s0 =	sld [smem:$0x3FA6]  }
0x30: {  	s3 =	sld [smem:$0x3FA9]  }
0x31: {  	[smem:$0x3FB2] =	sst s10  }
0x32: {  	s10 =	sld [smem:$0x3FB0];
	_ =	sdelay $0x3  }
0x33: {  	p0 =	seq.s32 s10, $0x1;
	s10 =	sld [smem:$0x3FB2];
	_ =	sdelay $0x3  }
0x34: {  	[smem:$0x3FB2] =	sst s10  }
0x35: {  	s10 =	sld [smem:$0x3FB1];
	_ =	sdelay $0x3  }
0x36: {  	p1 =	seq.s32 s10, $0x1;
	s10 =	sld [smem:$0x3FB2];
	_ =	sdelay $0x3  }
0x37: {  	[smem:$0x3FB2] =	sst s10  }
0x38: {  	s10 =	sld [smem:$0x3FB3]  }
0x39: {  	_ = 	snop;
	(pc) =	sbr.ind lr, $3  }
0x3a: {  	_ = 	snop  }
0x3b: {  	_ = 	snop  }
0x3c: {  	p2 =	seq.s32 s10, $0x1;
	s10 =	sld [smem:$0x3FB2]  }
0x3d: {  	_ =	shalt  }
0x3e: {  	_ =	shalt  }
0x3f: {  	_ =	shalt  }
0x40: {  	_ =	shalt  }
0x41: {  	_ =	shalt  }
0x42: {  	_ =	shalt  }
0x43: {  	_ =	shalt  }
0x44: {  	_ =	shalt  }
0x45: {  	_ =	shalt  }
0x46: {  	_ =	shalt  }
0x47: {  	_ =	shalt  }
0x48: {  	_ =	shalt  }
0x49: {  	_ =	shalt  }
0x4a: {  	_ =	shalt  }
0x4b: {  	_ =	shalt  }
0x4c: {  	_ =	shalt  }
0x4d: {  	_ =	shalt  }
0x4e: {  	_ =	shalt  }
0x4f: {  	_ =	shalt  }
0x50: {  	_ =	shalt  }
0x51: {  	_ =	shalt  }
0x52: {  	_ =	shalt  }
0x53: {  	_ =	shalt  }
0x54: {  	_ =	shalt  }
0x55: {  	_ =	shalt  }
0x56: {  	_ =	shalt  }
0x57: {  	_ =	shalt  }
0x58: {  	_ =	shalt  }
0x59: {  	_ =	shalt  }
0x5a: {  	_ =	shalt  }
0x5b: {  	_ =	shalt  }
0x5c: {  	_ =	shalt  }
0x5d: {  	_ =	shalt  }
0x5e: {  	_ =	shalt  }
0x5f: {  	_ =	shalt  }
0x60: {  	_ =	shalt  }
0x61: {  	_ =	shalt  }
0x62: {  	_ =	shalt  }
0x63: {  	_ =	shalt  }
0x64: {  	_ =	shalt  }
0x65: {  	_ =	shalt  }
0x66: {  	_ =	shalt  }
0x67: {  	_ =	shalt  }
0x68: {  	_ =	shalt  }
0x69: {  	_ =	shalt  }
0x6a: {  	_ =	shalt  }
0x6b: {  	_ =	shalt  }
0x6c: {  	_ =	shalt  }
0x6d: {  	_ =	shalt  }
0x6e: {  	_ =	shalt  }
0x6f: {  	_ =	shalt  }
0x70: {  	_ =	shalt  }
0x71: {  	_ =	shalt  }
0x72: {  	_ =	shalt  }
0x73: {  	_ =	shalt  }
0x74: {  	_ =	shalt  }
0x75: {  	_ =	shalt  }
0x76: {  	_ =	shalt  }
0x77: {  	_ =	shalt  }
0x78: {  	_ =	shalt  }
0x79: {  	_ =	shalt  }
0x7a: {  	_ =	shalt  }
0x7b: {  	_ =	shalt  }
0x7c: {  	_ =	shalt  }
0x7d: {  	_ =	shalt  }
0x7e: {  	_ =	shalt  }
0x7f: {  	_ =	shalt  }
0x80: {  	_ =	shalt  }
0x81: {  	_ =	shalt  }
0x82: {  	_ =	shalt  }
0x83: {  	_ =	shalt  }
0x84: {  	_ =	shalt  }
0x85: {  	_ =	shalt  }
0x86: {  	_ =	shalt  }
0x87: {  	_ =	shalt  }
.Lfunc_end0:
.L_simem_size_0:
called_computation.4_lowered:
.L_overlay_start_0:
0x88: {  	s2 =	sld [smem:$0x3FD9]  }
0x89: {  	s3 =	sld [smem:$0x3FFE];
	_ =	sdelay $0x1  }
0x8a: {  	s1 =	srdreg.scid  }
0x8b: {  	s0 =	sand.u32 $0x1, s1  }
0x8c: {  	s17 =	sshll.u32 s0, $0xA;
	s2 =	sadd.s32 s3, s2  }
0x8d: {  	s2 =	sadd.s32 s2, s17  }
0x8e: {  	[smem:$0x3FBE] =	sst s2  }
0x8f: {  	_ = 	snop  }
0x90: {  	s2 =	sld [smem:$0x3FD0];
	(tm) =	ssettm $0x1  }
0x91: {  	s18 =	sld [smem:$0x3FFB];
	_ =	sdelay $0x3  }
0x92: {  	_ =	strace s18  }
0x93: {  	s3 =	sld [smem:$0x3FFC];
	_ =	sdelay $0x3  }
0x94: {  	_ =	strace s3  }
0x95: {  	s3 =	sld [smem:$0x3FFD];
	_ =	sdelay $0x3  }
0x96: {  	_ =	strace s3  }
0x97: {  	_ =	strace $0x8FFFFFFF  }
0x98: {  	s19 =	sld [smem:$0x3FDB];
	_ =	sdelay $0x1  }
0x99: {  	s4 =	simm.s32 $_scs_section_size  }
0x9a: {  	s5 =	simm.s32 $_size__tile_overlayer_lowered;
	s6 =	simm.s32 $_tile_overlayer_lowered  }
0x9b: {  	s22 =	simm.s32 $0x1BFF;
	s21 =	sshll.u32 s6, $0x1;
	s3 =	sadd.s32 s4, s19  }
0x9c: {  	s7 =	simm.s32 $0x0;
	s20 =	sshll.u32 s5, $0x1;
	s5 =	sadd.s32 s21, s3  }
0x9d: {  	[timem:s7], [sflag:s22] =	dma.local [hbm:s5], s20  }
0x9e: {  	_ =	swait.ge [sflag:s22], s20  }
0x9f: {  	s4 =	ssub.s32 $0x0, s20;
	[sflag:s22] =	ssyncset.done $0x0  }
0xa0: {  	[sflag:s22] =	ssyncadd.s32 s4;
	_ =	sdelay $0x1  }
0xa1: {  	s23 =	simm.s32 $0x1B8B  }
0xa2: {  	_ =	swait.ge [sflag:s23], $0x1  }
0xa3: {  	[sflag:s23] =	ssyncset.done $0x0  }
0xa4: {  	s25 =	simm.s32 $0x1B8E;
	s24 =	sld [smem:$0x3FFE];
	[sflag:s23] =	ssyncadd.s32 $0xFFFFFFFF  }
0xa5: {  	s26 =	simm.s32 $execute0_lowered;
	[smem:$0x3FD2] =	sst s25  }
0xa6: {  	s5 =	sshll.u32 s26, $0x1;
	_ =	strace $0x80000055;
	[dreg:$0x1] =	wrdreg $0xFFFFFFFF  }
0xa7: {  	s28 =	simm.s32 $_size_execute0_lowered;
	s3 =	sadd.s32 s3, s5;
	[dreg:$0x0] =	wrdreg $0x0  }
0xa8: {  	s5 =	sshll.u32 s28, $0x1;
	[dreg:$0x2] =	wrdreg s3  }
0xa9: {  	[dreg:$0x3] =	wrdreg s5  }
0xaa: {  	[dreg:$0x4] =	wrdreg $0xC0  }
0xab: {  	_ =	task [dreg:s7], $0x5FFFF  }
0xac: {  	[dreg:$0x1] =	wrdreg $0xFFFFFFFF  }
0xad: {  	[dreg:$0x0] =	wrdreg $0x60  }
0xae: {  	[dreg:$0x2] =	wrdreg s24  }
0xaf: {  	[dreg:$0x3] =	wrdreg s2  }
0xb0: {  	[dreg:$0x4] =	wrdreg $0xA  }
0xb1: {  	_ =	task.clear_ibuf [dreg:s7], $0x5FFFF;
	_ =	strace $0x90000055  }
0xb2: {  	s29 =	simm.s32 $0xA;
	_ =	strace $0x80000057  }
0xb3: {  	_ =	swait.ge [sflag:s29], $0x1  }
0xb4: {  	[sflag:s29] =	ssyncadd.s32 $0xFFFFFFFF  }
0xb5: {  	_ =	strace $0x90000057  }
0xb6: {  	_ =	sfence  }
0xb7: {  	s30 =	sld [smem:$0x0];
	_ =	sdelay $0x2  }
0xb8: {  	s31 =	sshll.u32 s1, $0xD;
	s1 =	sshrl.u32 s1, $0x2  }
0xb9: {  	s3 =	sand.u32 $0x4000, s31;
	s1 =	sadd.s32 s1, s30  }
0xba: {  	s0 =	sor.u32 s3, s0;
	s1 =	sshll.u32 s1, $0x11  }
0xbb: {  	s0 =	sor.u32 s1, s0  }
0xbc: {  	s0 =	sadd.s32 $0x8F2B, s0  }
0xbd: {  	[sflag:s0] =	ssyncadd.remote.s32 $0x1  }
0xbe: {  	_ =	sfence.sel $0xFFFF  }
0xbf: {  	[dreg:$0x0] =	wrdreg $0xFFFFFFFF;
	(pc) =	sbr.abs _section_cstart, $3  }
0xc0: {  	[dreg:$0x1] =	wrdreg $0xFFFFFFFF  }
0xc1: {  	_ =	task.clear_ibuf [dreg:s7], $0x2FFFF;
	_ =	strace $0x9FFFFFFF  }
0xc2: {  	(tm) =	ssettm $0x7FFFFFFF  }
0xc3: {  	_ =	shalt  }
tec
execute0_lowered:
.L_overlay_start_1:
0x0: {  	(tag) =	ssettag $0x1  }
0x1: {  	s1 =	srdreg.scid;
	s2 =	rddreg [dreg:$0x0]  }
0x2: {  	s0 =	stileid.u32;
	s3 =	rddreg [dreg:$0x1]  }
0x3: {  	s6 =	simm.s32 $0x1;
	s9 =	simm.s32 $0x1;
	s1 =	sshll.u32 s1, $0x7  }
0x4: {  	s10 =	simm.s32 $0x3;
	s4 =	sshll.u32 s0, $0x8;
	s5 =	sand.u32 $0x80, s1  }
0x5: {  	s13 =	simm.s32 $0x0;
	s12 =	simm.s32 $0x0;
	s4 =	sor.u32 s4, s5  }
0x6: {  	s1 =	rddreg [dreg:$0x2];
	_ =	strace $0x80000056;
	s8 =	ssub.s32 $0x2000, s4  }
.Ltmp0:
0x7: {  	s5 =	sadd.s32 $0xA00, s2;
	s7 =	sand.u32 $0xF80, s8;
	(pc) =	sbr.rel .LBB2_1-.Ltmp0, $4  }
0x8: {  	[sflag:s6] =	ssyncpa.u1 $0x0;
	s11 =	smov.u32 s4;
	p0 =	sne.s32 s7, $0x0  }
0x9: {  	s8 =	sshrl.u32 s8, $0xC;
	s7 =	simm.s32 $0x2;
	s9 =	simm.s32 @!p0 $0x0  }
0xa: {  	[sflag:s7] =	ssyncpa.u1 $0x0;
	p0 =	por $0x0, $0x0;
	s8 =	sadd.s32 s9, s8  }
0xb: {  	vm0 =	vmmov $0xffff;
	[sflag:s10] =	ssyncpa.u1 $0x0;
	s10 =	simm.s32 $0x0;
	s9 =	sadd.s32 $0x1, s8  }
.LBB2_4:
0xc: {  	v2 =	vnsel vm1, $0x0, v2  }
0xd: {  	vm1 =	vgt.s32 v0, $0x0;
	v2 =	vmin.u32 v2, $0x4FFF  }
0xe: {  	v0 =	vnsel vm1, $0x0, v0  }
0xf: {  	v0 =	vmin.u32 v0, $0x4FFF  }
0x10: {  	[tilespmem:s15], [sflag:$0x1] =	stream.indirect_vreg.gather [hbm4b:s2+s10], $0x1, v1, vm0, $0x4038;
	[tilespmem:$0x200] =	vst v63  }
0x11: {  	(ifvalue) =	ssetifvalue $0x7FFFFFFF  }
0x12: {  	[tilespmem:s16], [sflag:$0x1] =	stream.indirect_vreg.gather [hbm4b:s2+s10], $0x1, v2, vm0, $0x4038;
	[tilespmem:$0x200] =	vst v63  }
0x13: {  	s29 =	sadd.s32 $0x10, s16;
	(ifvalue) =	ssetifvalue $0x7FFFFFFF  }
0x14: {  	[tilespmem:s29], [sflag:$0x1] =	stream.indirect_vreg.gather [hbm4b:s2+s10], $0x1, v0, vm0, $0x4038;
	[tilespmem:$0x200] =	vst v63  }
0x15: {  	_ =	swait.ge [sflag:s6], $0x80  }
0x16: {  	s30 =	sshrl.u32 s13, $0x3;
	[sflag:s6] =	ssyncset.done $0x0  }
0x17: {  	s31 =	sand.u32 $0x7, s13;
	s15 =	sadd.s32 s5, s30;
	[sflag:s6] =	ssyncadd.s32 $0xFFFFFF80  }
0x18: {  	[hbm4b:s15+s31] =	stream.linear.scatter [tilespmem:s14], [sflag:$0x3], $0x80, $0x38;
	[tilespmem:$0x200] =	vst v63  }
.LBB2_5:
0x19: {  	s15 =	sadd.s32 $0x1000, s11  }
0x1a: {  	p2 =	sgt.s32 s15, $0x1FFF  }
0x1b: {  	s15 =	smov.u32 @p2 s4;
	p2 =	sne.s32 s12, s9  }
.Ltmp1:
0x1c: {  	p1 =	slt.u32 s12, $0x2;
	(pc) =	sbr.rel @!p2 .LBB2_6-.Ltmp1, $4  }
0x1d: {  	s14 =	simm.s32 @!p1 $0x3  }
0x1e: {  	s16 =	sadd.s32 $0x1, s12;
	_ =	swait.ge @!p1 [sflag:s14], $0x80  }
0x1f: {  	s13 =	smov.u32 s11;
	p0 =	por !p0, !p0;
	[sflag:s14] =	ssyncset.done @!p1 $0x0  }
0x20: {  	s12 =	smov.u32 s16;
	s11 =	smov.u32 s15;
	[sflag:s14] =	ssyncadd.s32 @!p1 $0xFFFFFF80  }
.LBB2_1:
0x21: {  	p1 =	sge.u32 s12, s8  }
0x22: {  	s14 =	sxor.u32 @!p1 $0xFFFFFFFF, s12  }
0x23: {  	s31 =	sadd.s32 $0xFFFFFFFF, s12;
	s15 =	sshrl.u32 @!p1 s11, $0x3;
	s14 =	sshll.u32 @!p1 s14, $0x7  }
0x24: {  	s16 =	sand.u32 @!p1 $0x7, s11;
	s15 =	sadd.s32 @!p1 s3, s15;
	s14 =	sand.u32 @!p1 $0x80, s14  }
0x25: {  	[tilespmem:s14], [sflag:$0x2] =	stream.linear.gather @!p1 [hbm4b:s15+s16], $0x80, $0x38;
	[tilespmem:$0x200] =	vst v63  }
0x26: {  	p1 =	sge.u32 s31, s8  }
.Ltmp2:
0x27: {  	_ = 	snop;
	(pc) =	sbr.rel @p1 .LBB2_5-.Ltmp2, $1  }
0x28: {  	_ =	sdelay $0x3  }
0x29: {  	s14 =	simm.s32 $0x1  }
0x2a: {  	_ =	swait.ge [sflag:s7], $0x80;
	s14 =	simm.s32 @!p0 $0x0  }
0x2b: {  	[sflag:s7] =	ssyncset.done $0x0;
	s14 =	sshll.u32 s14, $0x7  }
0x2c: {  	[sflag:s7] =	ssyncadd.s32 $0xFFFFFF80;
	(ifvalue) =	ssetifvalue $0x7FFFFFFF;
	v0 =	vld.msk [tilespmem:s14+$0x0 ss:$0x1], $0xffff;
	_ =	sdelay $0x4  }
0x2d: {  	s15 =	sadd.s32 $0x10, s14;
	vm1 =	vgt.s32 v0, $0x0  }
0x2e: {  	v2 =	vld.msk [tilespmem:s15+$0x0 ss:$0x1], $0xffff;
	v1 =	vnsel vm1, $0x0, v0  }
0x2f: {  	v1 =	vmin.u32 v1, $0x4FFF;
	_ =	sdelay $0x1  }
0x30: {  	s16 =	sshll.u32 s12, $0x7;
	s18 =	simm.s32 $0x20  }
0x31: {  	s16 =	sand.u32 $0x80, s16;
	s17 =	sadd.s32 $0x10, s15;
	s15 =	sor.u32 $0x100, s14  }
0x32: {  	s14 =	sor.u32 $0x100, s16;
	s16 =	sadd.s32 $0x10, s15;
	v0 =	vld.msk [tilespmem:s17+$0x0 ss:$0x1], $0xffff;
	vm1 =	vgt.s32 v2, $0x0;
	(ifvalue) =	ssetifvalue $0x7FFFFFFF  }
.LBB2_3:
0x33: {  	[tilespmem:s15], [sflag:$0x1] =	stream.indirect_vreg.gather [hbm4b:s2+s10], $0x1, v1, vm0, $0x4038;
	[tilespmem:$0x200] =	vst v63  }
0x34: {  	s18 =	sadd.s32 $0x10, s18  }
0x35: {  	v2 =	vnsel vm1, $0x0, v2;
	p1 =	slt.u32 s18, $0x70  }
.Ltmp3:
0x36: {  	s15 =	smov.u32 s16;
	v1 =	vmin.u32 v2, $0x4FFF;
	(pc) =	sbr.rel @p1 .LBB2_3-.Ltmp3, $3  }
0x37: {  	_ =	sdelay $0x1  }
0x38: {  	s17 =	sadd.s32 $0x10, s17  }
0x39: {  	vm1 =	vgt.s32 v0, $0x0;
	s16 =	sadd.s32 $0x10, s16;
	v2 =	vmov v0;
	(ifvalue) =	ssetifvalue $0x7FFFFFFF;
	v0 =	vld.msk [tilespmem:s17+$0x0 ss:$0x1], $0xffff  }
.Ltmp4:
0x3a: {  	_ = 	snop;
	(pc) =	sbr.rel .LBB2_4-.Ltmp4, $1  }
0x3b: {  	_ =	sdelay $0x3  }
.LBB2_6:
0x3c: {  	_ =	sfence.sel $0x180000  }
0x3d: {  	s2 =	simm.s32 $0x2;
	[bflag:$0x0] =	sbarrier.arrive $0xFFFF  }
0x3e: {  	s30 =	simm.s32 $0x3;
	[sflag:s2] =	ssyncpa.u1 $0x1  }
0x3f: {  	s31 =	simm.s32 $0x1;
	[sflag:s30] =	ssyncpa.u1 $0x1  }
0x40: {  	[sflag:s31] =	ssyncpa.u1 $0x1  }
0x41: {  	p0 =	sne.s32 s0, $0x0;
	_ =	strace $0x90000056  }
0x42: {  	s0 =	sadd.s32 @!p0 $0x100000, s1;
	[bflag:$0x2] =	sbarrier.arrive $0xFFFF  }
0x43: {  	[sflag:s0] =	ssyncadd.tile.s32 @!p0 $0x1;
	_ =	shalt  }
.Lfunc_end2:
_tile_overlayer_lowered:
.L_overlay_start_2:
0x44: {  	(tag) =	ssettag $0x2  }
0x45: {  	s0 =	rddreg [dreg:$0x0];
	s2 =	stileid.u32  }
0x46: {  	s1 =	rddreg [dreg:$0x1];
	p0 =	sne.s32 s2, $0x0  }
0x47: {  	s3 =	rddreg [dreg:$0x2];
	[bflag:$0x3] =	sbarrier.arrive $0xFFFF;
	s2 =	simm.s32 @!p0 $0x1C01  }
0x48: {  	[timem:s3], [sflag:s2] =	dma.local @!p0 [hbm:s0], s1  }
0x49: {  	s0 =	simm.s32 @!p0 $0x1  }
0x4a: {  	_ =	swait.ge @!p0 [sflag:s0], s1  }
0x4b: {  	s1 =	ssub.s32 @!p0 $0x0, s1;
	[sflag:s0] =	ssyncset.done @!p0 $0x0  }
0x4c: {  	[sflag:s0] =	ssyncadd.s32 @!p0 s1  }
0x4d: {  	[bflag:$0x3] =	sbarrier.arrive $0xFFFF  }
0x4e: {  	_ =	shalt  }

// kernel: gather_offload_async_start
scs
__scs_entry_jumppad:
0x0: {  	(pc) =	sbr.rel $0x88, $3  }
0x1: {  	(tag) =	ssettag $0x0;
	lr =	simm.s32 $0x1  }
0x2: {  	[smem:$0x3F97] =	sst lr;
	_ =	strace $0xD0000000  }
0x3: {  	_ = 	snop  }
0x4: {  	_ = 	snop  }
0x5: {  	_ = 	snop  }
0x6: {  	_ = 	snop  }
0x7: {  	_ = 	snop  }
__scs_overlays_trampoline_lowered:
0x8: {  	[smem:$0x3FA6] =	sst s0  }
0x9: {  	[smem:$0x3FA7] =	sst s1  }
0xa: {  	[smem:$0x3FA8] =	sst s2  }
0xb: {  	[smem:$0x3FA9] =	sst s3  }
0xc: {  	[smem:$0x3FAA] =	sst s4  }
0xd: {  	[smem:$0x3FAB] =	sst s5  }
0xe: {  	[smem:$0x3FAC] =	sst s6  }
0xf: {  	[smem:$0x3FAD] =	sst s7  }
0x10: {  	[smem:$0x3FAE] =	sst s8  }
0x11: {  	[smem:$0x3FAF] =	sst s9;
	s0 =	simm.s32 @!p0 $0x0  }
0x12: {  	s1 =	sld [smem:$0x3F95];
	s0 =	simm.s32 @p0 $0x1  }
0x13: {  	[smem:$0x3FB0] =	sst s0;
	s0 =	simm.s32 @!p1 $0x0  }
0x14: {  	s2 =	sld [smem:$0x3F94];
	s0 =	simm.s32 @p1 $0x1  }
0x15: {  	[smem:$0x3FB1] =	sst s0;
	s0 =	simm.s32 @!p2 $0x0  }
0x16: {  	s3 =	sld [smem:$0x3FDB];
	s0 =	simm.s32 @p2 $0x1  }
0x17: {  	s4 =	simm.s32 $0x1BF5;
	[smem:$0x3FB3] =	sst s0  }
0x18: {  	s0 =	sld [smem:$0x3F96];
	_ =	swait.ge [sflag:s4], $0x0  }
0x19: {  	s7 =	sld [smem:$0x3F97]  }
0x1a: {  	s8 =	sadd.s32 $0xFFFFE003, lr  }
0x1b: {  	s9 =	sadd.s32 $0xFFFFFEF7, lr;
	s5 =	simm.s32 $0xFFFFFFFF;
	p2 =	slt.u32 s8, $0xFFFFF086  }
0x1c: {  	p1 =	slt.u32 s9, $0xF7A;
	s5 =	simm.s32 @!p2 $0x0  }
0x1d: {  	s5 =	simm.s32 @p1 $0x1;
	p0 =	seq.s32 s7, s2  }
0x1e: {  	s7 =	smul.u32 @!p0 $0xF7A, s2;
	p2 =	seq.s32 @!p0 s5, $0x0  }
0x1f: {  	s9 =	smul.u32 $0xF7A, s1;
	s8 =	simm.s32 @!p0 $0x1BF5;
	p2 =	por !p2, p0  }
0x20: {  	[sflag:s8] =	ssyncset.s32 @!p0 $0xFFFFF086;
	s6 =	sadd.s32 @!p0 s3, s7;
	s7 =	simm.s32 @!p0 $0x108  }
0x21: {  	s3 =	sadd.s32 s3, s9;
	s6 =	sadd.s32 @!p0 $0x88, s6;
	s7 =	simm.s32 @p2 $0x1082  }
0x22: {  	[simem:s7], [sflag:s8] =	dma.local @!p0 [hbm:s6], $0xF7A  }
0x23: {  	s9 =	sor.u32 $0xD0000000, s2;
	s6 =	simm.s32 $0x108;
	_ =	swait.ge @!p0 [sflag:s8], $0x0  }
0x24: {  	s3 =	sadd.s32 $0x88, s3;
	s6 =	simm.s32 @!p1 $0x1082;
	[sflag:s4] =	ssyncset.s32 $0xFFFFF086  }
0x25: {  	[simem:s6], [sflag:s4] =	dma.local [hbm:s3], $0xF7A  }
0x26: {  	[smem:$0x3F97] =	sst s1;
	(tag) =	ssettag s2;
	_ =	strace s9  }
0x27: {  	s1 =	sld [smem:$0x3FA7]  }
0x28: {  	s2 =	sld [smem:$0x3FA8]  }
0x29: {  	s4 =	sld [smem:$0x3FAA]  }
0x2a: {  	p0 =	seq.s32 s5, $0x0;
	s5 =	sld [smem:$0x3FAB]  }
0x2b: {  	s6 =	sld [smem:$0x3FAC]  }
0x2c: {  	s7 =	sld [smem:$0x3FAD]  }
0x2d: {  	s3 =	simm.s32 $0x108;
	s8 =	sld [smem:$0x3FAE]  }
0x2e: {  	s3 =	simm.s32 @!p0 $0x1082;
	s9 =	sld [smem:$0x3FAF]  }
0x2f: {  	lr =	sadd.s32 s0, s3;
	s0 =	sld [smem:$0x3FA6]  }
0x30: {  	s3 =	sld [smem:$0x3FA9]  }
0x31: {  	[smem:$0x3FB2] =	sst s10  }
0x32: {  	s10 =	sld [smem:$0x3FB0];
	_ =	sdelay $0x3  }
0x33: {  	p0 =	seq.s32 s10, $0x1;
	s10 =	sld [smem:$0x3FB2];
	_ =	sdelay $0x3  }
0x34: {  	[smem:$0x3FB2] =	sst s10  }
0x35: {  	s10 =	sld [smem:$0x3FB1];
	_ =	sdelay $0x3  }
0x36: {  	p1 =	seq.s32 s10, $0x1;
	s10 =	sld [smem:$0x3FB2];
	_ =	sdelay $0x3  }
0x37: {  	[smem:$0x3FB2] =	sst s10  }
0x38: {  	s10 =	sld [smem:$0x3FB3]  }
0x39: {  	_ = 	snop;
	(pc) =	sbr.ind lr, $3  }
0x3a: {  	_ = 	snop  }
0x3b: {  	_ = 	snop  }
0x3c: {  	p2 =	seq.s32 s10, $0x1;
	s10 =	sld [smem:$0x3FB2]  }
0x3d: {  	_ =	shalt  }
0x3e: {  	_ =	shalt  }
0x3f: {  	_ =	shalt  }
0x40: {  	_ =	shalt  }
0x41: {  	_ =	shalt  }
0x42: {  	_ =	shalt  }
0x43: {  	_ =	shalt  }
0x44: {  	_ =	shalt  }
0x45: {  	_ =	shalt  }
0x46: {  	_ =	shalt  }
0x47: {  	_ =	shalt  }
0x48: {  	_ =	shalt  }
0x49: {  	_ =	shalt  }
0x4a: {  	_ =	shalt  }
0x4b: {  	_ =	shalt  }
0x4c: {  	_ =	shalt  }
0x4d: {  	_ =	shalt  }
0x4e: {  	_ =	shalt  }
0x4f: {  	_ =	shalt  }
0x50: {  	_ =	shalt  }
0x51: {  	_ =	shalt  }
0x52: {  	_ =	shalt  }
0x53: {  	_ =	shalt  }
0x54: {  	_ =	shalt  }
0x55: {  	_ =	shalt  }
0x56: {  	_ =	shalt  }
0x57: {  	_ =	shalt  }
0x58: {  	_ =	shalt  }
0x59: {  	_ =	shalt  }
0x5a: {  	_ =	shalt  }
0x5b: {  	_ =	shalt  }
0x5c: {  	_ =	shalt  }
0x5d: {  	_ =	shalt  }
0x5e: {  	_ =	shalt  }
0x5f: {  	_ =	shalt  }
0x60: {  	_ =	shalt  }
0x61: {  	_ =	shalt  }
0x62: {  	_ =	shalt  }
0x63: {  	_ =	shalt  }
0x64: {  	_ =	shalt  }
0x65: {  	_ =	shalt  }
0x66: {  	_ =	shalt  }
0x67: {  	_ =	shalt  }
0x68: {  	_ =	shalt  }
0x69: {  	_ =	shalt  }
0x6a: {  	_ =	shalt  }
0x6b: {  	_ =	shalt  }
0x6c: {  	_ =	shalt  }
0x6d: {  	_ =	shalt  }
0x6e: {  	_ =	shalt  }
0x6f: {  	_ =	shalt  }
0x70: {  	_ =	shalt  }
0x71: {  	_ =	shalt  }
0x72: {  	_ =	shalt  }
0x73: {  	_ =	shalt  }
0x74: {  	_ =	shalt  }
0x75: {  	_ =	shalt  }
0x76: {  	_ =	shalt  }
0x77: {  	_ =	shalt  }
0x78: {  	_ =	shalt  }
0x79: {  	_ =	shalt  }
0x7a: {  	_ =	shalt  }
0x7b: {  	_ =	shalt  }
0x7c: {  	_ =	shalt  }
0x7d: {  	_ =	shalt  }
0x7e: {  	_ =	shalt  }
0x7f: {  	_ =	shalt  }
0x80: {  	_ =	shalt  }
0x81: {  	_ =	shalt  }
0x82: {  	_ =	shalt  }
0x83: {  	_ =	shalt  }
0x84: {  	_ =	shalt  }
0x85: {  	_ =	shalt  }
0x86: {  	_ =	shalt  }
0x87: {  	_ =	shalt  }
.Lfunc_end0:
.L_simem_size_0:
called_computation.1_lowered:
.L_overlay_start_0:
0x88: {  	s2 =	sld [smem:$0x3FD9]  }
0x89: {  	s3 =	sld [smem:$0x3FFE];
	_ =	sdelay $0x1  }
0x8a: {  	s1 =	srdreg.scid  }
0x8b: {  	s0 =	sand.u32 $0x1, s1  }
0x8c: {  	s16 =	sshll.u32 s0, $0xA;
	s2 =	sadd.s32 s3, s2  }
0x8d: {  	s2 =	sadd.s32 s2, s16  }
0x8e: {  	[smem:$0x3FBE] =	sst s2  }
0x8f: {  	_ = 	snop  }
0x90: {  	(tm) =	ssettm $0x1  }
0x91: {  	s17 =	sld [smem:$0x3FFB];
	_ =	sdelay $0x3  }
0x92: {  	_ =	strace s17  }
0x93: {  	s2 =	sld [smem:$0x3FFC];
	_ =	sdelay $0x3  }
0x94: {  	_ =	strace s2  }
0x95: {  	s2 =	sld [smem:$0x3FFD];
	_ =	sdelay $0x3  }
0x96: {  	_ =	strace s2  }
0x97: {  	_ =	strace $0x8FFFFFFF  }
0x98: {  	s18 =	sld [smem:$0x3FDB];
	_ =	sdelay $0x1  }
0x99: {  	s19 =	simm.s32 $_scs_section_size  }
0x9a: {  	s4 =	simm.s32 $_size__tile_overlayer_lowered;
	s5 =	simm.s32 $_tile_overlayer_lowered  }
0x9b: {  	s22 =	simm.s32 $0x1BFF;
	s21 =	sshll.u32 s5, $0x1;
	s2 =	sadd.s32 s19, s18  }
0x9c: {  	s6 =	simm.s32 $0x0;
	s20 =	sshll.u32 s4, $0x1;
	s4 =	sadd.s32 s21, s2  }
0x9d: {  	[timem:s6], [sflag:s22] =	dma.local [hbm:s4], s20  }
0x9e: {  	_ =	swait.ge [sflag:s22], s20  }
0x9f: {  	s3 =	ssub.s32 $0x0, s20;
	[sflag:s22] =	ssyncset.done $0x0  }
0xa0: {  	[sflag:s22] =	ssyncadd.s32 s3;
	_ =	sdelay $0x1  }
0xa1: {  	s23 =	simm.s32 $0x1B8B  }
0xa2: {  	_ =	swait.ge [sflag:s23], $0x1  }
0xa3: {  	[sflag:s23] =	ssyncset.done $0x0  }
0xa4: {  	s25 =	simm.s32 $0x1B8E;
	s24 =	sld [smem:$0x3FFE];
	[sflag:s23] =	ssyncadd.s32 $0xFFFFFFFF  }
0xa5: {  	s26 =	simm.s32 $execute0_lowered;
	[smem:$0x3FD2] =	sst s25  }
0xa6: {  	s4 =	sshll.u32 s26, $0x1;
	_ =	strace $0x80000049;
	[dreg:$0x1] =	wrdreg $0xFFFFFFFF  }
0xa7: {  	s28 =	simm.s32 $_size_execute0_lowered;
	s2 =	sadd.s32 s2, s4;
	[dreg:$0x0] =	wrdreg $0x0  }
0xa8: {  	s4 =	sshll.u32 s28, $0x1;
	[dreg:$0x2] =	wrdreg s2  }
0xa9: {  	[dreg:$0x3] =	wrdreg s4  }
0xaa: {  	[dreg:$0x4] =	wrdreg $0xC0  }
0xab: {  	_ =	task [dreg:s6], $0x5FFFF  }
0xac: {  	[dreg:$0x1] =	wrdreg $0xFFFFFFFF  }
0xad: {  	[dreg:$0x0] =	wrdreg $0x60  }
0xae: {  	[dreg:$0x2] =	wrdreg s24  }
0xaf: {  	[dreg:$0x3] =	wrdreg $0x9  }
0xb0: {  	_ =	task.clear_ibuf [dreg:s6], $0x4FFFF;
	_ =	strace $0x90000049  }
0xb1: {  	s29 =	simm.s32 $0x9;
	_ =	strace $0x8000004B  }
0xb2: {  	_ =	swait.ge [sflag:s29], $0x1  }
0xb3: {  	[sflag:s29] =	ssyncadd.s32 $0xFFFFFFFF  }
0xb4: {  	_ =	strace $0x9000004B  }
0xb5: {  	_ =	sfence  }
0xb6: {  	s30 =	sld [smem:$0x0];
	_ =	sdelay $0x2  }
0xb7: {  	s31 =	sshll.u32 s1, $0xD;
	s1 =	sshrl.u32 s1, $0x2  }
0xb8: {  	s3 =	sand.u32 $0x4000, s31;
	s1 =	sadd.s32 s1, s30  }
0xb9: {  	s0 =	sor.u32 s3, s0;
	s1 =	sshll.u32 s1, $0x11  }
0xba: {  	s0 =	sor.u32 s1, s0  }
0xbb: {  	s0 =	sadd.s32 $0x8F2B, s0  }
0xbc: {  	[sflag:s0] =	ssyncadd.remote.s32 $0x1  }
0xbd: {  	_ =	sfence.sel $0xFFFF  }
0xbe: {  	[dreg:$0x0] =	wrdreg $0xFFFFFFFF;
	(pc) =	sbr.abs _section_cstart, $3  }
0xbf: {  	[dreg:$0x1] =	wrdreg $0xFFFFFFFF  }
0xc0: {  	_ =	task.clear_ibuf [dreg:s6], $0x2FFFF;
	_ =	strace $0x9FFFFFFF  }
0xc1: {  	(tm) =	ssettm $0x7FFFFFFF  }
tec
execute0_lowered:
.L_overlay_start_1:
0x0: {  	(tag) =	ssettag $0x1  }
0x1: {  	s0 =	srdreg.scid;
	s5 =	rddreg [dreg:$0x0]  }
0x2: {  	s1 =	stileid.u32;
	s6 =	simm.s32 $0x1;
	s9 =	simm.s32 $0x1  }
0x3: {  	s10 =	simm.s32 $0x3;
	s13 =	simm.s32 $0x0;
	s2 =	sshll.u32 s0, $0x8  }
0x4: {  	s12 =	simm.s32 $0x0;
	s3 =	sshll.u32 s1, $0x9;
	s2 =	sand.u32 $0x100, s2  }
0x5: {  	s0 =	rddreg [dreg:$0x1];
	_ =	strace $0x8000004A;
	s2 =	sor.u32 s3, s2  }
0x6: {  	s4 =	sadd.s32 $0xC2000, s5;
	[sflag:s6] =	ssyncpa.u1 $0x0;
	s8 =	ssub.s32 $0x4000, s2  }
.Ltmp0:
0x7: {  	s3 =	sadd.s32 $0xC0000, s5;
	s7 =	sand.u32 $0x1F00, s8;
	(pc) =	sbr.rel .LBB2_1-.Ltmp0, $4  }
0x8: {  	s5 =	sadd.s32 $0xC4000, s5;
	s11 =	smov.u32 s2;
	p0 =	sne.s32 s7, $0x0  }
0x9: {  	s8 =	sshrl.u32 s8, $0xD;
	s7 =	simm.s32 $0x2;
	s9 =	simm.s32 @!p0 $0x0  }
0xa: {  	[sflag:s7] =	ssyncpa.u1 $0x0;
	p0 =	por $0x0, $0x0;
	s8 =	sadd.s32 s9, s8  }
0xb: {  	vm0 =	vmmov $0xffff;
	[sflag:s10] =	ssyncpa.u1 $0x0;
	s10 =	simm.s32 $0x0;
	s9 =	sadd.s32 $0x1, s8  }
.LBB2_4:
0xc: {  	v2 =	vnsel vm1, $0x0, v2  }
0xd: {  	vm1 =	vgt.s32 v0, $0x0;
	v2 =	vmin.u32 v2, $0x3FFF  }
0xe: {  	v0 =	vnsel vm1, $0x0, v0  }
0xf: {  	v0 =	vmin.u32 v0, $0x3FFF  }
0x10: {  	[tilespmem:s15], [sflag:$0x1] =	stream.indirect_vreg.gather [hbm4b:s3+s10], $0x1, v1, vm0, $0x4038;
	[tilespmem:$0x400] =	vst v63  }
0x11: {  	(ifvalue) =	ssetifvalue $0x7FFFFFFF  }
0x12: {  	[tilespmem:s16], [sflag:$0x1] =	stream.indirect_vreg.gather [hbm4b:s3+s10], $0x1, v2, vm0, $0x4038;
	[tilespmem:$0x400] =	vst v63  }
0x13: {  	s29 =	sadd.s32 $0x10, s16;
	(ifvalue) =	ssetifvalue $0x7FFFFFFF  }
0x14: {  	[tilespmem:s29], [sflag:$0x1] =	stream.indirect_vreg.gather [hbm4b:s3+s10], $0x1, v0, vm0, $0x4038;
	[tilespmem:$0x400] =	vst v63  }
0x15: {  	_ =	swait.ge [sflag:s6], $0x100  }
0x16: {  	s30 =	sshrl.u32 s13, $0x3;
	[sflag:s6] =	ssyncset.done $0x0  }
0x17: {  	s31 =	sand.u32 $0x7, s13;
	s15 =	sadd.s32 s5, s30;
	[sflag:s6] =	ssyncadd.s32 $0xFFFFFF00  }
0x18: {  	[hbm4b:s15+s31] =	stream.linear.scatter [tilespmem:s14], [sflag:$0x3], $0x100, $0x38;
	[tilespmem:$0x400] =	vst v63  }
.LBB2_5:
0x19: {  	s15 =	sadd.s32 $0x2000, s11  }
0x1a: {  	p2 =	sgt.s32 s15, $0x3FFF  }
0x1b: {  	s15 =	smov.u32 @p2 s2;
	p2 =	sne.s32 s12, s9  }
.Ltmp1:
0x1c: {  	p1 =	slt.u32 s12, $0x2;
	(pc) =	sbr.rel @!p2 .LBB2_6-.Ltmp1, $4  }
0x1d: {  	s14 =	simm.s32 @!p1 $0x3  }
0x1e: {  	s16 =	sadd.s32 $0x1, s12;
	_ =	swait.ge @!p1 [sflag:s14], $0x100  }
0x1f: {  	s13 =	smov.u32 s11;
	p0 =	por !p0, !p0;
	[sflag:s14] =	ssyncset.done @!p1 $0x0  }
0x20: {  	s12 =	smov.u32 s16;
	s11 =	smov.u32 s15;
	[sflag:s14] =	ssyncadd.s32 @!p1 $0xFFFFFF00  }
.LBB2_1:
0x21: {  	p1 =	sge.u32 s12, s8  }
0x22: {  	s14 =	sxor.u32 @!p1 $0xFFFFFFFF, s12  }
0x23: {  	s31 =	sadd.s32 $0xFFFFFFFF, s12;
	s15 =	sshrl.u32 @!p1 s11, $0x3;
	s14 =	sshll.u32 @!p1 s14, $0x8  }
0x24: {  	s16 =	sand.u32 @!p1 $0x7, s11;
	s15 =	sadd.s32 @!p1 s4, s15;
	s14 =	sand.u32 @!p1 $0x100, s14  }
0x25: {  	[tilespmem:s14], [sflag:$0x2] =	stream.linear.gather @!p1 [hbm4b:s15+s16], $0x100, $0x38;
	[tilespmem:$0x400] =	vst v63  }
0x26: {  	p1 =	sge.u32 s31, s8  }
.Ltmp2:
0x27: {  	_ = 	snop;
	(pc) =	sbr.rel @p1 .LBB2_5-.Ltmp2, $1  }
0x28: {  	_ =	sdelay $0x3  }
0x29: {  	s14 =	simm.s32 $0x1  }
0x2a: {  	_ =	swait.ge [sflag:s7], $0x100;
	s14 =	simm.s32 @!p0 $0x0  }
0x2b: {  	[sflag:s7] =	ssyncset.done $0x0;
	s14 =	sshll.u32 s14, $0x8  }
0x2c: {  	[sflag:s7] =	ssyncadd.s32 $0xFFFFFF00;
	(ifvalue) =	ssetifvalue $0x7FFFFFFF;
	v0 =	vld.msk [tilespmem:s14+$0x0 ss:$0x1], $0xffff;
	_ =	sdelay $0x4  }
0x2d: {  	s15 =	sadd.s32 $0x10, s14;
	vm1 =	vgt.s32 v0, $0x0  }
0x2e: {  	v2 =	vld.msk [tilespmem:s15+$0x0 ss:$0x1], $0xffff;
	v1 =	vnsel vm1, $0x0, v0  }
0x2f: {  	v1 =	vmin.u32 v1, $0x3FFF;
	_ =	sdelay $0x1  }
0x30: {  	s16 =	sshll.u32 s12, $0x8;
	s18 =	simm.s32 $0x20  }
0x31: {  	s16 =	sand.u32 $0x100, s16;
	s17 =	sadd.s32 $0x10, s15;
	s15 =	sor.u32 $0x200, s14  }
0x32: {  	s14 =	sor.u32 $0x200, s16;
	s16 =	sadd.s32 $0x10, s15;
	v0 =	vld.msk [tilespmem:s17+$0x0 ss:$0x1], $0xffff;
	vm1 =	vgt.s32 v2, $0x0;
	(ifvalue) =	ssetifvalue $0x7FFFFFFF  }
.LBB2_3:
0x33: {  	[tilespmem:s15], [sflag:$0x1] =	stream.indirect_vreg.gather [hbm4b:s3+s10], $0x1, v1, vm0, $0x4038;
	[tilespmem:$0x400] =	vst v63  }
0x34: {  	s18 =	sadd.s32 $0x10, s18  }
0x35: {  	v2 =	vnsel vm1, $0x0, v2;
	p1 =	slt.u32 s18, $0xF0  }
.Ltmp3:
0x36: {  	s15 =	smov.u32 s16;
	v1 =	vmin.u32 v2, $0x3FFF;
	(pc) =	sbr.rel @p1 .LBB2_3-.Ltmp3, $3  }
0x37: {  	_ =	sdelay $0x1  }
0x38: {  	s17 =	sadd.s32 $0x10, s17  }
0x39: {  	vm1 =	vgt.s32 v0, $0x0;
	s16 =	sadd.s32 $0x10, s16;
	v2 =	vmov v0;
	(ifvalue) =	ssetifvalue $0x7FFFFFFF;
	v0 =	vld.msk [tilespmem:s17+$0x0 ss:$0x1], $0xffff  }
.Ltmp4:
0x3a: {  	_ = 	snop;
	(pc) =	sbr.rel .LBB2_4-.Ltmp4, $1  }
0x3b: {  	_ =	sdelay $0x3  }
.LBB2_6:
0x3c: {  	_ =	sfence.sel $0x180000  }
0x3d: {  	s2 =	simm.s32 $0x2;
	[bflag:$0x0] =	sbarrier.arrive $0xFFFF  }
0x3e: {  	s30 =	simm.s32 $0x3;
	[sflag:s2] =	ssyncpa.u1 $0x1  }
0x3f: {  	s31 =	simm.s32 $0x1;
	[sflag:s30] =	ssyncpa.u1 $0x1  }
0x40: {  	[sflag:s31] =	ssyncpa.u1 $0x1  }
0x41: {  	p0 =	sne.s32 s1, $0x0;
	_ =	strace $0x9000004A  }
0x42: {  	s0 =	sadd.s32 @!p0 $0x100000, s0;
	[bflag:$0x2] =	sbarrier.arrive $0xFFFF  }
0x43: {  	[sflag:s0] =	ssyncadd.tile.s32 @!p0 $0x1;
	_ =	shalt  }
.Lfunc_end2:
_tile_overlayer_lowered:
.L_overlay_start_2:
0x44: {  	(tag) =	ssettag $0x2  }
0x45: {  	s0 =	rddreg [dreg:$0x0];
	s2 =	stileid.u32  }
0x46: {  	s1 =	rddreg [dreg:$0x1];
	p0 =	sne.s32 s2, $0x0  }
0x47: {  	s3 =	rddreg [dreg:$0x2];
	[bflag:$0x3] =	sbarrier.arrive $0xFFFF;
	s2 =	simm.s32 @!p0 $0x1C01  }
0x48: {  	[timem:s3], [sflag:s2] =	dma.local @!p0 [hbm:s0], s1  }
0x49: {  	s0 =	simm.s32 @!p0 $0x1  }
0x4a: {  	_ =	swait.ge @!p0 [sflag:s0], s1  }
0x4b: {  	s1 =	ssub.s32 @!p0 $0x0, s1;
	[sflag:s0] =	ssyncset.done @!p0 $0x0  }
0x4c: {  	[sflag:s0] =	ssyncadd.s32 @!p0 s1  }
0x4d: {  	[bflag:$0x3] =	sbarrier.arrive $0xFFFF  }
0x4e: {  	_ =	shalt  }

// kernel: kernel.10.cloned.1.call-start
scs
__scs_entry_jumppad:
0x0: {  	(pc) =	sbr.rel $0x88, $3  }
0x1: {  	(tag) =	ssettag $0x0;
	lr =	simm.s32 $0x1  }
0x2: {  	[smem:$0x3F97] =	sst lr;
	_ =	strace $0xD0000000  }
0x3: {  	_ = 	snop  }
0x4: {  	_ = 	snop  }
0x5: {  	_ = 	snop  }
0x6: {  	_ = 	snop  }
0x7: {  	_ = 	snop  }
__scs_overlays_trampoline_lowered:
0x8: {  	[smem:$0x3FA6] =	sst s0  }
0x9: {  	[smem:$0x3FA7] =	sst s1  }
0xa: {  	[smem:$0x3FA8] =	sst s2  }
0xb: {  	[smem:$0x3FA9] =	sst s3  }
0xc: {  	[smem:$0x3FAA] =	sst s4  }
0xd: {  	[smem:$0x3FAB] =	sst s5  }
0xe: {  	[smem:$0x3FAC] =	sst s6  }
0xf: {  	[smem:$0x3FAD] =	sst s7  }
0x10: {  	[smem:$0x3FAE] =	sst s8  }
0x11: {  	[smem:$0x3FAF] =	sst s9;
	s0 =	simm.s32 @!p0 $0x0  }
0x12: {  	s1 =	sld [smem:$0x3F95];
	s0 =	simm.s32 @p0 $0x1  }
0x13: {  	[smem:$0x3FB0] =	sst s0;
	s0 =	simm.s32 @!p1 $0x0  }
0x14: {  	s2 =	sld [smem:$0x3F94];
	s0 =	simm.s32 @p1 $0x1  }
0x15: {  	[smem:$0x3FB1] =	sst s0;
	s0 =	simm.s32 @!p2 $0x0  }
0x16: {  	s3 =	sld [smem:$0x3FDB];
	s0 =	simm.s32 @p2 $0x1  }
0x17: {  	s4 =	simm.s32 $0x1BF5;
	[smem:$0x3FB3] =	sst s0  }
0x18: {  	s0 =	sld [smem:$0x3F96];
	_ =	swait.ge [sflag:s4], $0x0  }
0x19: {  	s7 =	sld [smem:$0x3F97]  }
0x1a: {  	s8 =	sadd.s32 $0xFFFFE003, lr  }
0x1b: {  	s9 =	sadd.s32 $0xFFFFFEF7, lr;
	s5 =	simm.s32 $0xFFFFFFFF;
	p2 =	slt.u32 s8, $0xFFFFF086  }
0x1c: {  	p1 =	slt.u32 s9, $0xF7A;
	s5 =	simm.s32 @!p2 $0x0  }
0x1d: {  	s5 =	simm.s32 @p1 $0x1;
	p0 =	seq.s32 s7, s2  }
0x1e: {  	s7 =	smul.u32 @!p0 $0xF7A, s2;
	p2 =	seq.s32 @!p0 s5, $0x0  }
0x1f: {  	s9 =	smul.u32 $0xF7A, s1;
	s8 =	simm.s32 @!p0 $0x1BF5;
	p2 =	por !p2, p0  }
0x20: {  	[sflag:s8] =	ssyncset.s32 @!p0 $0xFFFFF086;
	s6 =	sadd.s32 @!p0 s3, s7;
	s7 =	simm.s32 @!p0 $0x108  }
0x21: {  	s3 =	sadd.s32 s3, s9;
	s6 =	sadd.s32 @!p0 $0x88, s6;
	s7 =	simm.s32 @p2 $0x1082  }
0x22: {  	[simem:s7], [sflag:s8] =	dma.local @!p0 [hbm:s6], $0xF7A  }
0x23: {  	s9 =	sor.u32 $0xD0000000, s2;
	s6 =	simm.s32 $0x108;
	_ =	swait.ge @!p0 [sflag:s8], $0x0  }
0x24: {  	s3 =	sadd.s32 $0x88, s3;
	s6 =	simm.s32 @!p1 $0x1082;
	[sflag:s4] =	ssyncset.s32 $0xFFFFF086  }
0x25: {  	[simem:s6], [sflag:s4] =	dma.local [hbm:s3], $0xF7A  }
0x26: {  	[smem:$0x3F97] =	sst s1;
	(tag) =	ssettag s2;
	_ =	strace s9  }
0x27: {  	s1 =	sld [smem:$0x3FA7]  }
0x28: {  	s2 =	sld [smem:$0x3FA8]  }
0x29: {  	s4 =	sld [smem:$0x3FAA]  }
0x2a: {  	p0 =	seq.s32 s5, $0x0;
	s5 =	sld [smem:$0x3FAB]  }
0x2b: {  	s6 =	sld [smem:$0x3FAC]  }
0x2c: {  	s7 =	sld [smem:$0x3FAD]  }
0x2d: {  	s3 =	simm.s32 $0x108;
	s8 =	sld [smem:$0x3FAE]  }
0x2e: {  	s3 =	simm.s32 @!p0 $0x1082;
	s9 =	sld [smem:$0x3FAF]  }
0x2f: {  	lr =	sadd.s32 s0, s3;
	s0 =	sld [smem:$0x3FA6]  }
0x30: {  	s3 =	sld [smem:$0x3FA9]  }
0x31: {  	[smem:$0x3FB2] =	sst s10  }
0x32: {  	s10 =	sld [smem:$0x3FB0];
	_ =	sdelay $0x3  }
0x33: {  	p0 =	seq.s32 s10, $0x1;
	s10 =	sld [smem:$0x3FB2];
	_ =	sdelay $0x3  }
0x34: {  	[smem:$0x3FB2] =	sst s10  }
0x35: {  	s10 =	sld [smem:$0x3FB1];
	_ =	sdelay $0x3  }
0x36: {  	p1 =	seq.s32 s10, $0x1;
	s10 =	sld [smem:$0x3FB2];
	_ =	sdelay $0x3  }
0x37: {  	[smem:$0x3FB2] =	sst s10  }
0x38: {  	s10 =	sld [smem:$0x3FB3]  }
0x39: {  	_ = 	snop;
	(pc) =	sbr.ind lr, $3  }
0x3a: {  	_ = 	snop  }
0x3b: {  	_ = 	snop  }
0x3c: {  	p2 =	seq.s32 s10, $0x1;
	s10 =	sld [smem:$0x3FB2]  }
0x3d: {  	_ =	shalt  }
0x3e: {  	_ =	shalt  }
0x3f: {  	_ =	shalt  }
0x40: {  	_ =	shalt  }
0x41: {  	_ =	shalt  }
0x42: {  	_ =	shalt  }
0x43: {  	_ =	shalt  }
0x44: {  	_ =	shalt  }
0x45: {  	_ =	shalt  }
0x46: {  	_ =	shalt  }
0x47: {  	_ =	shalt  }
0x48: {  	_ =	shalt  }
0x49: {  	_ =	shalt  }
0x4a: {  	_ =	shalt  }
0x4b: {  	_ =	shalt  }
0x4c: {  	_ =	shalt  }
0x4d: {  	_ =	shalt  }
0x4e: {  	_ =	shalt  }
0x4f: {  	_ =	shalt  }
0x50: {  	_ =	shalt  }
0x51: {  	_ =	shalt  }
0x52: {  	_ =	shalt  }
0x53: {  	_ =	shalt  }
0x54: {  	_ =	shalt  }
0x55: {  	_ =	shalt  }
0x56: {  	_ =	shalt  }
0x57: {  	_ =	shalt  }
0x58: {  	_ =	shalt  }
0x59: {  	_ =	shalt  }
0x5a: {  	_ =	shalt  }
0x5b: {  	_ =	shalt  }
0x5c: {  	_ =	shalt  }
0x5d: {  	_ =	shalt  }
0x5e: {  	_ =	shalt  }
0x5f: {  	_ =	shalt  }
0x60: {  	_ =	shalt  }
0x61: {  	_ =	shalt  }
0x62: {  	_ =	shalt  }
0x63: {  	_ =	shalt  }
0x64: {  	_ =	shalt  }
0x65: {  	_ =	shalt  }
0x66: {  	_ =	shalt  }
0x67: {  	_ =	shalt  }
0x68: {  	_ =	shalt  }
0x69: {  	_ =	shalt  }
0x6a: {  	_ =	shalt  }
0x6b: {  	_ =	shalt  }
0x6c: {  	_ =	shalt  }
0x6d: {  	_ =	shalt  }
0x6e: {  	_ =	shalt  }
0x6f: {  	_ =	shalt  }
0x70: {  	_ =	shalt  }
0x71: {  	_ =	shalt  }
0x72: {  	_ =	shalt  }
0x73: {  	_ =	shalt  }
0x74: {  	_ =	shalt  }
0x75: {  	_ =	shalt  }
0x76: {  	_ =	shalt  }
0x77: {  	_ =	shalt  }
0x78: {  	_ =	shalt  }
0x79: {  	_ =	shalt  }
0x7a: {  	_ =	shalt  }
0x7b: {  	_ =	shalt  }
0x7c: {  	_ =	shalt  }
0x7d: {  	_ =	shalt  }
0x7e: {  	_ =	shalt  }
0x7f: {  	_ =	shalt  }
0x80: {  	_ =	shalt  }
0x81: {  	_ =	shalt  }
0x82: {  	_ =	shalt  }
0x83: {  	_ =	shalt  }
0x84: {  	_ =	shalt  }
0x85: {  	_ =	shalt  }
0x86: {  	_ =	shalt  }
0x87: {  	_ =	shalt  }
.Lfunc_end0:
.L_simem_size_0:
called_computation.6_lowered:
.L_overlay_start_0:
0x88: {  	s2 =	sld [smem:$0x3FD9]  }
0x89: {  	s3 =	sld [smem:$0x3FFE];
	_ =	sdelay $0x1  }
0x8a: {  	s1 =	srdreg.scid  }
0x8b: {  	s0 =	sand.u32 $0x1, s1  }
0x8c: {  	s17 =	sshll.u32 s0, $0xA;
	s2 =	sadd.s32 s3, s2  }
0x8d: {  	s2 =	sadd.s32 s2, s17  }
0x8e: {  	[smem:$0x3FBE] =	sst s2  }
0x8f: {  	_ = 	snop  }
0x90: {  	(tm) =	ssettm $0x1  }
0x91: {  	s18 =	sld [smem:$0x3FFB];
	_ =	sdelay $0x3  }
0x92: {  	_ =	strace s18  }
0x93: {  	s2 =	sld [smem:$0x3FFC];
	_ =	sdelay $0x3  }
0x94: {  	_ =	strace s2  }
0x95: {  	s2 =	sld [smem:$0x3FFD];
	_ =	sdelay $0x3  }
0x96: {  	_ =	strace s2  }
0x97: {  	_ =	strace $0x8FFFFFFF  }
0x98: {  	s19 =	sld [smem:$0x3FDB];
	_ =	sdelay $0x1  }
0x99: {  	s20 =	simm.s32 $_scs_section_size  }
0x9a: {  	s4 =	simm.s32 $_size__tile_overlayer_lowered;
	s5 =	simm.s32 $_tile_overlayer_lowered  }
0x9b: {  	s6 =	simm.s32 $0x1BFF;
	s21 =	sshll.u32 s5, $0x1;
	s3 =	sadd.s32 s20, s19  }
0x9c: {  	s22 =	simm.s32 $0x0;
	s4 =	sshll.u32 s4, $0x1;
	s5 =	sadd.s32 s21, s3  }
0x9d: {  	[timem:s22], [sflag:s6] =	dma.local [hbm:s5], s4  }
0x9e: {  	_ =	swait.ge [sflag:s6], s4  }
0x9f: {  	s4 =	ssub.s32 $0x0, s4;
	[sflag:s6] =	ssyncset.done $0x0  }
0xa0: {  	[sflag:s6] =	ssyncadd.s32 s4;
	_ =	sdelay $0x1  }
0xa1: {  	s23 =	simm.s32 $0x1B8B  }
0xa2: {  	_ =	swait.ge [sflag:s23], $0x1  }
0xa3: {  	[sflag:s23] =	ssyncset.done $0x0  }
0xa4: {  	[sflag:s23] =	ssyncadd.s32 $0xFFFFFFFF  }
0xa5: {  	s4 =	sld [smem:$0x0]  }
0xa6: {  	s5 =	sand.u32 $0xFFFFFFFE, s1  }
0xa7: {  	p0 =	sne.s32 s1, s5  }
0xa8: {  	s5 =	sshll.u32 @p0 s5, $0xE  }
0xa9: {  	s5 =	sadd.s32 @p0 $0x11B8D, s5;
	s6 =	sshll.u32 @p0 s4, $0x11  }
0xaa: {  	s5 =	sor.u32 @p0 s6, s5  }
0xab: {  	[sflag:s5] =	ssyncadd.remote.s32 @p0 $0x1;
	_ =	sdelay $0x1  }
0xac: {  	s5 =	simm.s32 @p0 $0x1B8D  }
0xad: {  	_ =	swait.eq @p0 [sflag:s5], $0x1  }
0xae: {  	[sflag:s5] =	ssyncadd.s32 @p0 $0xFFFFFFFF  }
0xaf: {  	s6 =	sshll.u32 @!p0 s1, $0xE  }
0xb0: {  	s6 =	sor.u32 @!p0 $0x4000, s6;
	s5 =	simm.s32 @!p0 $0x1B8D  }
0xb1: {  	s4 =	sshll.u32 @!p0 s4, $0x11;
	s6 =	sadd.s32 @!p0 $0x11B8D, s6;
	_ =	swait.eq @!p0 [sflag:s5], $0x1  }
0xb2: {  	s4 =	sor.u32 @!p0 s4, s6;
	[sflag:s5] =	ssyncadd.s32 @!p0 $0xFFFFFFFF  }
0xb3: {  	s25 =	simm.s32 $0x1B8E;
	s24 =	sld [smem:$0x3FFE];
	[sflag:s4] =	ssyncadd.remote.s32 @!p0 $0x1  }
0xb4: {  	s26 =	simm.s32 $execute0_lowered;
	[smem:$0x3FD2] =	sst s25  }
0xb5: {  	s5 =	sshll.u32 s26, $0x1;
	_ =	strace $0x80000052;
	[dreg:$0x1] =	wrdreg $0xFFFFFFFF  }
0xb6: {  	s28 =	simm.s32 $_size_execute0_lowered;
	s3 =	sadd.s32 s3, s5;
	[dreg:$0x0] =	wrdreg $0x0  }
0xb7: {  	s5 =	sshll.u32 s28, $0x1;
	[dreg:$0x2] =	wrdreg s3  }
0xb8: {  	[dreg:$0x3] =	wrdreg s5  }
0xb9: {  	[dreg:$0x4] =	wrdreg $0xC0  }
0xba: {  	_ =	task [dreg:s22], $0x5FFFF  }
0xbb: {  	[dreg:$0x1] =	wrdreg $0xFFFFFFFF  }
0xbc: {  	[dreg:$0x0] =	wrdreg $0x60  }
0xbd: {  	[dreg:$0x2] =	wrdreg s24  }
0xbe: {  	[dreg:$0x3] =	wrdreg $0xB  }
0xbf: {  	_ =	task.clear_ibuf [dreg:s22], $0x4FFFF;
	_ =	strace $0x90000052  }
0xc0: {  	s29 =	simm.s32 $0xB;
	_ =	strace $0x80000054  }
0xc1: {  	_ =	swait.ge [sflag:s29], $0x1  }
0xc2: {  	[sflag:s29] =	ssyncadd.s32 $0xFFFFFFFF  }
0xc3: {  	_ =	strace $0x90000054  }
0xc4: {  	_ =	sfence  }
0xc5: {  	s30 =	sld [smem:$0x0];
	_ =	sdelay $0x2  }
0xc6: {  	s31 =	sshll.u32 s1, $0xD;
	s1 =	sshrl.u32 s1, $0x2  }
0xc7: {  	s4 =	sand.u32 $0x4000, s31;
	s1 =	sadd.s32 s1, s30  }
0xc8: {  	s0 =	sor.u32 s4, s0;
	s1 =	sshll.u32 s1, $0x11  }
0xc9: {  	s0 =	sor.u32 s1, s0  }
0xca: {  	s0 =	sadd.s32 $0x8F2B, s0  }
0xcb: {  	[sflag:s0] =	ssyncadd.remote.s32 $0x1  }
0xcc: {  	_ =	sfence.sel $0xFFFF  }
0xcd: {  	[dreg:$0x0] =	wrdreg $0xFFFFFFFF;
	(pc) =	sbr.abs _section_cstart, $3  }
0xce: {  	[dreg:$0x1] =	wrdreg $0xFFFFFFFF  }
0xcf: {  	_ =	task.clear_ibuf [dreg:s22], $0x2FFFF;
	_ =	strace $0x9FFFFFFF  }
0xd0: {  	(tm) =	ssettm $0x7FFFFFFF  }
0xd1: {  	_ =	shalt  }
tec
execute0_lowered:
.L_overlay_start_1:
0x0: {  	(tag) =	ssettag $0x1  }
0x1: {  	s0 =	srdreg.scid  }
0x2: {  	s1 =	stileid.u32;
	s2 =	rddreg [dreg:$0x0]  }
0x3: {  	s3 =	simm.s32 $0x0;
	s29 =	simm.s32 $0x980;
	s30 =	simm.s32 $0x1180  }
0x4: {  	s31 =	simm.s32 $0x1980;
	s8 =	simm.s32 $0x3180;
	s9 =	simm.s32 $0x3980  }
0x5: {  	s10 =	simm.s32 $0x4180;
	s11 =	simm.s32 $0x4980;
	s12 =	simm.s32 $0x5180  }
0x6: {  	s13 =	simm.s32 $0x5980;
	s14 =	simm.s32 $0x6180;
	s15 =	simm.s32 $0x6980  }
0x7: {  	s16 =	simm.s32 $0x7180;
	s17 =	simm.s32 $0x7980;
	s18 =	simm.s32 $0x8180  }
0x8: {  	s19 =	simm.s32 $0x8980;
	s0 =	sand.u32 $0x1, s0;
	s1 =	sshll.u32 s1, $0x1  }
0x9: {  	s20 =	simm.s32 $0x9180;
	s21 =	simm.s32 $0x9980;
	s1 =	sor.u32 s0, s1  }
0xa: {  	s22 =	simm.s32 $0xA180;
	[smem:$0x7FF] =	sst s3;
	s4 =	smul.u32 $0x28, s1  }
0xb: {  	s6 =	sadd.s32 $0x164000, s2;
	s0 =	ssub.s32 $0x2, s0;
	s5 =	smul.u32 $0x28000, s1  }
0xc: {  	_ =	strace $0x80000053;
	s1 =	smul.u32 $0x5000, s1;
	s25 =	sshrl.u32 s0, $0x1  }
0xd: {  	s0 =	ssub.s32 s0, s25;
	s25 =	simm.s32 $0x4;
	s4 =	sadd.s32 s4, s2  }
0xe: {  	s5 =	sshrl.u32 s5, $0x3;
	s1 =	sadd.s32 s6, s1;
	s4 =	sadd.s32 $0xC3000, s4  }
0xf: {  	s23 =	sadd.s32 s6, s5;
	[dreg:$0x3] =	wrdreg s1;
	s5 =	smax.u32 s0, $0x1  }
0x10: {  	s6 =	simm.s32 $0x1;
	[dreg:$0x2] =	wrdreg s4;
	s24 =	sadd.s32 $0x1400, s23  }
0x11: {  	v2 =	vlaneseq.u32;
	s1 =	simm.s32 $0x2180;
	s26 =	sadd.s32 $0x2800, s23;
	[dreg:$0x4] =	wrdreg s24  }
0x12: {  	vm0 =	vmmov $0xffff;
	v1 =	vshrl.u32 v2, $0x3;
	s28 =	sadd.s32 $0x3C00, s23;
	s4 =	sadd.s32 $0x100, s2;
	[dreg:$0x5] =	wrdreg s26  }
0x13: {  	v0 =	vand.u32 $0x7, v2;
	v2 =	vor.u32 $0x8, v2;
	v1 =	vmul.u32 $0x8, v1;
	s23 =	simm.s32 $0x3;
	[dreg:$0x6] =	wrdreg s28;
	s24 =	simm.s32 $0x2  }
.LBB2_1:
0x14: {  	s26 =	rddreg [dreg:$0x2];
	s0 =	simm.s32 $0x5  }
0x15: {  	[tilespmem:s3], [sflag:$0x5] =	stream.linear.gather [hbm4b:s26+s3], $0x140, $0x38;
	[tilespmem:$0x14180] =	vst v63  }
0x16: {  	_ =	swait.ge [sflag:s0], $0x140  }
0x17: {  	[sflag:s0] =	ssyncset.done $0x0  }
0x18: {  	[sflag:s0] =	ssyncadd.s32 $0xFFFFFEC0  }
0x19: {  	v3 =	vld [tilespmem:$0x0];
	_ =	sdelay $0x4  }
0x1a: {  	v4 =	vshll.u32 v3, $0x2  }
0x1b: {  	v3 =	vand.u32 $0x7, v3;
	v4 =	vand.u32 $0xFFFFFFE0, v4  }
0x1c: {  	v3 =	vor.u32 v3, v4  }
0x1d: {  	v4 =	vperm.xlane v3, v0;
	_ =	sdelay $0x1  }
0x1e: {  	v4 =	vadd.s32 v1, v4;
	_ =	sdelay $0x1  }
0x1f: {  	v3 =	vperm.xlane v3, v2;
	_ =	sdelay $0x1  }
0x20: {  	s26 =	simm.s32 $0x180;
	v3 =	vadd.s32 v1, v3  }
0x21: {  	[tilespmem:s26], [sflag:$0x1] =	stream.indirect_vreg.gather [hbm4b:s2+s3], $0x80, v4, vm0, $0xb8;
	[tilespmem:$0x14180] =	vst v63  }
0x22: {  	_ = 	snop  }
0x23: {  	[tilespmem:s29], [sflag:$0x1] =	stream.indirect_vreg.gather [hbm4b:s4+s3], $0x80, v4, vm0, $0xb8;
	[tilespmem:$0x14180] =	vst v63  }
0x24: {  	_ = 	snop  }
0x25: {  	[tilespmem:s30], [sflag:$0x1] =	stream.indirect_vreg.gather [hbm4b:s2+s3], $0x80, v3, vm0, $0xb8;
	[tilespmem:$0x14180] =	vst v63  }
0x26: {  	_ = 	snop  }
0x27: {  	[tilespmem:s31], [sflag:$0x1] =	stream.indirect_vreg.gather [hbm4b:s4+s3], $0x80, v3, vm0, $0xb8;
	[tilespmem:$0x14180] =	vst v63  }
0x28: {  	v3 =	vld [tilespmem:$0x10];
	_ =	sdelay $0x4  }
0x29: {  	v45 =	vshll.u32 v3, $0x2  }
0x2a: {  	v3 =	vand.u32 $0x7, v3;
	v4 =	vand.u32 $0xFFFFFFE0, v45  }
0x2b: {  	v3 =	vor.u32 v3, v4  }
0x2c: {  	v4 =	vperm.xlane v3, v0;
	_ =	sdelay $0x1  }
0x2d: {  	v4 =	vadd.s32 v1, v4;
	_ =	sdelay $0x1  }
0x2e: {  	v3 =	vperm.xlane v3, v2;
	_ =	sdelay $0x1  }
0x2f: {  	v3 =	vadd.s32 v1, v3  }
0x30: {  	[tilespmem:s1], [sflag:$0x1] =	stream.indirect_vreg.gather [hbm4b:s2+s3], $0x80, v4, vm0, $0xb8;
	[tilespmem:$0x14180] =	vst v63  }
0x31: {  	s0 =	simm.s32 $0x2980  }
0x32: {  	[tilespmem:s0], [sflag:$0x1] =	stream.indirect_vreg.gather [hbm4b:s4+s3], $0x80, v4, vm0, $0xb8;
	[tilespmem:$0x14180] =	vst v63  }
0x33: {  	_ = 	snop  }
0x34: {  	[tilespmem:s8], [sflag:$0x1] =	stream.indirect_vreg.gather [hbm4b:s2+s3], $0x80, v3, vm0, $0xb8;
	[tilespmem:$0x14180] =	vst v63  }
0x35: {  	_ = 	snop  }
0x36: {  	[tilespmem:s9], [sflag:$0x1] =	stream.indirect_vreg.gather [hbm4b:s4+s3], $0x80, v3, vm0, $0xb8;
	[tilespmem:$0x14180] =	vst v63  }
0x37: {  	v3 =	vld [tilespmem:$0x20];
	_ =	sdelay $0x4  }
0x38: {  	v46 =	vshll.u32 v3, $0x2  }
0x39: {  	v3 =	vand.u32 $0x7, v3;
	v4 =	vand.u32 $0xFFFFFFE0, v46  }
0x3a: {  	v3 =	vor.u32 v3, v4  }
0x3b: {  	v4 =	vperm.xlane v3, v0;
	_ =	sdelay $0x1  }
0x3c: {  	v4 =	vadd.s32 v1, v4;
	_ =	sdelay $0x1  }
0x3d: {  	v3 =	vperm.xlane v3, v2;
	_ =	sdelay $0x1  }
0x3e: {  	v3 =	vadd.s32 v1, v3  }
0x3f: {  	[tilespmem:s10], [sflag:$0x1] =	stream.indirect_vreg.gather [hbm4b:s2+s3], $0x80, v4, vm0, $0xb8;
	[tilespmem:$0x14180] =	vst v63  }
0x40: {  	_ = 	snop  }
0x41: {  	[tilespmem:s11], [sflag:$0x1] =	stream.indirect_vreg.gather [hbm4b:s4+s3], $0x80, v4, vm0, $0xb8;
	[tilespmem:$0x14180] =	vst v63  }
0x42: {  	_ = 	snop  }
0x43: {  	[tilespmem:s12], [sflag:$0x1] =	stream.indirect_vreg.gather [hbm4b:s2+s3], $0x80, v3, vm0, $0xb8;
	[tilespmem:$0x14180] =	vst v63  }
0x44: {  	_ = 	snop  }
0x45: {  	[tilespmem:s13], [sflag:$0x1] =	stream.indirect_vreg.gather [hbm4b:s4+s3], $0x80, v3, vm0, $0xb8;
	[tilespmem:$0x14180] =	vst v63  }
0x46: {  	v3 =	vld [tilespmem:$0x30];
	_ =	sdelay $0x4  }
0x47: {  	v47 =	vshll.u32 v3, $0x2  }
0x48: {  	v3 =	vand.u32 $0x7, v3;
	v4 =	vand.u32 $0xFFFFFFE0, v47  }
0x49: {  	v3 =	vor.u32 v3, v4  }
0x4a: {  	v4 =	vperm.xlane v3, v0;
	_ =	sdelay $0x1  }
0x4b: {  	v4 =	vadd.s32 v1, v4;
	_ =	sdelay $0x1  }
0x4c: {  	v3 =	vperm.xlane v3, v2;
	_ =	sdelay $0x1  }
0x4d: {  	v3 =	vadd.s32 v1, v3  }
0x4e: {  	[tilespmem:s14], [sflag:$0x1] =	stream.indirect_vreg.gather [hbm4b:s2+s3], $0x80, v4, vm0, $0xb8;
	[tilespmem:$0x14180] =	vst v63  }
0x4f: {  	_ = 	snop  }
0x50: {  	[tilespmem:s15], [sflag:$0x1] =	stream.indirect_vreg.gather [hbm4b:s4+s3], $0x80, v4, vm0, $0xb8;
	[tilespmem:$0x14180] =	vst v63  }
0x51: {  	_ = 	snop  }
0x52: {  	[tilespmem:s16], [sflag:$0x1] =	stream.indirect_vreg.gather [hbm4b:s2+s3], $0x80, v3, vm0, $0xb8;
	[tilespmem:$0x14180] =	vst v63  }
0x53: {  	_ = 	snop  }
0x54: {  	[tilespmem:s17], [sflag:$0x1] =	stream.indirect_vreg.gather [hbm4b:s4+s3], $0x80, v3, vm0, $0xb8;
	[tilespmem:$0x14180] =	vst v63  }
0x55: {  	v3 =	vld [tilespmem:$0x40];
	_ =	sdelay $0x4  }
0x56: {  	v48 =	vshll.u32 v3, $0x2  }
0x57: {  	v3 =	vand.u32 $0x7, v3;
	v4 =	vand.u32 $0xFFFFFFE0, v48  }
0x58: {  	v3 =	vor.u32 v3, v4  }
0x59: {  	v4 =	vperm.xlane v3, v0;
	_ =	sdelay $0x1  }
0x5a: {  	v4 =	vadd.s32 v1, v4;
	_ =	sdelay $0x1  }
0x5b: {  	v3 =	vperm.xlane v3, v2;
	_ =	sdelay $0x1  }
0x5c: {  	v3 =	vadd.s32 v1, v3  }
0x5d: {  	[tilespmem:s18], [sflag:$0x1] =	stream.indirect_vreg.gather [hbm4b:s2+s3], $0x80, v4, vm0, $0xb8;
	[tilespmem:$0x14180] =	vst v63  }
0x5e: {  	_ = 	snop  }
0x5f: {  	[tilespmem:s19], [sflag:$0x1] =	stream.indirect_vreg.gather [hbm4b:s4+s3], $0x80, v4, vm0, $0xb8;
	[tilespmem:$0x14180] =	vst v63  }
0x60: {  	_ = 	snop  }
0x61: {  	[tilespmem:s20], [sflag:$0x1] =	stream.indirect_vreg.gather [hbm4b:s2+s3], $0x80, v3, vm0, $0xb8;
	[tilespmem:$0x14180] =	vst v63  }
0x62: {  	_ = 	snop  }
0x63: {  	[tilespmem:s21], [sflag:$0x1] =	stream.indirect_vreg.gather [hbm4b:s4+s3], $0x80, v3, vm0, $0xb8;
	[tilespmem:$0x14180] =	vst v63  }
0x64: {  	v3 =	vld [tilespmem:$0x50];
	_ =	sdelay $0x4  }
0x65: {  	v49 =	vshll.u32 v3, $0x2  }
0x66: {  	v3 =	vand.u32 $0x7, v3;
	v4 =	vand.u32 $0xFFFFFFE0, v49  }
0x67: {  	v3 =	vor.u32 v3, v4  }
0x68: {  	v4 =	vperm.xlane v3, v0;
	_ =	sdelay $0x1  }
0x69: {  	v4 =	vadd.s32 v1, v4;
	_ =	sdelay $0x1  }
0x6a: {  	v3 =	vperm.xlane v3, v2;
	_ =	sdelay $0x1  }
0x6b: {  	v3 =	vadd.s32 v1, v3  }
0x6c: {  	[tilespmem:s22], [sflag:$0x2] =	stream.indirect_vreg.gather [hbm4b:s2+s3], $0x80, v4, vm0, $0xb8;
	[tilespmem:$0x14180] =	vst v63  }
0x6d: {  	s7 =	simm.s32 $0xA980  }
0x6e: {  	[tilespmem:s7], [sflag:$0x2] =	stream.indirect_vreg.gather [hbm4b:s4+s3], $0x80, v4, vm0, $0xb8;
	[tilespmem:$0x14180] =	vst v63  }
0x6f: {  	s7 =	simm.s32 $0xB180  }
0x70: {  	[tilespmem:s7], [sflag:$0x2] =	stream.indirect_vreg.gather [hbm4b:s2+s3], $0x80, v3, vm0, $0xb8;
	[tilespmem:$0x14180] =	vst v63  }
0x71: {  	s28 =	simm.s32 $0xB980  }
0x72: {  	[tilespmem:s28], [sflag:$0x2] =	stream.indirect_vreg.gather [hbm4b:s4+s3], $0x80, v3, vm0, $0xb8;
	[tilespmem:$0x14180] =	vst v63  }
0x73: {  	v3 =	vld [tilespmem:$0x60];
	_ =	sdelay $0x4  }
0x74: {  	v50 =	vshll.u32 v3, $0x2  }
0x75: {  	v3 =	vand.u32 $0x7, v3;
	v4 =	vand.u32 $0xFFFFFFE0, v50  }
0x76: {  	v3 =	vor.u32 v3, v4  }
0x77: {  	v4 =	vperm.xlane v3, v0;
	_ =	sdelay $0x1  }
0x78: {  	v4 =	vadd.s32 v1, v4;
	_ =	sdelay $0x1  }
0x79: {  	v3 =	vperm.xlane v3, v2;
	_ =	sdelay $0x1  }
0x7a: {  	s28 =	simm.s32 $0xC180;
	v3 =	vadd.s32 v1, v3  }
0x7b: {  	[tilespmem:s28], [sflag:$0x2] =	stream.indirect_vreg.gather [hbm4b:s2+s3], $0x80, v4, vm0, $0xb8;
	[tilespmem:$0x14180] =	vst v63  }
0x7c: {  	s28 =	simm.s32 $0xC980  }
0x7d: {  	[tilespmem:s28], [sflag:$0x2] =	stream.indirect_vreg.gather [hbm4b:s4+s3], $0x80, v4, vm0, $0xb8;
	[tilespmem:$0x14180] =	vst v63  }
0x7e: {  	s28 =	simm.s32 $0xD180  }
0x7f: {  	[tilespmem:s28], [sflag:$0x2] =	stream.indirect_vreg.gather [hbm4b:s2+s3], $0x80, v3, vm0, $0xb8;
	[tilespmem:$0x14180] =	vst v63  }
0x80: {  	s28 =	simm.s32 $0xD980  }
0x81: {  	[tilespmem:s28], [sflag:$0x2] =	stream.indirect_vreg.gather [hbm4b:s4+s3], $0x80, v3, vm0, $0xb8;
	[tilespmem:$0x14180] =	vst v63  }
0x82: {  	v3 =	vld [tilespmem:$0x70];
	_ =	sdelay $0x4  }
0x83: {  	v51 =	vshll.u32 v3, $0x2  }
0x84: {  	v3 =	vand.u32 $0x7, v3;
	v4 =	vand.u32 $0xFFFFFFE0, v51  }
0x85: {  	v3 =	vor.u32 v3, v4  }
0x86: {  	v4 =	vperm.xlane v3, v0;
	_ =	sdelay $0x1  }
0x87: {  	v4 =	vadd.s32 v1, v4;
	_ =	sdelay $0x1  }
0x88: {  	v3 =	vperm.xlane v3, v2;
	_ =	sdelay $0x1  }
0x89: {  	s28 =	simm.s32 $0xE180;
	v3 =	vadd.s32 v1, v3  }
0x8a: {  	[tilespmem:s28], [sflag:$0x2] =	stream.indirect_vreg.gather [hbm4b:s2+s3], $0x80, v4, vm0, $0xb8;
	[tilespmem:$0x14180] =	vst v63  }
0x8b: {  	s28 =	simm.s32 $0xE980  }
0x8c: {  	[tilespmem:s28], [sflag:$0x2] =	stream.indirect_vreg.gather [hbm4b:s4+s3], $0x80, v4, vm0, $0xb8;
	[tilespmem:$0x14180] =	vst v63  }
0x8d: {  	s28 =	simm.s32 $0xF180  }
0x8e: {  	[tilespmem:s28], [sflag:$0x2] =	stream.indirect_vreg.gather [hbm4b:s2+s3], $0x80, v3, vm0, $0xb8;
	[tilespmem:$0x14180] =	vst v63  }
0x8f: {  	s28 =	simm.s32 $0xF980  }
0x90: {  	[tilespmem:s28], [sflag:$0x2] =	stream.indirect_vreg.gather [hbm4b:s4+s3], $0x80, v3, vm0, $0xb8;
	[tilespmem:$0x14180] =	vst v63  }
0x91: {  	v3 =	vld [tilespmem:$0x80];
	_ =	sdelay $0x4  }
0x92: {  	v52 =	vshll.u32 v3, $0x2  }
0x93: {  	v3 =	vand.u32 $0x7, v3;
	v4 =	vand.u32 $0xFFFFFFE0, v52  }
0x94: {  	v3 =	vor.u32 v3, v4  }
0x95: {  	v4 =	vperm.xlane v3, v0;
	_ =	sdelay $0x1  }
0x96: {  	v4 =	vadd.s32 v1, v4;
	_ =	sdelay $0x1  }
0x97: {  	v3 =	vperm.xlane v3, v2;
	_ =	sdelay $0x1  }
0x98: {  	s28 =	simm.s32 $0x10180;
	v3 =	vadd.s32 v1, v3  }
0x99: {  	[tilespmem:s28], [sflag:$0x2] =	stream.indirect_vreg.gather [hbm4b:s2+s3], $0x80, v4, vm0, $0xb8;
	[tilespmem:$0x14180] =	vst v63  }
0x9a: {  	s28 =	simm.s32 $0x10980  }
0x9b: {  	[tilespmem:s28], [sflag:$0x2] =	stream.indirect_vreg.gather [hbm4b:s4+s3], $0x80, v4, vm0, $0xb8;
	[tilespmem:$0x14180] =	vst v63  }
0x9c: {  	s28 =	simm.s32 $0x11180  }
0x9d: {  	[tilespmem:s28], [sflag:$0x2] =	stream.indirect_vreg.gather [hbm4b:s2+s3], $0x80, v3, vm0, $0xb8;
	[tilespmem:$0x14180] =	vst v63  }
0x9e: {  	s28 =	simm.s32 $0x11980  }
0x9f: {  	[tilespmem:s28], [sflag:$0x2] =	stream.indirect_vreg.gather [hbm4b:s4+s3], $0x80, v3, vm0, $0xb8;
	[tilespmem:$0x14180] =	vst v63  }
0xa0: {  	v3 =	vld [tilespmem:$0x90];
	_ =	sdelay $0x4  }
0xa1: {  	v53 =	vshll.u32 v3, $0x2  }
0xa2: {  	v3 =	vand.u32 $0x7, v3;
	v4 =	vand.u32 $0xFFFFFFE0, v53  }
0xa3: {  	v3 =	vor.u32 v3, v4  }
0xa4: {  	v4 =	vperm.xlane v3, v0;
	_ =	sdelay $0x1  }
0xa5: {  	v4 =	vadd.s32 v1, v4;
	_ =	sdelay $0x1  }
0xa6: {  	v3 =	vperm.xlane v3, v2;
	_ =	sdelay $0x1  }
0xa7: {  	s28 =	simm.s32 $0x12180;
	v3 =	vadd.s32 v1, v3  }
0xa8: {  	[tilespmem:s28], [sflag:$0x2] =	stream.indirect_vreg.gather [hbm4b:s2+s3], $0x80, v4, vm0, $0xb8;
	[tilespmem:$0x14180] =	vst v63  }
0xa9: {  	s28 =	simm.s32 $0x12980  }
0xaa: {  	[tilespmem:s28], [sflag:$0x2] =	stream.indirect_vreg.gather [hbm4b:s4+s3], $0x80, v4, vm0, $0xb8;
	[tilespmem:$0x14180] =	vst v63  }
0xab: {  	s28 =	simm.s32 $0x13180  }
0xac: {  	[tilespmem:s28], [sflag:$0x2] =	stream.indirect_vreg.gather [hbm4b:s2+s3], $0x80, v3, vm0, $0xb8;
	[tilespmem:$0x14180] =	vst v63  }
0xad: {  	s28 =	simm.s32 $0x13980  }
0xae: {  	[tilespmem:s28], [sflag:$0x2] =	stream.indirect_vreg.gather [hbm4b:s4+s3], $0x80, v3, vm0, $0xb8;
	[tilespmem:$0x14180] =	vst v63  }
0xaf: {  	_ =	swait.ge [sflag:s6], $0xA000  }
0xb0: {  	[sflag:s6] =	ssyncset.done $0x0  }
0xb1: {  	s28 =	simm.s32 $0x180;
	s26 =	rddreg [dreg:$0x3];
	[sflag:s6] =	ssyncadd.s32 $0xFFFF6000  }
0xb2: {  	[hbm4b:s26+s3] =	stream.linear.scatter [tilespmem:s28], [sflag:$0x3], $0xA000, $0x38;
	[tilespmem:$0x14180] =	vst v63  }
0xb3: {  	_ =	swait.ge [sflag:s23], $0xA000  }
0xb4: {  	[sflag:s23] =	ssyncset.done $0x0  }
0xb5: {  	[sflag:s23] =	ssyncadd.s32 $0xFFFF6000  }
0xb6: {  	v3 =	vld [tilespmem:$0xA0];
	_ =	sdelay $0x4  }
0xb7: {  	v54 =	vshll.u32 v3, $0x2  }
0xb8: {  	v3 =	vand.u32 $0x7, v3;
	v4 =	vand.u32 $0xFFFFFFE0, v54  }
0xb9: {  	v3 =	vor.u32 v3, v4  }
0xba: {  	v4 =	vperm.xlane v3, v0;
	_ =	sdelay $0x1  }
0xbb: {  	v4 =	vadd.s32 v1, v4;
	_ =	sdelay $0x1  }
0xbc: {  	v3 =	vperm.xlane v3, v2;
	_ =	sdelay $0x1  }
0xbd: {  	v3 =	vadd.s32 v1, v3  }
0xbe: {  	[tilespmem:s28], [sflag:$0x1] =	stream.indirect_vreg.gather [hbm4b:s2+s3], $0x80, v4, vm0, $0xb8;
	[tilespmem:$0x14180] =	vst v63  }
0xbf: {  	_ = 	snop  }
0xc0: {  	[tilespmem:s29], [sflag:$0x1] =	stream.indirect_vreg.gather [hbm4b:s4+s3], $0x80, v4, vm0, $0xb8;
	[tilespmem:$0x14180] =	vst v63  }
0xc1: {  	_ = 	snop  }
0xc2: {  	[tilespmem:s30], [sflag:$0x1] =	stream.indirect_vreg.gather [hbm4b:s2+s3], $0x80, v3, vm0, $0xb8;
	[tilespmem:$0x14180] =	vst v63  }
0xc3: {  	_ = 	snop  }
0xc4: {  	[tilespmem:s31], [sflag:$0x1] =	stream.indirect_vreg.gather [hbm4b:s4+s3], $0x80, v3, vm0, $0xb8;
	[tilespmem:$0x14180] =	vst v63  }
0xc5: {  	v3 =	vld [tilespmem:$0xB0];
	_ =	sdelay $0x4  }
0xc6: {  	v55 =	vshll.u32 v3, $0x2  }
0xc7: {  	v3 =	vand.u32 $0x7, v3;
	v4 =	vand.u32 $0xFFFFFFE0, v55  }
0xc8: {  	v3 =	vor.u32 v3, v4  }
0xc9: {  	v4 =	vperm.xlane v3, v0;
	_ =	sdelay $0x1  }
0xca: {  	v4 =	vadd.s32 v1, v4;
	_ =	sdelay $0x1  }
0xcb: {  	v3 =	vperm.xlane v3, v2;
	_ =	sdelay $0x1  }
0xcc: {  	v3 =	vadd.s32 v1, v3  }
0xcd: {  	[tilespmem:s1], [sflag:$0x1] =	stream.indirect_vreg.gather [hbm4b:s2+s3], $0x80, v4, vm0, $0xb8;
	[tilespmem:$0x14180] =	vst v63  }
0xce: {  	_ = 	snop  }
0xcf: {  	[tilespmem:s0], [sflag:$0x1] =	stream.indirect_vreg.gather [hbm4b:s4+s3], $0x80, v4, vm0, $0xb8;
	[tilespmem:$0x14180] =	vst v63  }
0xd0: {  	_ = 	snop  }
0xd1: {  	[tilespmem:s8], [sflag:$0x1] =	stream.indirect_vreg.gather [hbm4b:s2+s3], $0x80, v3, vm0, $0xb8;
	[tilespmem:$0x14180] =	vst v63  }
0xd2: {  	_ = 	snop  }
0xd3: {  	[tilespmem:s9], [sflag:$0x1] =	stream.indirect_vreg.gather [hbm4b:s4+s3], $0x80, v3, vm0, $0xb8;
	[tilespmem:$0x14180] =	vst v63  }
0xd4: {  	v3 =	vld [tilespmem:$0xC0];
	_ =	sdelay $0x4  }
0xd5: {  	v56 =	vshll.u32 v3, $0x2  }
0xd6: {  	v3 =	vand.u32 $0x7, v3;
	v4 =	vand.u32 $0xFFFFFFE0, v56  }
0xd7: {  	v3 =	vor.u32 v3, v4  }
0xd8: {  	v4 =	vperm.xlane v3, v0;
	_ =	sdelay $0x1  }
0xd9: {  	v4 =	vadd.s32 v1, v4;
	_ =	sdelay $0x1  }
0xda: {  	v3 =	vperm.xlane v3, v2;
	_ =	sdelay $0x1  }
0xdb: {  	v3 =	vadd.s32 v1, v3  }
0xdc: {  	[tilespmem:s10], [sflag:$0x1] =	stream.indirect_vreg.gather [hbm4b:s2+s3], $0x80, v4, vm0, $0xb8;
	[tilespmem:$0x14180] =	vst v63  }
0xdd: {  	_ = 	snop  }
0xde: {  	[tilespmem:s11], [sflag:$0x1] =	stream.indirect_vreg.gather [hbm4b:s4+s3], $0x80, v4, vm0, $0xb8;
	[tilespmem:$0x14180] =	vst v63  }
0xdf: {  	_ = 	snop  }
0xe0: {  	[tilespmem:s12], [sflag:$0x1] =	stream.indirect_vreg.gather [hbm4b:s2+s3], $0x80, v3, vm0, $0xb8;
	[tilespmem:$0x14180] =	vst v63  }
0xe1: {  	_ = 	snop  }
0xe2: {  	[tilespmem:s13], [sflag:$0x1] =	stream.indirect_vreg.gather [hbm4b:s4+s3], $0x80, v3, vm0, $0xb8;
	[tilespmem:$0x14180] =	vst v63  }
0xe3: {  	v3 =	vld [tilespmem:$0xD0];
	_ =	sdelay $0x4  }
0xe4: {  	v57 =	vshll.u32 v3, $0x2  }
0xe5: {  	v3 =	vand.u32 $0x7, v3;
	v4 =	vand.u32 $0xFFFFFFE0, v57  }
0xe6: {  	v3 =	vor.u32 v3, v4  }
0xe7: {  	v4 =	vperm.xlane v3, v0;
	_ =	sdelay $0x1  }
0xe8: {  	v4 =	vadd.s32 v1, v4;
	_ =	sdelay $0x1  }
0xe9: {  	v3 =	vperm.xlane v3, v2;
	_ =	sdelay $0x1  }
0xea: {  	v3 =	vadd.s32 v1, v3  }
0xeb: {  	[tilespmem:s14], [sflag:$0x1] =	stream.indirect_vreg.gather [hbm4b:s2+s3], $0x80, v4, vm0, $0xb8;
	[tilespmem:$0x14180] =	vst v63  }
0xec: {  	_ = 	snop  }
0xed: {  	[tilespmem:s15], [sflag:$0x1] =	stream.indirect_vreg.gather [hbm4b:s4+s3], $0x80, v4, vm0, $0xb8;
	[tilespmem:$0x14180] =	vst v63  }
0xee: {  	_ = 	snop  }
0xef: {  	[tilespmem:s16], [sflag:$0x1] =	stream.indirect_vreg.gather [hbm4b:s2+s3], $0x80, v3, vm0, $0xb8;
	[tilespmem:$0x14180] =	vst v63  }
0xf0: {  	_ = 	snop  }
0xf1: {  	[tilespmem:s17], [sflag:$0x1] =	stream.indirect_vreg.gather [hbm4b:s4+s3], $0x80, v3, vm0, $0xb8;
	[tilespmem:$0x14180] =	vst v63  }
0xf2: {  	v3 =	vld [tilespmem:$0xE0];
	_ =	sdelay $0x4  }
0xf3: {  	v58 =	vshll.u32 v3, $0x2  }
0xf4: {  	v3 =	vand.u32 $0x7, v3;
	v4 =	vand.u32 $0xFFFFFFE0, v58  }
0xf5: {  	v3 =	vor.u32 v3, v4  }
0xf6: {  	v4 =	vperm.xlane v3, v0;
	_ =	sdelay $0x1  }
0xf7: {  	v4 =	vadd.s32 v1, v4;
	_ =	sdelay $0x1  }
0xf8: {  	v3 =	vperm.xlane v3, v2;
	_ =	sdelay $0x1  }
0xf9: {  	v3 =	vadd.s32 v1, v3  }
0xfa: {  	[tilespmem:s18], [sflag:$0x1] =	stream.indirect_vreg.gather [hbm4b:s2+s3], $0x80, v4, vm0, $0xb8;
	[tilespmem:$0x14180] =	vst v63  }
0xfb: {  	_ = 	snop  }
0xfc: {  	[tilespmem:s19], [sflag:$0x1] =	stream.indirect_vreg.gather [hbm4b:s4+s3], $0x80, v4, vm0, $0xb8;
	[tilespmem:$0x14180] =	vst v63  }
0xfd: {  	_ = 	snop  }
0xfe: {  	[tilespmem:s20], [sflag:$0x1] =	stream.indirect_vreg.gather [hbm4b:s2+s3], $0x80, v3, vm0, $0xb8;
	[tilespmem:$0x14180] =	vst v63  }
0xff: {  	_ = 	snop  }
0x100: {  	[tilespmem:s21], [sflag:$0x1] =	stream.indirect_vreg.gather [hbm4b:s4+s3], $0x80, v3, vm0, $0xb8;
	[tilespmem:$0x14180] =	vst v63  }
0x101: {  	_ =	swait.ge [sflag:s24], $0xA000  }
0x102: {  	[sflag:s24] =	ssyncset.done $0x0  }
0x103: {  	s0 =	rddreg [dreg:$0x4];
	[sflag:s24] =	ssyncadd.s32 $0xFFFF6000  }
0x104: {  	[hbm4b:s0+s3] =	stream.linear.scatter [tilespmem:s22], [sflag:$0x4], $0xA000, $0x38;
	[tilespmem:$0x14180] =	vst v63  }
0x105: {  	_ =	swait.ge [sflag:s25], $0xA000  }
0x106: {  	[sflag:s25] =	ssyncset.done $0x0  }
0x107: {  	[sflag:s25] =	ssyncadd.s32 $0xFFFF6000  }
0x108: {  	v3 =	vld [tilespmem:$0xF0];
	_ =	sdelay $0x4  }
0x109: {  	v59 =	vshll.u32 v3, $0x2  }
0x10a: {  	v3 =	vand.u32 $0x7, v3;
	v4 =	vand.u32 $0xFFFFFFE0, v59  }
0x10b: {  	v3 =	vor.u32 v3, v4  }
0x10c: {  	v4 =	vperm.xlane v3, v0;
	_ =	sdelay $0x1  }
0x10d: {  	v4 =	vadd.s32 v1, v4;
	_ =	sdelay $0x1  }
0x10e: {  	v3 =	vperm.xlane v3, v2;
	_ =	sdelay $0x1  }
0x10f: {  	v3 =	vadd.s32 v1, v3  }
0x110: {  	[tilespmem:s22], [sflag:$0x2] =	stream.indirect_vreg.gather [hbm4b:s2+s3], $0x80, v4, vm0, $0xb8;
	[tilespmem:$0x14180] =	vst v63  }
0x111: {  	s26 =	simm.s32 $0xA980  }
0x112: {  	[tilespmem:s26], [sflag:$0x2] =	stream.indirect_vreg.gather [hbm4b:s4+s3], $0x80, v4, vm0, $0xb8;
	[tilespmem:$0x14180] =	vst v63  }
0x113: {  	_ = 	snop  }
0x114: {  	[tilespmem:s7], [sflag:$0x2] =	stream.indirect_vreg.gather [hbm4b:s2+s3], $0x80, v3, vm0, $0xb8;
	[tilespmem:$0x14180] =	vst v63  }
0x115: {  	s26 =	simm.s32 $0xB980  }
0x116: {  	[tilespmem:s26], [sflag:$0x2] =	stream.indirect_vreg.gather [hbm4b:s4+s3], $0x80, v3, vm0, $0xb8;
	[tilespmem:$0x14180] =	vst v63  }
0x117: {  	v3 =	vld [tilespmem:$0x100];
	_ =	sdelay $0x4  }
0x118: {  	v60 =	vshll.u32 v3, $0x2  }
0x119: {  	v3 =	vand.u32 $0x7, v3;
	v4 =	vand.u32 $0xFFFFFFE0, v60  }
0x11a: {  	v3 =	vor.u32 v3, v4  }
0x11b: {  	v4 =	vperm.xlane v3, v0;
	_ =	sdelay $0x1  }
0x11c: {  	v4 =	vadd.s32 v1, v4;
	_ =	sdelay $0x1  }
0x11d: {  	v3 =	vperm.xlane v3, v2;
	_ =	sdelay $0x1  }
0x11e: {  	s7 =	simm.s32 $0xC180;
	v3 =	vadd.s32 v1, v3  }
0x11f: {  	[tilespmem:s7], [sflag:$0x2] =	stream.indirect_vreg.gather [hbm4b:s2+s3], $0x80, v4, vm0, $0xb8;
	[tilespmem:$0x14180] =	vst v63  }
0x120: {  	s26 =	simm.s32 $0xC980  }
0x121: {  	[tilespmem:s26], [sflag:$0x2] =	stream.indirect_vreg.gather [hbm4b:s4+s3], $0x80, v4, vm0, $0xb8;
	[tilespmem:$0x14180] =	vst v63  }
0x122: {  	s7 =	simm.s32 $0xD180  }
0x123: {  	[tilespmem:s7], [sflag:$0x2] =	stream.indirect_vreg.gather [hbm4b:s2+s3], $0x80, v3, vm0, $0xb8;
	[tilespmem:$0x14180] =	vst v63  }
0x124: {  	s26 =	simm.s32 $0xD980  }
0x125: {  	[tilespmem:s26], [sflag:$0x2] =	stream.indirect_vreg.gather [hbm4b:s4+s3], $0x80, v3, vm0, $0xb8;
	[tilespmem:$0x14180] =	vst v63  }
0x126: {  	v3 =	vld [tilespmem:$0x110];
	_ =	sdelay $0x4  }
0x127: {  	v61 =	vshll.u32 v3, $0x2  }
0x128: {  	v3 =	vand.u32 $0x7, v3;
	v4 =	vand.u32 $0xFFFFFFE0, v61  }
0x129: {  	v3 =	vor.u32 v3, v4  }
0x12a: {  	v4 =	vperm.xlane v3, v0;
	_ =	sdelay $0x1  }
0x12b: {  	v4 =	vadd.s32 v1, v4;
	_ =	sdelay $0x1  }
0x12c: {  	v3 =	vperm.xlane v3, v2;
	_ =	sdelay $0x1  }
0x12d: {  	s7 =	simm.s32 $0xE180;
	v3 =	vadd.s32 v1, v3  }
0x12e: {  	[tilespmem:s7], [sflag:$0x2] =	stream.indirect_vreg.gather [hbm4b:s2+s3], $0x80, v4, vm0, $0xb8;
	[tilespmem:$0x14180] =	vst v63  }
0x12f: {  	s26 =	simm.s32 $0xE980  }
0x130: {  	[tilespmem:s26], [sflag:$0x2] =	stream.indirect_vreg.gather [hbm4b:s4+s3], $0x80, v4, vm0, $0xb8;
	[tilespmem:$0x14180] =	vst v63  }
0x131: {  	s7 =	simm.s32 $0xF180  }
0x132: {  	[tilespmem:s7], [sflag:$0x2] =	stream.indirect_vreg.gather [hbm4b:s2+s3], $0x80, v3, vm0, $0xb8;
	[tilespmem:$0x14180] =	vst v63  }
0x133: {  	s26 =	simm.s32 $0xF980  }
0x134: {  	[tilespmem:s26], [sflag:$0x2] =	stream.indirect_vreg.gather [hbm4b:s4+s3], $0x80, v3, vm0, $0xb8;
	[tilespmem:$0x14180] =	vst v63  }
0x135: {  	v3 =	vld [tilespmem:$0x120];
	_ =	sdelay $0x4  }
0x136: {  	v62 =	vshll.u32 v3, $0x2  }
0x137: {  	v3 =	vand.u32 $0x7, v3;
	v4 =	vand.u32 $0xFFFFFFE0, v62  }
0x138: {  	v3 =	vor.u32 v3, v4  }
0x139: {  	v4 =	vperm.xlane v3, v0;
	_ =	sdelay $0x1  }
0x13a: {  	v4 =	vadd.s32 v1, v4;
	_ =	sdelay $0x1  }
0x13b: {  	v3 =	vperm.xlane v3, v2;
	_ =	sdelay $0x1  }
0x13c: {  	s7 =	simm.s32 $0x10180;
	v3 =	vadd.s32 v1, v3  }
0x13d: {  	[tilespmem:s7], [sflag:$0x2] =	stream.indirect_vreg.gather [hbm4b:s2+s3], $0x80, v4, vm0, $0xb8;
	[tilespmem:$0x14180] =	vst v63  }
0x13e: {  	s26 =	simm.s32 $0x10980  }
0x13f: {  	[tilespmem:s26], [sflag:$0x2] =	stream.indirect_vreg.gather [hbm4b:s4+s3], $0x80, v4, vm0, $0xb8;
	[tilespmem:$0x14180] =	vst v63  }
0x140: {  	s7 =	simm.s32 $0x11180  }
0x141: {  	[tilespmem:s7], [sflag:$0x2] =	stream.indirect_vreg.gather [hbm4b:s2+s3], $0x80, v3, vm0, $0xb8;
	[tilespmem:$0x14180] =	vst v63  }
0x142: {  	s26 =	simm.s32 $0x11980  }
0x143: {  	[tilespmem:s26], [sflag:$0x2] =	stream.indirect_vreg.gather [hbm4b:s4+s3], $0x80, v3, vm0, $0xb8;
	[tilespmem:$0x14180] =	vst v63  }
0x144: {  	v3 =	vld [tilespmem:$0x130];
	_ =	sdelay $0x4  }
0x145: {  	v63 =	vshll.u32 v3, $0x2  }
0x146: {  	v3 =	vand.u32 $0x7, v3;
	v4 =	vand.u32 $0xFFFFFFE0, v63  }
0x147: {  	v3 =	vor.u32 v3, v4  }
0x148: {  	v4 =	vperm.xlane v3, v0;
	_ =	sdelay $0x1  }
0x149: {  	v4 =	vadd.s32 v1, v4;
	_ =	sdelay $0x1  }
0x14a: {  	v3 =	vperm.xlane v3, v2;
	_ =	sdelay $0x1  }
0x14b: {  	s7 =	simm.s32 $0x12180;
	v3 =	vadd.s32 v1, v3  }
0x14c: {  	[tilespmem:s7], [sflag:$0x2] =	stream.indirect_vreg.gather [hbm4b:s2+s3], $0x80, v4, vm0, $0xb8;
	[tilespmem:$0x14180] =	vst v63  }
0x14d: {  	s26 =	simm.s32 $0x12980  }
0x14e: {  	[tilespmem:s26], [sflag:$0x2] =	stream.indirect_vreg.gather [hbm4b:s4+s3], $0x80, v4, vm0, $0xb8;
	[tilespmem:$0x14180] =	vst v63  }
0x14f: {  	s7 =	simm.s32 $0x13180  }
0x150: {  	[tilespmem:s7], [sflag:$0x2] =	stream.indirect_vreg.gather [hbm4b:s2+s3], $0x80, v3, vm0, $0xb8;
	[tilespmem:$0x14180] =	vst v63  }
0x151: {  	s26 =	simm.s32 $0x13980  }
0x152: {  	[tilespmem:s26], [sflag:$0x2] =	stream.indirect_vreg.gather [hbm4b:s4+s3], $0x80, v3, vm0, $0xb8;
	[tilespmem:$0x14180] =	vst v63  }
0x153: {  	_ =	swait.ge [sflag:s6], $0xA000  }
0x154: {  	[sflag:s6] =	ssyncset.done $0x0  }
0x155: {  	s28 =	simm.s32 $0x180;
	s7 =	rddreg [dreg:$0x5];
	[sflag:s6] =	ssyncadd.s32 $0xFFFF6000  }
0x156: {  	[hbm4b:s7+s3] =	stream.linear.scatter [tilespmem:s28], [sflag:$0x3], $0xA000, $0x38;
	[tilespmem:$0x14180] =	vst v63  }
0x157: {  	_ =	swait.ge [sflag:s24], $0xA000  }
0x158: {  	[sflag:s24] =	ssyncset.done $0x0  }
0x159: {  	s28 =	rddreg [dreg:$0x6];
	[sflag:s24] =	ssyncadd.s32 $0xFFFF6000  }
0x15a: {  	[hbm4b:s28+s3] =	stream.linear.scatter [tilespmem:s22], [sflag:$0x4], $0xA000, $0x38;
	[tilespmem:$0x14180] =	vst v63  }
0x15b: {  	p0 =	sne.s32 s5, $0x1;
	_ =	swait.ge [sflag:s23], $0xA000  }
.Ltmp0:
0x15c: {  	[sflag:s23] =	ssyncset.done $0x0;
	(pc) =	sbr.rel @p0 .LBB2_1-.Ltmp0, $4  }
0x15d: {  	[sflag:s23] =	ssyncadd.s32 $0xFFFF6000  }
0x15e: {  	_ =	swait.ge [sflag:s25], $0xA000  }
0x15f: {  	[sflag:s25] =	ssyncset.done $0x0  }
0x160: {  	s5 =	sadd.s32 $0xFFFFFFFF, s5;
	[sflag:s25] =	ssyncadd.s32 $0xFFFF6000  }
0x161: {  	_ =	sfence.sel $0x180000  }
0x162: {  	[bflag:$0x0] =	sbarrier.arrive $0xFFFF  }
0x163: {  	_ =	strace $0x90000053  }
0x164: {  	s0 =	stileid.u32;
	[bflag:$0x2] =	sbarrier.arrive $0xFFFF  }
0x165: {  	p0 =	sne.s32 s0, $0x0;
	s0 =	rddreg [dreg:$0x1]  }
0x166: {  	s0 =	sadd.s32 @!p0 $0x100000, s0  }
0x167: {  	[sflag:s0] =	ssyncadd.tile.s32 @!p0 $0x1;
	_ =	shalt  }
.Lfunc_end2:
_tile_overlayer_lowered:
.L_overlay_start_2:
0x168: {  	(tag) =	ssettag $0x2  }
0x169: {  	s0 =	rddreg [dreg:$0x0];
	s2 =	stileid.u32  }
0x16a: {  	s1 =	rddreg [dreg:$0x1];
	p0 =	sne.s32 s2, $0x0  }
0x16b: {  	s3 =	rddreg [dreg:$0x2];
	[bflag:$0x3] =	sbarrier.arrive $0xFFFF;
	s2 =	simm.s32 @!p0 $0x1C05  }
0x16c: {  	[timem:s3], [sflag:s2] =	dma.local @!p0 [hbm:s0], s1  }
0x16d: {  	s0 =	simm.s32 @!p0 $0x5  }
0x16e: {  	_ =	swait.ge @!p0 [sflag:s0], s1  }
0x16f: {  	s1 =	ssub.s32 @!p0 $0x0, s1;
	[sflag:s0] =	ssyncset.done @!p0 $0x0  }
0x170: {  	[sflag:s0] =	ssyncadd.s32 @!p0 s1  }
0x171: {  	[bflag:$0x3] =	sbarrier.arrive $0xFFFF  }
0x172: {  	_ =	shalt  }

// kernel: kernel.7.cloned.1.call-start
scs
__scs_entry_jumppad:
0x0: {  	(pc) =	sbr.rel $0x88, $3  }
0x1: {  	(tag) =	ssettag $0x0;
	lr =	simm.s32 $0x1  }
0x2: {  	[smem:$0x3F97] =	sst lr;
	_ =	strace $0xD0000000  }
0x3: {  	_ = 	snop  }
0x4: {  	_ = 	snop  }
0x5: {  	_ = 	snop  }
0x6: {  	_ = 	snop  }
0x7: {  	_ = 	snop  }
__scs_overlays_trampoline_lowered:
0x8: {  	[smem:$0x3FA6] =	sst s0  }
0x9: {  	[smem:$0x3FA7] =	sst s1  }
0xa: {  	[smem:$0x3FA8] =	sst s2  }
0xb: {  	[smem:$0x3FA9] =	sst s3  }
0xc: {  	[smem:$0x3FAA] =	sst s4  }
0xd: {  	[smem:$0x3FAB] =	sst s5  }
0xe: {  	[smem:$0x3FAC] =	sst s6  }
0xf: {  	[smem:$0x3FAD] =	sst s7  }
0x10: {  	[smem:$0x3FAE] =	sst s8  }
0x11: {  	[smem:$0x3FAF] =	sst s9;
	s0 =	simm.s32 @!p0 $0x0  }
0x12: {  	s1 =	sld [smem:$0x3F95];
	s0 =	simm.s32 @p0 $0x1  }
0x13: {  	[smem:$0x3FB0] =	sst s0;
	s0 =	simm.s32 @!p1 $0x0  }
0x14: {  	s2 =	sld [smem:$0x3F94];
	s0 =	simm.s32 @p1 $0x1  }
0x15: {  	[smem:$0x3FB1] =	sst s0;
	s0 =	simm.s32 @!p2 $0x0  }
0x16: {  	s3 =	sld [smem:$0x3FDB];
	s0 =	simm.s32 @p2 $0x1  }
0x17: {  	s4 =	simm.s32 $0x1BF5;
	[smem:$0x3FB3] =	sst s0  }
0x18: {  	s0 =	sld [smem:$0x3F96];
	_ =	swait.ge [sflag:s4], $0x0  }
0x19: {  	s7 =	sld [smem:$0x3F97]  }
0x1a: {  	s8 =	sadd.s32 $0xFFFFE003, lr  }
0x1b: {  	s9 =	sadd.s32 $0xFFFFFEF7, lr;
	s5 =	simm.s32 $0xFFFFFFFF;
	p2 =	slt.u32 s8, $0xFFFFF086  }
0x1c: {  	p1 =	slt.u32 s9, $0xF7A;
	s5 =	simm.s32 @!p2 $0x0  }
0x1d: {  	s5 =	simm.s32 @p1 $0x1;
	p0 =	seq.s32 s7, s2  }
0x1e: {  	s7 =	smul.u32 @!p0 $0xF7A, s2;
	p2 =	seq.s32 @!p0 s5, $0x0  }
0x1f: {  	s9 =	smul.u32 $0xF7A, s1;
	s8 =	simm.s32 @!p0 $0x1BF5;
	p2 =	por !p2, p0  }
0x20: {  	[sflag:s8] =	ssyncset.s32 @!p0 $0xFFFFF086;
	s6 =	sadd.s32 @!p0 s3, s7;
	s7 =	simm.s32 @!p0 $0x108  }
0x21: {  	s3 =	sadd.s32 s3, s9;
	s6 =	sadd.s32 @!p0 $0x88, s6;
	s7 =	simm.s32 @p2 $0x1082  }
0x22: {  	[simem:s7], [sflag:s8] =	dma.local @!p0 [hbm:s6], $0xF7A  }
0x23: {  	s9 =	sor.u32 $0xD0000000, s2;
	s6 =	simm.s32 $0x108;
	_ =	swait.ge @!p0 [sflag:s8], $0x0  }
0x24: {  	s3 =	sadd.s32 $0x88, s3;
	s6 =	simm.s32 @!p1 $0x1082;
	[sflag:s4] =	ssyncset.s32 $0xFFFFF086  }
0x25: {  	[simem:s6], [sflag:s4] =	dma.local [hbm:s3], $0xF7A  }
0x26: {  	[smem:$0x3F97] =	sst s1;
	(tag) =	ssettag s2;
	_ =	strace s9  }
0x27: {  	s1 =	sld [smem:$0x3FA7]  }
0x28: {  	s2 =	sld [smem:$0x3FA8]  }
0x29: {  	s4 =	sld [smem:$0x3FAA]  }
0x2a: {  	p0 =	seq.s32 s5, $0x0;
	s5 =	sld [smem:$0x3FAB]  }
0x2b: {  	s6 =	sld [smem:$0x3FAC]  }
0x2c: {  	s7 =	sld [smem:$0x3FAD]  }
0x2d: {  	s3 =	simm.s32 $0x108;
	s8 =	sld [smem:$0x3FAE]  }
0x2e: {  	s3 =	simm.s32 @!p0 $0x1082;
	s9 =	sld [smem:$0x3FAF]  }
0x2f: {  	lr =	sadd.s32 s0, s3;
	s0 =	sld [smem:$0x3FA6]  }
0x30: {  	s3 =	sld [smem:$0x3FA9]  }
0x31: {  	[smem:$0x3FB2] =	sst s10  }
0x32: {  	s10 =	sld [smem:$0x3FB0];
	_ =	sdelay $0x3  }
0x33: {  	p0 =	seq.s32 s10, $0x1;
	s10 =	sld [smem:$0x3FB2];
	_ =	sdelay $0x3  }
0x34: {  	[smem:$0x3FB2] =	sst s10  }
0x35: {  	s10 =	sld [smem:$0x3FB1];
	_ =	sdelay $0x3  }
0x36: {  	p1 =	seq.s32 s10, $0x1;
	s10 =	sld [smem:$0x3FB2];
	_ =	sdelay $0x3  }
0x37: {  	[smem:$0x3FB2] =	sst s10  }
0x38: {  	s10 =	sld [smem:$0x3FB3]  }
0x39: {  	_ = 	snop;
	(pc) =	sbr.ind lr, $3  }
0x3a: {  	_ = 	snop  }
0x3b: {  	_ = 	snop  }
0x3c: {  	p2 =	seq.s32 s10, $0x1;
	s10 =	sld [smem:$0x3FB2]  }
0x3d: {  	_ =	shalt  }
0x3e: {  	_ =	shalt  }
0x3f: {  	_ =	shalt  }
0x40: {  	_ =	shalt  }
0x41: {  	_ =	shalt  }
0x42: {  	_ =	shalt  }
0x43: {  	_ =	shalt  }
0x44: {  	_ =	shalt  }
0x45: {  	_ =	shalt  }
0x46: {  	_ =	shalt  }
0x47: {  	_ =	shalt  }
0x48: {  	_ =	shalt  }
0x49: {  	_ =	shalt  }
0x4a: {  	_ =	shalt  }
0x4b: {  	_ =	shalt  }
0x4c: {  	_ =	shalt  }
0x4d: {  	_ =	shalt  }
0x4e: {  	_ =	shalt  }
0x4f: {  	_ =	shalt  }
0x50: {  	_ =	shalt  }
0x51: {  	_ =	shalt  }
0x52: {  	_ =	shalt  }
0x53: {  	_ =	shalt  }
0x54: {  	_ =	shalt  }
0x55: {  	_ =	shalt  }
0x56: {  	_ =	shalt  }
0x57: {  	_ =	shalt  }
0x58: {  	_ =	shalt  }
0x59: {  	_ =	shalt  }
0x5a: {  	_ =	shalt  }
0x5b: {  	_ =	shalt  }
0x5c: {  	_ =	shalt  }
0x5d: {  	_ =	shalt  }
0x5e: {  	_ =	shalt  }
0x5f: {  	_ =	shalt  }
0x60: {  	_ =	shalt  }
0x61: {  	_ =	shalt  }
0x62: {  	_ =	shalt  }
0x63: {  	_ =	shalt  }
0x64: {  	_ =	shalt  }
0x65: {  	_ =	shalt  }
0x66: {  	_ =	shalt  }
0x67: {  	_ =	shalt  }
0x68: {  	_ =	shalt  }
0x69: {  	_ =	shalt  }
0x6a: {  	_ =	shalt  }
0x6b: {  	_ =	shalt  }
0x6c: {  	_ =	shalt  }
0x6d: {  	_ =	shalt  }
0x6e: {  	_ =	shalt  }
0x6f: {  	_ =	shalt  }
0x70: {  	_ =	shalt  }
0x71: {  	_ =	shalt  }
0x72: {  	_ =	shalt  }
0x73: {  	_ =	shalt  }
0x74: {  	_ =	shalt  }
0x75: {  	_ =	shalt  }
0x76: {  	_ =	shalt  }
0x77: {  	_ =	shalt  }
0x78: {  	_ =	shalt  }
0x79: {  	_ =	shalt  }
0x7a: {  	_ =	shalt  }
0x7b: {  	_ =	shalt  }
0x7c: {  	_ =	shalt  }
0x7d: {  	_ =	shalt  }
0x7e: {  	_ =	shalt  }
0x7f: {  	_ =	shalt  }
0x80: {  	_ =	shalt  }
0x81: {  	_ =	shalt  }
0x82: {  	_ =	shalt  }
0x83: {  	_ =	shalt  }
0x84: {  	_ =	shalt  }
0x85: {  	_ =	shalt  }
0x86: {  	_ =	shalt  }
0x87: {  	_ =	shalt  }
.Lfunc_end0:
.L_simem_size_0:
called_computation.5_lowered:
.L_overlay_start_0:
0x88: {  	s2 =	sld [smem:$0x3FD9]  }
0x89: {  	s3 =	sld [smem:$0x3FFE];
	_ =	sdelay $0x1  }
0x8a: {  	s1 =	srdreg.scid  }
0x8b: {  	s0 =	sand.u32 $0x1, s1  }
0x8c: {  	s17 =	sshll.u32 s0, $0xA;
	s2 =	sadd.s32 s3, s2  }
0x8d: {  	s2 =	sadd.s32 s2, s17  }
0x8e: {  	[smem:$0x3FBE] =	sst s2  }
0x8f: {  	_ = 	snop  }
0x90: {  	(tm) =	ssettm $0x1  }
0x91: {  	s18 =	sld [smem:$0x3FFB];
	_ =	sdelay $0x3  }
0x92: {  	_ =	strace s18  }
0x93: {  	s2 =	sld [smem:$0x3FFC];
	_ =	sdelay $0x3  }
0x94: {  	_ =	strace s2  }
0x95: {  	s2 =	sld [smem:$0x3FFD];
	_ =	sdelay $0x3  }
0x96: {  	_ =	strace s2  }
0x97: {  	_ =	strace $0x8FFFFFFF  }
0x98: {  	s19 =	sld [smem:$0x3FDB];
	_ =	sdelay $0x1  }
0x99: {  	s20 =	simm.s32 $_scs_section_size  }
0x9a: {  	s4 =	simm.s32 $_size__tile_overlayer_lowered;
	s5 =	simm.s32 $_tile_overlayer_lowered  }
0x9b: {  	s6 =	simm.s32 $0x1BFF;
	s21 =	sshll.u32 s5, $0x1;
	s3 =	sadd.s32 s20, s19  }
0x9c: {  	s22 =	simm.s32 $0x0;
	s4 =	sshll.u32 s4, $0x1;
	s5 =	sadd.s32 s21, s3  }
0x9d: {  	[timem:s22], [sflag:s6] =	dma.local [hbm:s5], s4  }
0x9e: {  	_ =	swait.ge [sflag:s6], s4  }
0x9f: {  	s4 =	ssub.s32 $0x0, s4;
	[sflag:s6] =	ssyncset.done $0x0  }
0xa0: {  	[sflag:s6] =	ssyncadd.s32 s4;
	_ =	sdelay $0x1  }
0xa1: {  	s23 =	simm.s32 $0x1B8B  }
0xa2: {  	_ =	swait.ge [sflag:s23], $0x1  }
0xa3: {  	[sflag:s23] =	ssyncset.done $0x0  }
0xa4: {  	[sflag:s23] =	ssyncadd.s32 $0xFFFFFFFF  }
0xa5: {  	s4 =	sld [smem:$0x0]  }
0xa6: {  	s5 =	sand.u32 $0xFFFFFFFE, s1  }
0xa7: {  	p0 =	sne.s32 s1, s5  }
0xa8: {  	s5 =	sshll.u32 @p0 s5, $0xE  }
0xa9: {  	s5 =	sadd.s32 @p0 $0x11B8D, s5;
	s6 =	sshll.u32 @p0 s4, $0x11  }
0xaa: {  	s5 =	sor.u32 @p0 s6, s5  }
0xab: {  	[sflag:s5] =	ssyncadd.remote.s32 @p0 $0x1;
	_ =	sdelay $0x1  }
0xac: {  	s5 =	simm.s32 @p0 $0x1B8D  }
0xad: {  	_ =	swait.eq @p0 [sflag:s5], $0x1  }
0xae: {  	[sflag:s5] =	ssyncadd.s32 @p0 $0xFFFFFFFF  }
0xaf: {  	s6 =	sshll.u32 @!p0 s1, $0xE  }
0xb0: {  	s6 =	sor.u32 @!p0 $0x4000, s6;
	s5 =	simm.s32 @!p0 $0x1B8D  }
0xb1: {  	s4 =	sshll.u32 @!p0 s4, $0x11;
	s6 =	sadd.s32 @!p0 $0x11B8D, s6;
	_ =	swait.eq @!p0 [sflag:s5], $0x1  }
0xb2: {  	s4 =	sor.u32 @!p0 s4, s6;
	[sflag:s5] =	ssyncadd.s32 @!p0 $0xFFFFFFFF  }
0xb3: {  	s25 =	simm.s32 $0x1B8E;
	s24 =	sld [smem:$0x3FFE];
	[sflag:s4] =	ssyncadd.remote.s32 @!p0 $0x1  }
0xb4: {  	s26 =	simm.s32 $execute0_lowered;
	[smem:$0x3FD2] =	sst s25  }
0xb5: {  	s5 =	sshll.u32 s26, $0x1;
	_ =	strace $0x8000004F;
	[dreg:$0x1] =	wrdreg $0xFFFFFFFF  }
0xb6: {  	s28 =	simm.s32 $_size_execute0_lowered;
	s3 =	sadd.s32 s3, s5;
	[dreg:$0x0] =	wrdreg $0x0  }
0xb7: {  	s5 =	sshll.u32 s28, $0x1;
	[dreg:$0x2] =	wrdreg s3  }
0xb8: {  	[dreg:$0x3] =	wrdreg s5  }
0xb9: {  	[dreg:$0x4] =	wrdreg $0xC0  }
0xba: {  	_ =	task [dreg:s22], $0x5FFFF  }
0xbb: {  	[dreg:$0x1] =	wrdreg $0xFFFFFFFF  }
0xbc: {  	[dreg:$0x0] =	wrdreg $0x60  }
0xbd: {  	[dreg:$0x2] =	wrdreg s24  }
0xbe: {  	[dreg:$0x3] =	wrdreg $0xA  }
0xbf: {  	_ =	task.clear_ibuf [dreg:s22], $0x4FFFF;
	_ =	strace $0x9000004F  }
0xc0: {  	s29 =	simm.s32 $0xA;
	_ =	strace $0x80000051  }
0xc1: {  	_ =	swait.ge [sflag:s29], $0x1  }
0xc2: {  	[sflag:s29] =	ssyncadd.s32 $0xFFFFFFFF  }
0xc3: {  	_ =	strace $0x90000051  }
0xc4: {  	_ =	sfence  }
0xc5: {  	s30 =	sld [smem:$0x0];
	_ =	sdelay $0x2  }
0xc6: {  	s31 =	sshll.u32 s1, $0xD;
	s1 =	sshrl.u32 s1, $0x2  }
0xc7: {  	s4 =	sand.u32 $0x4000, s31;
	s1 =	sadd.s32 s1, s30  }
0xc8: {  	s0 =	sor.u32 s4, s0;
	s1 =	sshll.u32 s1, $0x11  }
0xc9: {  	s0 =	sor.u32 s1, s0  }
0xca: {  	s0 =	sadd.s32 $0x8F2B, s0  }
0xcb: {  	[sflag:s0] =	ssyncadd.remote.s32 $0x1  }
0xcc: {  	_ =	sfence.sel $0xFFFF  }
0xcd: {  	[dreg:$0x0] =	wrdreg $0xFFFFFFFF;
	(pc) =	sbr.abs _section_cstart, $3  }
0xce: {  	[dreg:$0x1] =	wrdreg $0xFFFFFFFF  }
0xcf: {  	_ =	task.clear_ibuf [dreg:s22], $0x2FFFF;
	_ =	strace $0x9FFFFFFF  }
0xd0: {  	(tm) =	ssettm $0x7FFFFFFF  }
0xd1: {  	_ =	shalt  }
tec
execute0_lowered:
.L_overlay_start_1:
0x0: {  	(tag) =	ssettag $0x1  }
0x1: {  	s0 =	srdreg.scid  }
0x2: {  	s1 =	stileid.u32;
	s2 =	rddreg [dreg:$0x0]  }
0x3: {  	s3 =	simm.s32 $0x0;
	s29 =	simm.s32 $0x980;
	s30 =	simm.s32 $0x1180  }
0x4: {  	s31 =	simm.s32 $0x1980;
	s8 =	simm.s32 $0x3180;
	s9 =	simm.s32 $0x3980  }
0x5: {  	s10 =	simm.s32 $0x4180;
	s11 =	simm.s32 $0x4980;
	s12 =	simm.s32 $0x5180  }
0x6: {  	s13 =	simm.s32 $0x5980;
	s14 =	simm.s32 $0x6180;
	s15 =	simm.s32 $0x6980  }
0x7: {  	s16 =	simm.s32 $0x7180;
	s17 =	simm.s32 $0x7980;
	s18 =	simm.s32 $0x8180  }
0x8: {  	s19 =	simm.s32 $0x8980;
	s0 =	sand.u32 $0x1, s0;
	s1 =	sshll.u32 s1, $0x1  }
0x9: {  	s20 =	simm.s32 $0x9180;
	s21 =	simm.s32 $0x9980;
	s1 =	sor.u32 s0, s1  }
0xa: {  	s22 =	simm.s32 $0xA180;
	[smem:$0x7FF] =	sst s3;
	s4 =	smul.u32 $0x28, s1  }
0xb: {  	s6 =	sadd.s32 $0xC4000, s2;
	s0 =	ssub.s32 $0x2, s0;
	s5 =	smul.u32 $0x28000, s1  }
0xc: {  	_ =	strace $0x80000050;
	s1 =	smul.u32 $0x5000, s1;
	s25 =	sshrl.u32 s0, $0x1  }
0xd: {  	s0 =	ssub.s32 s0, s25;
	s25 =	simm.s32 $0x4;
	s4 =	sadd.s32 s4, s2  }
0xe: {  	s5 =	sshrl.u32 s5, $0x3;
	s1 =	sadd.s32 s6, s1;
	s4 =	sadd.s32 $0xC0000, s4  }
0xf: {  	s23 =	sadd.s32 s6, s5;
	[dreg:$0x3] =	wrdreg s1;
	s5 =	smax.u32 s0, $0x1  }
0x10: {  	s6 =	simm.s32 $0x1;
	[dreg:$0x2] =	wrdreg s4;
	s24 =	sadd.s32 $0x1400, s23  }
0x11: {  	v2 =	vlaneseq.u32;
	s1 =	simm.s32 $0x2180;
	s26 =	sadd.s32 $0x2800, s23;
	[dreg:$0x4] =	wrdreg s24  }
0x12: {  	vm0 =	vmmov $0xffff;
	v1 =	vshrl.u32 v2, $0x3;
	s28 =	sadd.s32 $0x3C00, s23;
	s4 =	sadd.s32 $0x100, s2;
	[dreg:$0x5] =	wrdreg s26  }
0x13: {  	v0 =	vand.u32 $0x7, v2;
	v2 =	vor.u32 $0x8, v2;
	v1 =	vmul.u32 $0x8, v1;
	s23 =	simm.s32 $0x3;
	[dreg:$0x6] =	wrdreg s28;
	s24 =	simm.s32 $0x2  }
.LBB2_1:
0x14: {  	s26 =	rddreg [dreg:$0x2];
	s0 =	simm.s32 $0x5  }
0x15: {  	[tilespmem:s3], [sflag:$0x5] =	stream.linear.gather [hbm4b:s26+s3], $0x140, $0x38;
	[tilespmem:$0x14180] =	vst v63  }
0x16: {  	_ =	swait.ge [sflag:s0], $0x140  }
0x17: {  	[sflag:s0] =	ssyncset.done $0x0  }
0x18: {  	[sflag:s0] =	ssyncadd.s32 $0xFFFFFEC0  }
0x19: {  	v3 =	vld [tilespmem:$0x0];
	_ =	sdelay $0x4  }
0x1a: {  	v4 =	vshll.u32 v3, $0x2  }
0x1b: {  	v3 =	vand.u32 $0x7, v3;
	v4 =	vand.u32 $0xFFFFFFE0, v4  }
0x1c: {  	v3 =	vor.u32 v3, v4  }
0x1d: {  	v4 =	vperm.xlane v3, v0;
	_ =	sdelay $0x1  }
0x1e: {  	v4 =	vadd.s32 v1, v4;
	_ =	sdelay $0x1  }
0x1f: {  	v3 =	vperm.xlane v3, v2;
	_ =	sdelay $0x1  }
0x20: {  	s26 =	simm.s32 $0x180;
	v3 =	vadd.s32 v1, v3  }
0x21: {  	[tilespmem:s26], [sflag:$0x1] =	stream.indirect_vreg.gather [hbm4b:s2+s3], $0x80, v4, vm0, $0xb8;
	[tilespmem:$0x14180] =	vst v63  }
0x22: {  	_ = 	snop  }
0x23: {  	[tilespmem:s29], [sflag:$0x1] =	stream.indirect_vreg.gather [hbm4b:s4+s3], $0x80, v4, vm0, $0xb8;
	[tilespmem:$0x14180] =	vst v63  }
0x24: {  	_ = 	snop  }
0x25: {  	[tilespmem:s30], [sflag:$0x1] =	stream.indirect_vreg.gather [hbm4b:s2+s3], $0x80, v3, vm0, $0xb8;
	[tilespmem:$0x14180] =	vst v63  }
0x26: {  	_ = 	snop  }
0x27: {  	[tilespmem:s31], [sflag:$0x1] =	stream.indirect_vreg.gather [hbm4b:s4+s3], $0x80, v3, vm0, $0xb8;
	[tilespmem:$0x14180] =	vst v63  }
0x28: {  	v3 =	vld [tilespmem:$0x10];
	_ =	sdelay $0x4  }
0x29: {  	v45 =	vshll.u32 v3, $0x2  }
0x2a: {  	v3 =	vand.u32 $0x7, v3;
	v4 =	vand.u32 $0xFFFFFFE0, v45  }
0x2b: {  	v3 =	vor.u32 v3, v4  }
0x2c: {  	v4 =	vperm.xlane v3, v0;
	_ =	sdelay $0x1  }
0x2d: {  	v4 =	vadd.s32 v1, v4;
	_ =	sdelay $0x1  }
0x2e: {  	v3 =	vperm.xlane v3, v2;
	_ =	sdelay $0x1  }
0x2f: {  	v3 =	vadd.s32 v1, v3  }
0x30: {  	[tilespmem:s1], [sflag:$0x1] =	stream.indirect_vreg.gather [hbm4b:s2+s3], $0x80, v4, vm0, $0xb8;
	[tilespmem:$0x14180] =	vst v63  }
0x31: {  	s0 =	simm.s32 $0x2980  }
0x32: {  	[tilespmem:s0], [sflag:$0x1] =	stream.indirect_vreg.gather [hbm4b:s4+s3], $0x80, v4, vm0, $0xb8;
	[tilespmem:$0x14180] =	vst v63  }
0x33: {  	_ = 	snop  }
0x34: {  	[tilespmem:s8], [sflag:$0x1] =	stream.indirect_vreg.gather [hbm4b:s2+s3], $0x80, v3, vm0, $0xb8;
	[tilespmem:$0x14180] =	vst v63  }
0x35: {  	_ = 	snop  }
0x36: {  	[tilespmem:s9], [sflag:$0x1] =	stream.indirect_vreg.gather [hbm4b:s4+s3], $0x80, v3, vm0, $0xb8;
	[tilespmem:$0x14180] =	vst v63  }
0x37: {  	v3 =	vld [tilespmem:$0x20];
	_ =	sdelay $0x4  }
0x38: {  	v46 =	vshll.u32 v3, $0x2  }
0x39: {  	v3 =	vand.u32 $0x7, v3;
	v4 =	vand.u32 $0xFFFFFFE0, v46  }
0x3a: {  	v3 =	vor.u32 v3, v4  }
0x3b: {  	v4 =	vperm.xlane v3, v0;
	_ =	sdelay $0x1  }
0x3c: {  	v4 =	vadd.s32 v1, v4;
	_ =	sdelay $0x1  }
0x3d: {  	v3 =	vperm.xlane v3, v2;
	_ =	sdelay $0x1  }
0x3e: {  	v3 =	vadd.s32 v1, v3  }
0x3f: {  	[tilespmem:s10], [sflag:$0x1] =	stream.indirect_vreg.gather [hbm4b:s2+s3], $0x80, v4, vm0, $0xb8;
	[tilespmem:$0x14180] =	vst v63  }
0x40: {  	_ = 	snop  }
0x41: {  	[tilespmem:s11], [sflag:$0x1] =	stream.indirect_vreg.gather [hbm4b:s4+s3], $0x80, v4, vm0, $0xb8;
	[tilespmem:$0x14180] =	vst v63  }
0x42: {  	_ = 	snop  }
0x43: {  	[tilespmem:s12], [sflag:$0x1] =	stream.indirect_vreg.gather [hbm4b:s2+s3], $0x80, v3, vm0, $0xb8;
	[tilespmem:$0x14180] =	vst v63  }
0x44: {  	_ = 	snop  }
0x45: {  	[tilespmem:s13], [sflag:$0x1] =	stream.indirect_vreg.gather [hbm4b:s4+s3], $0x80, v3, vm0, $0xb8;
	[tilespmem:$0x14180] =	vst v63  }
0x46: {  	v3 =	vld [tilespmem:$0x30];
	_ =	sdelay $0x4  }
0x47: {  	v47 =	vshll.u32 v3, $0x2  }
0x48: {  	v3 =	vand.u32 $0x7, v3;
	v4 =	vand.u32 $0xFFFFFFE0, v47  }
0x49: {  	v3 =	vor.u32 v3, v4  }
0x4a: {  	v4 =	vperm.xlane v3, v0;
	_ =	sdelay $0x1  }
0x4b: {  	v4 =	vadd.s32 v1, v4;
	_ =	sdelay $0x1  }
0x4c: {  	v3 =	vperm.xlane v3, v2;
	_ =	sdelay $0x1  }
0x4d: {  	v3 =	vadd.s32 v1, v3  }
0x4e: {  	[tilespmem:s14], [sflag:$0x1] =	stream.indirect_vreg.gather [hbm4b:s2+s3], $0x80, v4, vm0, $0xb8;
	[tilespmem:$0x14180] =	vst v63  }
0x4f: {  	_ = 	snop  }
0x50: {  	[tilespmem:s15], [sflag:$0x1] =	stream.indirect_vreg.gather [hbm4b:s4+s3], $0x80, v4, vm0, $0xb8;
	[tilespmem:$0x14180] =	vst v63  }
0x51: {  	_ = 	snop  }
0x52: {  	[tilespmem:s16], [sflag:$0x1] =	stream.indirect_vreg.gather [hbm4b:s2+s3], $0x80, v3, vm0, $0xb8;
	[tilespmem:$0x14180] =	vst v63  }
0x53: {  	_ = 	snop  }
0x54: {  	[tilespmem:s17], [sflag:$0x1] =	stream.indirect_vreg.gather [hbm4b:s4+s3], $0x80, v3, vm0, $0xb8;
	[tilespmem:$0x14180] =	vst v63  }
0x55: {  	v3 =	vld [tilespmem:$0x40];
	_ =	sdelay $0x4  }
0x56: {  	v48 =	vshll.u32 v3, $0x2  }
0x57: {  	v3 =	vand.u32 $0x7, v3;
	v4 =	vand.u32 $0xFFFFFFE0, v48  }
0x58: {  	v3 =	vor.u32 v3, v4  }
0x59: {  	v4 =	vperm.xlane v3, v0;
	_ =	sdelay $0x1  }
0x5a: {  	v4 =	vadd.s32 v1, v4;
	_ =	sdelay $0x1  }
0x5b: {  	v3 =	vperm.xlane v3, v2;
	_ =	sdelay $0x1  }
0x5c: {  	v3 =	vadd.s32 v1, v3  }
0x5d: {  	[tilespmem:s18], [sflag:$0x1] =	stream.indirect_vreg.gather [hbm4b:s2+s3], $0x80, v4, vm0, $0xb8;
	[tilespmem:$0x14180] =	vst v63  }
0x5e: {  	_ = 	snop  }
0x5f: {  	[tilespmem:s19], [sflag:$0x1] =	stream.indirect_vreg.gather [hbm4b:s4+s3], $0x80, v4, vm0, $0xb8;
	[tilespmem:$0x14180] =	vst v63  }
0x60: {  	_ = 	snop  }
0x61: {  	[tilespmem:s20], [sflag:$0x1] =	stream.indirect_vreg.gather [hbm4b:s2+s3], $0x80, v3, vm0, $0xb8;
	[tilespmem:$0x14180] =	vst v63  }
0x62: {  	_ = 	snop  }
0x63: {  	[tilespmem:s21], [sflag:$0x1] =	stream.indirect_vreg.gather [hbm4b:s4+s3], $0x80, v3, vm0, $0xb8;
	[tilespmem:$0x14180] =	vst v63  }
0x64: {  	v3 =	vld [tilespmem:$0x50];
	_ =	sdelay $0x4  }
0x65: {  	v49 =	vshll.u32 v3, $0x2  }
0x66: {  	v3 =	vand.u32 $0x7, v3;
	v4 =	vand.u32 $0xFFFFFFE0, v49  }
0x67: {  	v3 =	vor.u32 v3, v4  }
0x68: {  	v4 =	vperm.xlane v3, v0;
	_ =	sdelay $0x1  }
0x69: {  	v4 =	vadd.s32 v1, v4;
	_ =	sdelay $0x1  }
0x6a: {  	v3 =	vperm.xlane v3, v2;
	_ =	sdelay $0x1  }
0x6b: {  	v3 =	vadd.s32 v1, v3  }
0x6c: {  	[tilespmem:s22], [sflag:$0x2] =	stream.indirect_vreg.gather [hbm4b:s2+s3], $0x80, v4, vm0, $0xb8;
	[tilespmem:$0x14180] =	vst v63  }
0x6d: {  	s7 =	simm.s32 $0xA980  }
0x6e: {  	[tilespmem:s7], [sflag:$0x2] =	stream.indirect_vreg.gather [hbm4b:s4+s3], $0x80, v4, vm0, $0xb8;
	[tilespmem:$0x14180] =	vst v63  }
0x6f: {  	s7 =	simm.s32 $0xB180  }
0x70: {  	[tilespmem:s7], [sflag:$0x2] =	stream.indirect_vreg.gather [hbm4b:s2+s3], $0x80, v3, vm0, $0xb8;
	[tilespmem:$0x14180] =	vst v63  }
0x71: {  	s28 =	simm.s32 $0xB980  }
0x72: {  	[tilespmem:s28], [sflag:$0x2] =	stream.indirect_vreg.gather [hbm4b:s4+s3], $0x80, v3, vm0, $0xb8;
	[tilespmem:$0x14180] =	vst v63  }
0x73: {  	v3 =	vld [tilespmem:$0x60];
	_ =	sdelay $0x4  }
0x74: {  	v50 =	vshll.u32 v3, $0x2  }
0x75: {  	v3 =	vand.u32 $0x7, v3;
	v4 =	vand.u32 $0xFFFFFFE0, v50  }
0x76: {  	v3 =	vor.u32 v3, v4  }
0x77: {  	v4 =	vperm.xlane v3, v0;
	_ =	sdelay $0x1  }
0x78: {  	v4 =	vadd.s32 v1, v4;
	_ =	sdelay $0x1  }
0x79: {  	v3 =	vperm.xlane v3, v2;
	_ =	sdelay $0x1  }
0x7a: {  	s28 =	simm.s32 $0xC180;
	v3 =	vadd.s32 v1, v3  }
0x7b: {  	[tilespmem:s28], [sflag:$0x2] =	stream.indirect_vreg.gather [hbm4b:s2+s3], $0x80, v4, vm0, $0xb8;
	[tilespmem:$0x14180] =	vst v63  }
0x7c: {  	s28 =	simm.s32 $0xC980  }
0x7d: {  	[tilespmem:s28], [sflag:$0x2] =	stream.indirect_vreg.gather [hbm4b:s4+s3], $0x80, v4, vm0, $0xb8;
	[tilespmem:$0x14180] =	vst v63  }
0x7e: {  	s28 =	simm.s32 $0xD180  }
0x7f: {  	[tilespmem:s28], [sflag:$0x2] =	stream.indirect_vreg.gather [hbm4b:s2+s3], $0x80, v3, vm0, $0xb8;
	[tilespmem:$0x14180] =	vst v63  }
0x80: {  	s28 =	simm.s32 $0xD980  }
0x81: {  	[tilespmem:s28], [sflag:$0x2] =	stream.indirect_vreg.gather [hbm4b:s4+s3], $0x80, v3, vm0, $0xb8;
	[tilespmem:$0x14180] =	vst v63  }
0x82: {  	v3 =	vld [tilespmem:$0x70];
	_ =	sdelay $0x4  }
0x83: {  	v51 =	vshll.u32 v3, $0x2  }
0x84: {  	v3 =	vand.u32 $0x7, v3;
	v4 =	vand.u32 $0xFFFFFFE0, v51  }
0x85: {  	v3 =	vor.u32 v3, v4  }
0x86: {  	v4 =	vperm.xlane v3, v0;
	_ =	sdelay $0x1  }
0x87: {  	v4 =	vadd.s32 v1, v4;
	_ =	sdelay $0x1  }
0x88: {  	v3 =	vperm.xlane v3, v2;
	_ =	sdelay $0x1  }
0x89: {  	s28 =	simm.s32 $0xE180;
	v3 =	vadd.s32 v1, v3  }
0x8a: {  	[tilespmem:s28], [sflag:$0x2] =	stream.indirect_vreg.gather [hbm4b:s2+s3], $0x80, v4, vm0, $0xb8;
	[tilespmem:$0x14180] =	vst v63  }
0x8b: {  	s28 =	simm.s32 $0xE980  }
0x8c: {  	[tilespmem:s28], [sflag:$0x2] =	stream.indirect_vreg.gather [hbm4b:s4+s3], $0x80, v4, vm0, $0xb8;
	[tilespmem:$0x14180] =	vst v63  }
0x8d: {  	s28 =	simm.s32 $0xF180  }
0x8e: {  	[tilespmem:s28], [sflag:$0x2] =	stream.indirect_vreg.gather [hbm4b:s2+s3], $0x80, v3, vm0, $0xb8;
	[tilespmem:$0x14180] =	vst v63  }
0x8f: {  	s28 =	simm.s32 $0xF980  }
0x90: {  	[tilespmem:s28], [sflag:$0x2] =	stream.indirect_vreg.gather [hbm4b:s4+s3], $0x80, v3, vm0, $0xb8;
	[tilespmem:$0x14180] =	vst v63  }
0x91: {  	v3 =	vld [tilespmem:$0x80];
	_ =	sdelay $0x4  }
0x92: {  	v52 =	vshll.u32 v3, $0x2  }
0x93: {  	v3 =	vand.u32 $0x7, v3;
	v4 =	vand.u32 $0xFFFFFFE0, v52  }
0x94: {  	v3 =	vor.u32 v3, v4  }
0x95: {  	v4 =	vperm.xlane v3, v0;
	_ =	sdelay $0x1  }
0x96: {  	v4 =	vadd.s32 v1, v4;
	_ =	sdelay $0x1  }
0x97: {  	v3 =	vperm.xlane v3, v2;
	_ =	sdelay $0x1  }
0x98: {  	s28 =	simm.s32 $0x10180;
	v3 =	vadd.s32 v1, v3  }
0x99: {  	[tilespmem:s28], [sflag:$0x2] =	stream.indirect_vreg.gather [hbm4b:s2+s3], $0x80, v4, vm0, $0xb8;
	[tilespmem:$0x14180] =	vst v63  }
0x9a: {  	s28 =	simm.s32 $0x10980  }
0x9b: {  	[tilespmem:s28], [sflag:$0x2] =	stream.indirect_vreg.gather [hbm4b:s4+s3], $0x80, v4, vm0, $0xb8;
	[tilespmem:$0x14180] =	vst v63  }
0x9c: {  	s28 =	simm.s32 $0x11180  }
0x9d: {  	[tilespmem:s28], [sflag:$0x2] =	stream.indirect_vreg.gather [hbm4b:s2+s3], $0x80, v3, vm0, $0xb8;
	[tilespmem:$0x14180] =	vst v63  }
0x9e: {  	s28 =	simm.s32 $0x11980  }
0x9f: {  	[tilespmem:s28], [sflag:$0x2] =	stream.indirect_vreg.gather [hbm4b:s4+s3], $0x80, v3, vm0, $0xb8;
	[tilespmem:$0x14180] =	vst v63  }
0xa0: {  	v3 =	vld [tilespmem:$0x90];
	_ =	sdelay $0x4  }
0xa1: {  	v53 =	vshll.u32 v3, $0x2  }
0xa2: {  	v3 =	vand.u32 $0x7, v3;
	v4 =	vand.u32 $0xFFFFFFE0, v53  }
0xa3: {  	v3 =	vor.u32 v3, v4  }
0xa4: {  	v4 =	vperm.xlane v3, v0;
	_ =	sdelay $0x1  }
0xa5: {  	v4 =	vadd.s32 v1, v4;
	_ =	sdelay $0x1  }
0xa6: {  	v3 =	vperm.xlane v3, v2;
	_ =	sdelay $0x1  }
0xa7: {  	s28 =	simm.s32 $0x12180;
	v3 =	vadd.s32 v1, v3  }
0xa8: {  	[tilespmem:s28], [sflag:$0x2] =	stream.indirect_vreg.gather [hbm4b:s2+s3], $0x80, v4, vm0, $0xb8;
	[tilespmem:$0x14180] =	vst v63  }
0xa9: {  	s28 =	simm.s32 $0x12980  }
0xaa: {  	[tilespmem:s28], [sflag:$0x2] =	stream.indirect_vreg.gather [hbm4b:s4+s3], $0x80, v4, vm0, $0xb8;
	[tilespmem:$0x14180] =	vst v63  }
0xab: {  	s28 =	simm.s32 $0x13180  }
0xac: {  	[tilespmem:s28], [sflag:$0x2] =	stream.indirect_vreg.gather [hbm4b:s2+s3], $0x80, v3, vm0, $0xb8;
	[tilespmem:$0x14180] =	vst v63  }
0xad: {  	s28 =	simm.s32 $0x13980  }
0xae: {  	[tilespmem:s28], [sflag:$0x2] =	stream.indirect_vreg.gather [hbm4b:s4+s3], $0x80, v3, vm0, $0xb8;
	[tilespmem:$0x14180] =	vst v63  }
0xaf: {  	_ =	swait.ge [sflag:s6], $0xA000  }
0xb0: {  	[sflag:s6] =	ssyncset.done $0x0  }
0xb1: {  	s28 =	simm.s32 $0x180;
	s26 =	rddreg [dreg:$0x3];
	[sflag:s6] =	ssyncadd.s32 $0xFFFF6000  }
0xb2: {  	[hbm4b:s26+s3] =	stream.linear.scatter [tilespmem:s28], [sflag:$0x3], $0xA000, $0x38;
	[tilespmem:$0x14180] =	vst v63  }
0xb3: {  	_ =	swait.ge [sflag:s23], $0xA000  }
0xb4: {  	[sflag:s23] =	ssyncset.done $0x0  }
0xb5: {  	[sflag:s23] =	ssyncadd.s32 $0xFFFF6000  }
0xb6: {  	v3 =	vld [tilespmem:$0xA0];
	_ =	sdelay $0x4  }
0xb7: {  	v54 =	vshll.u32 v3, $0x2  }
0xb8: {  	v3 =	vand.u32 $0x7, v3;
	v4 =	vand.u32 $0xFFFFFFE0, v54  }
0xb9: {  	v3 =	vor.u32 v3, v4  }
0xba: {  	v4 =	vperm.xlane v3, v0;
	_ =	sdelay $0x1  }
0xbb: {  	v4 =	vadd.s32 v1, v4;
	_ =	sdelay $0x1  }
0xbc: {  	v3 =	vperm.xlane v3, v2;
	_ =	sdelay $0x1  }
0xbd: {  	v3 =	vadd.s32 v1, v3  }
0xbe: {  	[tilespmem:s28], [sflag:$0x1] =	stream.indirect_vreg.gather [hbm4b:s2+s3], $0x80, v4, vm0, $0xb8;
	[tilespmem:$0x14180] =	vst v63  }
0xbf: {  	_ = 	snop  }
0xc0: {  	[tilespmem:s29], [sflag:$0x1] =	stream.indirect_vreg.gather [hbm4b:s4+s3], $0x80, v4, vm0, $0xb8;
	[tilespmem:$0x14180] =	vst v63  }
0xc1: {  	_ = 	snop  }
0xc2: {  	[tilespmem:s30], [sflag:$0x1] =	stream.indirect_vreg.gather [hbm4b:s2+s3], $0x80, v3, vm0, $0xb8;
	[tilespmem:$0x14180] =	vst v63  }
0xc3: {  	_ = 	snop  }
0xc4: {  	[tilespmem:s31], [sflag:$0x1] =	stream.indirect_vreg.gather [hbm4b:s4+s3], $0x80, v3, vm0, $0xb8;
	[tilespmem:$0x14180] =	vst v63  }
0xc5: {  	v3 =	vld [tilespmem:$0xB0];
	_ =	sdelay $0x4  }
0xc6: {  	v55 =	vshll.u32 v3, $0x2  }
0xc7: {  	v3 =	vand.u32 $0x7, v3;
	v4 =	vand.u32 $0xFFFFFFE0, v55  }
0xc8: {  	v3 =	vor.u32 v3, v4  }
0xc9: {  	v4 =	vperm.xlane v3, v0;
	_ =	sdelay $0x1  }
0xca: {  	v4 =	vadd.s32 v1, v4;
	_ =	sdelay $0x1  }
0xcb: {  	v3 =	vperm.xlane v3, v2;
	_ =	sdelay $0x1  }
0xcc: {  	v3 =	vadd.s32 v1, v3  }
0xcd: {  	[tilespmem:s1], [sflag:$0x1] =	stream.indirect_vreg.gather [hbm4b:s2+s3], $0x80, v4, vm0, $0xb8;
	[tilespmem:$0x14180] =	vst v63  }
0xce: {  	_ = 	snop  }
0xcf: {  	[tilespmem:s0], [sflag:$0x1] =	stream.indirect_vreg.gather [hbm4b:s4+s3], $0x80, v4, vm0, $0xb8;
	[tilespmem:$0x14180] =	vst v63  }
0xd0: {  	_ = 	snop  }
0xd1: {  	[tilespmem:s8], [sflag:$0x1] =	stream.indirect_vreg.gather [hbm4b:s2+s3], $0x80, v3, vm0, $0xb8;
	[tilespmem:$0x14180] =	vst v63  }
0xd2: {  	_ = 	snop  }
0xd3: {  	[tilespmem:s9], [sflag:$0x1] =	stream.indirect_vreg.gather [hbm4b:s4+s3], $0x80, v3, vm0, $0xb8;
	[tilespmem:$0x14180] =	vst v63  }
0xd4: {  	v3 =	vld [tilespmem:$0xC0];
	_ =	sdelay $0x4  }
0xd5: {  	v56 =	vshll.u32 v3, $0x2  }
0xd6: {  	v3 =	vand.u32 $0x7, v3;
	v4 =	vand.u32 $0xFFFFFFE0, v56  }
0xd7: {  	v3 =	vor.u32 v3, v4  }
0xd8: {  	v4 =	vperm.xlane v3, v0;
	_ =	sdelay $0x1  }
0xd9: {  	v4 =	vadd.s32 v1, v4;
	_ =	sdelay $0x1  }
0xda: {  	v3 =	vperm.xlane v3, v2;
	_ =	sdelay $0x1  }
0xdb: {  	v3 =	vadd.s32 v1, v3  }
0xdc: {  	[tilespmem:s10], [sflag:$0x1] =	stream.indirect_vreg.gather [hbm4b:s2+s3], $0x80, v4, vm0, $0xb8;
	[tilespmem:$0x14180] =	vst v63  }
0xdd: {  	_ = 	snop  }
0xde: {  	[tilespmem:s11], [sflag:$0x1] =	stream.indirect_vreg.gather [hbm4b:s4+s3], $0x80, v4, vm0, $0xb8;
	[tilespmem:$0x14180] =	vst v63  }
0xdf: {  	_ = 	snop  }
0xe0: {  	[tilespmem:s12], [sflag:$0x1] =	stream.indirect_vreg.gather [hbm4b:s2+s3], $0x80, v3, vm0, $0xb8;
	[tilespmem:$0x14180] =	vst v63  }
0xe1: {  	_ = 	snop  }
0xe2: {  	[tilespmem:s13], [sflag:$0x1] =	stream.indirect_vreg.gather [hbm4b:s4+s3], $0x80, v3, vm0, $0xb8;
	[tilespmem:$0x14180] =	vst v63  }
0xe3: {  	v3 =	vld [tilespmem:$0xD0];
	_ =	sdelay $0x4  }
0xe4: {  	v57 =	vshll.u32 v3, $0x2  }
0xe5: {  	v3 =	vand.u32 $0x7, v3;
	v4 =	vand.u32 $0xFFFFFFE0, v57  }
0xe6: {  	v3 =	vor.u32 v3, v4  }
0xe7: {  	v4 =	vperm.xlane v3, v0;
	_ =	sdelay $0x1  }
0xe8: {  	v4 =	vadd.s32 v1, v4;
	_ =	sdelay $0x1  }
0xe9: {  	v3 =	vperm.xlane v3, v2;
	_ =	sdelay $0x1  }
0xea: {  	v3 =	vadd.s32 v1, v3  }
0xeb: {  	[tilespmem:s14], [sflag:$0x1] =	stream.indirect_vreg.gather [hbm4b:s2+s3], $0x80, v4, vm0, $0xb8;
	[tilespmem:$0x14180] =	vst v63  }
0xec: {  	_ = 	snop  }
0xed: {  	[tilespmem:s15], [sflag:$0x1] =	stream.indirect_vreg.gather [hbm4b:s4+s3], $0x80, v4, vm0, $0xb8;
	[tilespmem:$0x14180] =	vst v63  }
0xee: {  	_ = 	snop  }
0xef: {  	[tilespmem:s16], [sflag:$0x1] =	stream.indirect_vreg.gather [hbm4b:s2+s3], $0x80, v3, vm0, $0xb8;
	[tilespmem:$0x14180] =	vst v63  }
0xf0: {  	_ = 	snop  }
0xf1: {  	[tilespmem:s17], [sflag:$0x1] =	stream.indirect_vreg.gather [hbm4b:s4+s3], $0x80, v3, vm0, $0xb8;
	[tilespmem:$0x14180] =	vst v63  }
0xf2: {  	v3 =	vld [tilespmem:$0xE0];
	_ =	sdelay $0x4  }
0xf3: {  	v58 =	vshll.u32 v3, $0x2  }
0xf4: {  	v3 =	vand.u32 $0x7, v3;
	v4 =	vand.u32 $0xFFFFFFE0, v58  }
0xf5: {  	v3 =	vor.u32 v3, v4  }
0xf6: {  	v4 =	vperm.xlane v3, v0;
	_ =	sdelay $0x1  }
0xf7: {  	v4 =	vadd.s32 v1, v4;
	_ =	sdelay $0x1  }
0xf8: {  	v3 =	vperm.xlane v3, v2;
	_ =	sdelay $0x1  }
0xf9: {  	v3 =	vadd.s32 v1, v3  }
0xfa: {  	[tilespmem:s18], [sflag:$0x1] =	stream.indirect_vreg.gather [hbm4b:s2+s3], $0x80, v4, vm0, $0xb8;
	[tilespmem:$0x14180] =	vst v63  }
0xfb: {  	_ = 	snop  }
0xfc: {  	[tilespmem:s19], [sflag:$0x1] =	stream.indirect_vreg.gather [hbm4b:s4+s3], $0x80, v4, vm0, $0xb8;
	[tilespmem:$0x14180] =	vst v63  }
0xfd: {  	_ = 	snop  }
0xfe: {  	[tilespmem:s20], [sflag:$0x1] =	stream.indirect_vreg.gather [hbm4b:s2+s3], $0x80, v3, vm0, $0xb8;
	[tilespmem:$0x14180] =	vst v63  }
0xff: {  	_ = 	snop  }
0x100: {  	[tilespmem:s21], [sflag:$0x1] =	stream.indirect_vreg.gather [hbm4b:s4+s3], $0x80, v3, vm0, $0xb8;
	[tilespmem:$0x14180] =	vst v63  }
0x101: {  	_ =	swait.ge [sflag:s24], $0xA000  }
0x102: {  	[sflag:s24] =	ssyncset.done $0x0  }
0x103: {  	s0 =	rddreg [dreg:$0x4];
	[sflag:s24] =	ssyncadd.s32 $0xFFFF6000  }
0x104: {  	[hbm4b:s0+s3] =	stream.linear.scatter [tilespmem:s22], [sflag:$0x4], $0xA000, $0x38;
	[tilespmem:$0x14180] =	vst v63  }
0x105: {  	_ =	swait.ge [sflag:s25], $0xA000  }
0x106: {  	[sflag:s25] =	ssyncset.done $0x0  }
0x107: {  	[sflag:s25] =	ssyncadd.s32 $0xFFFF6000  }
0x108: {  	v3 =	vld [tilespmem:$0xF0];
	_ =	sdelay $0x4  }
0x109: {  	v59 =	vshll.u32 v3, $0x2  }
0x10a: {  	v3 =	vand.u32 $0x7, v3;
	v4 =	vand.u32 $0xFFFFFFE0, v59  }
0x10b: {  	v3 =	vor.u32 v3, v4  }
0x10c: {  	v4 =	vperm.xlane v3, v0;
	_ =	sdelay $0x1  }
0x10d: {  	v4 =	vadd.s32 v1, v4;
	_ =	sdelay $0x1  }
0x10e: {  	v3 =	vperm.xlane v3, v2;
	_ =	sdelay $0x1  }
0x10f: {  	v3 =	vadd.s32 v1, v3  }
0x110: {  	[tilespmem:s22], [sflag:$0x2] =	stream.indirect_vreg.gather [hbm4b:s2+s3], $0x80, v4, vm0, $0xb8;
	[tilespmem:$0x14180] =	vst v63  }
0x111: {  	s26 =	simm.s32 $0xA980  }
0x112: {  	[tilespmem:s26], [sflag:$0x2] =	stream.indirect_vreg.gather [hbm4b:s4+s3], $0x80, v4, vm0, $0xb8;
	[tilespmem:$0x14180] =	vst v63  }
0x113: {  	_ = 	snop  }
0x114: {  	[tilespmem:s7], [sflag:$0x2] =	stream.indirect_vreg.gather [hbm4b:s2+s3], $0x80, v3, vm0, $0xb8;
	[tilespmem:$0x14180] =	vst v63  }
0x115: {  	s26 =	simm.s32 $0xB980  }
0x116: {  	[tilespmem:s26], [sflag:$0x2] =	stream.indirect_vreg.gather [hbm4b:s4+s3], $0x80, v3, vm0, $0xb8;
	[tilespmem:$0x14180] =	vst v63  }
0x117: {  	v3 =	vld [tilespmem:$0x100];
	_ =	sdelay $0x4  }
0x118: {  	v60 =	vshll.u32 v3, $0x2  }
0x119: {  	v3 =	vand.u32 $0x7, v3;
	v4 =	vand.u32 $0xFFFFFFE0, v60  }
0x11a: {  	v3 =	vor.u32 v3, v4  }
0x11b: {  	v4 =	vperm.xlane v3, v0;
	_ =	sdelay $0x1  }
0x11c: {  	v4 =	vadd.s32 v1, v4;
	_ =	sdelay $0x1  }
0x11d: {  	v3 =	vperm.xlane v3, v2;
	_ =	sdelay $0x1  }
0x11e: {  	s7 =	simm.s32 $0xC180;
	v3 =	vadd.s32 v1, v3  }
0x11f: {  	[tilespmem:s7], [sflag:$0x2] =	stream.indirect_vreg.gather [hbm4b:s2+s3], $0x80, v4, vm0, $0xb8;
	[tilespmem:$0x14180] =	vst v63  }
0x120: {  	s26 =	simm.s32 $0xC980  }
0x121: {  	[tilespmem:s26], [sflag:$0x2] =	stream.indirect_vreg.gather [hbm4b:s4+s3], $0x80, v4, vm0, $0xb8;
	[tilespmem:$0x14180] =	vst v63  }
0x122: {  	s7 =	simm.s32 $0xD180  }
0x123: {  	[tilespmem:s7], [sflag:$0x2] =	stream.indirect_vreg.gather [hbm4b:s2+s3], $0x80, v3, vm0, $0xb8;
	[tilespmem:$0x14180] =	vst v63  }
0x124: {  	s26 =	simm.s32 $0xD980  }
0x125: {  	[tilespmem:s26], [sflag:$0x2] =	stream.indirect_vreg.gather [hbm4b:s4+s3], $0x80, v3, vm0, $0xb8;
	[tilespmem:$0x14180] =	vst v63  }
0x126: {  	v3 =	vld [tilespmem:$0x110];
	_ =	sdelay $0x4  }
0x127: {  	v61 =	vshll.u32 v3, $0x2  }
0x128: {  	v3 =	vand.u32 $0x7, v3;
	v4 =	vand.u32 $0xFFFFFFE0, v61  }
0x129: {  	v3 =	vor.u32 v3, v4  }
0x12a: {  	v4 =	vperm.xlane v3, v0;
	_ =	sdelay $0x1  }
0x12b: {  	v4 =	vadd.s32 v1, v4;
	_ =	sdelay $0x1  }
0x12c: {  	v3 =	vperm.xlane v3, v2;
	_ =	sdelay $0x1  }
0x12d: {  	s7 =	simm.s32 $0xE180;
	v3 =	vadd.s32 v1, v3  }
0x12e: {  	[tilespmem:s7], [sflag:$0x2] =	stream.indirect_vreg.gather [hbm4b:s2+s3], $0x80, v4, vm0, $0xb8;
	[tilespmem:$0x14180] =	vst v63  }
0x12f: {  	s26 =	simm.s32 $0xE980  }
0x130: {  	[tilespmem:s26], [sflag:$0x2] =	stream.indirect_vreg.gather [hbm4b:s4+s3], $0x80, v4, vm0, $0xb8;
	[tilespmem:$0x14180] =	vst v63  }
0x131: {  	s7 =	simm.s32 $0xF180  }
0x132: {  	[tilespmem:s7], [sflag:$0x2] =	stream.indirect_vreg.gather [hbm4b:s2+s3], $0x80, v3, vm0, $0xb8;
	[tilespmem:$0x14180] =	vst v63  }
0x133: {  	s26 =	simm.s32 $0xF980  }
0x134: {  	[tilespmem:s26], [sflag:$0x2] =	stream.indirect_vreg.gather [hbm4b:s4+s3], $0x80, v3, vm0, $0xb8;
	[tilespmem:$0x14180] =	vst v63  }
0x135: {  	v3 =	vld [tilespmem:$0x120];
	_ =	sdelay $0x4  }
0x136: {  	v62 =	vshll.u32 v3, $0x2  }
0x137: {  	v3 =	vand.u32 $0x7, v3;
	v4 =	vand.u32 $0xFFFFFFE0, v62  }
0x138: {  	v3 =	vor.u32 v3, v4  }
0x139: {  	v4 =	vperm.xlane v3, v0;
	_ =	sdelay $0x1  }
0x13a: {  	v4 =	vadd.s32 v1, v4;
	_ =	sdelay $0x1  }
0x13b: {  	v3 =	vperm.xlane v3, v2;
	_ =	sdelay $0x1  }
0x13c: {  	s7 =	simm.s32 $0x10180;
	v3 =	vadd.s32 v1, v3  }
0x13d: {  	[tilespmem:s7], [sflag:$0x2] =	stream.indirect_vreg.gather [hbm4b:s2+s3], $0x80, v4, vm0, $0xb8;
	[tilespmem:$0x14180] =	vst v63  }
0x13e: {  	s26 =	simm.s32 $0x10980  }
0x13f: {  	[tilespmem:s26], [sflag:$0x2] =	stream.indirect_vreg.gather [hbm4b:s4+s3], $0x80, v4, vm0, $0xb8;
	[tilespmem:$0x14180] =	vst v63  }
0x140: {  	s7 =	simm.s32 $0x11180  }
0x141: {  	[tilespmem:s7], [sflag:$0x2] =	stream.indirect_vreg.gather [hbm4b:s2+s3], $0x80, v3, vm0, $0xb8;
	[tilespmem:$0x14180] =	vst v63  }
0x142: {  	s26 =	simm.s32 $0x11980  }
0x143: {  	[tilespmem:s26], [sflag:$0x2] =	stream.indirect_vreg.gather [hbm4b:s4+s3], $0x80, v3, vm0, $0xb8;
	[tilespmem:$0x14180] =	vst v63  }
0x144: {  	v3 =	vld [tilespmem:$0x130];
	_ =	sdelay $0x4  }
0x145: {  	v63 =	vshll.u32 v3, $0x2  }
0x146: {  	v3 =	vand.u32 $0x7, v3;
	v4 =	vand.u32 $0xFFFFFFE0, v63  }
0x147: {  	v3 =	vor.u32 v3, v4  }
0x148: {  	v4 =	vperm.xlane v3, v0;
	_ =	sdelay $0x1  }
0x149: {  	v4 =	vadd.s32 v1, v4;
	_ =	sdelay $0x1  }
0x14a: {  	v3 =	vperm.xlane v3, v2;
	_ =	sdelay $0x1  }
0x14b: {  	s7 =	simm.s32 $0x12180;
	v3 =	vadd.s32 v1, v3  }
0x14c: {  	[tilespmem:s7], [sflag:$0x2] =	stream.indirect_vreg.gather [hbm4b:s2+s3], $0x80, v4, vm0, $0xb8;
	[tilespmem:$0x14180] =	vst v63  }
0x14d: {  	s26 =	simm.s32 $0x12980  }
0x14e: {  	[tilespmem:s26], [sflag:$0x2] =	stream.indirect_vreg.gather [hbm4b:s4+s3], $0x80, v4, vm0, $0xb8;
	[tilespmem:$0x14180] =	vst v63  }
0x14f: {  	s7 =	simm.s32 $0x13180  }
0x150: {  	[tilespmem:s7], [sflag:$0x2] =	stream.indirect_vreg.gather [hbm4b:s2+s3], $0x80, v3, vm0, $0xb8;
	[tilespmem:$0x14180] =	vst v63  }
0x151: {  	s26 =	simm.s32 $0x13980  }
0x152: {  	[tilespmem:s26], [sflag:$0x2] =	stream.indirect_vreg.gather [hbm4b:s4+s3], $0x80, v3, vm0, $0xb8;
	[tilespmem:$0x14180] =	vst v63  }
0x153: {  	_ =	swait.ge [sflag:s6], $0xA000  }
0x154: {  	[sflag:s6] =	ssyncset.done $0x0  }
0x155: {  	s28 =	simm.s32 $0x180;
	s7 =	rddreg [dreg:$0x5];
	[sflag:s6] =	ssyncadd.s32 $0xFFFF6000  }
0x156: {  	[hbm4b:s7+s3] =	stream.linear.scatter [tilespmem:s28], [sflag:$0x3], $0xA000, $0x38;
	[tilespmem:$0x14180] =	vst v63  }
0x157: {  	_ =	swait.ge [sflag:s24], $0xA000  }
0x158: {  	[sflag:s24] =	ssyncset.done $0x0  }
0x159: {  	s28 =	rddreg [dreg:$0x6];
	[sflag:s24] =	ssyncadd.s32 $0xFFFF6000  }
0x15a: {  	[hbm4b:s28+s3] =	stream.linear.scatter [tilespmem:s22], [sflag:$0x4], $0xA000, $0x38;
	[tilespmem:$0x14180] =	vst v63  }
0x15b: {  	p0 =	sne.s32 s5, $0x1;
	_ =	swait.ge [sflag:s23], $0xA000  }
.Ltmp0:
0x15c: {  	[sflag:s23] =	ssyncset.done $0x0;
	(pc) =	sbr.rel @p0 .LBB2_1-.Ltmp0, $4  }
0x15d: {  	[sflag:s23] =	ssyncadd.s32 $0xFFFF6000  }
0x15e: {  	_ =	swait.ge [sflag:s25], $0xA000  }
0x15f: {  	[sflag:s25] =	ssyncset.done $0x0  }
0x160: {  	s5 =	sadd.s32 $0xFFFFFFFF, s5;
	[sflag:s25] =	ssyncadd.s32 $0xFFFF6000  }
0x161: {  	_ =	sfence.sel $0x180000  }
0x162: {  	[bflag:$0x0] =	sbarrier.arrive $0xFFFF  }
0x163: {  	_ =	strace $0x90000050  }
0x164: {  	s0 =	stileid.u32;
	[bflag:$0x2] =	sbarrier.arrive $0xFFFF  }
0x165: {  	p0 =	sne.s32 s0, $0x0;
	s0 =	rddreg [dreg:$0x1]  }
0x166: {  	s0 =	sadd.s32 @!p0 $0x100000, s0  }
0x167: {  	[sflag:s0] =	ssyncadd.tile.s32 @!p0 $0x1;
	_ =	shalt  }
.Lfunc_end2:
_tile_overlayer_lowered:
.L_overlay_start_2:
0x168: {  	(tag) =	ssettag $0x2  }
0x169: {  	s0 =	rddreg [dreg:$0x0];
	s2 =	stileid.u32  }
0x16a: {  	s1 =	rddreg [dreg:$0x1];
	p0 =	sne.s32 s2, $0x0  }
0x16b: {  	s3 =	rddreg [dreg:$0x2];
	[bflag:$0x3] =	sbarrier.arrive $0xFFFF;
	s2 =	simm.s32 @!p0 $0x1C05  }
0x16c: {  	[timem:s3], [sflag:s2] =	dma.local @!p0 [hbm:s0], s1  }
0x16d: {  	s0 =	simm.s32 @!p0 $0x5  }
0x16e: {  	_ =	swait.ge @!p0 [sflag:s0], s1  }
0x16f: {  	s1 =	ssub.s32 @!p0 $0x0, s1;
	[sflag:s0] =	ssyncset.done @!p0 $0x0  }
0x170: {  	[sflag:s0] =	ssyncadd.s32 @!p0 s1  }
0x171: {  	[bflag:$0x3] =	sbarrier.arrive $0xFFFF  }
0x172: {  	_ =	shalt  }

// kernel: scatter_offload_async_start
scs
__scs_entry_jumppad:
0x0: {  	(pc) =	sbr.rel $0x88, $3  }
0x1: {  	(tag) =	ssettag $0x0;
	lr =	simm.s32 $0x1  }
0x2: {  	[smem:$0x3F97] =	sst lr;
	_ =	strace $0xD0000000  }
0x3: {  	_ = 	snop  }
0x4: {  	_ = 	snop  }
0x5: {  	_ = 	snop  }
0x6: {  	_ = 	snop  }
0x7: {  	_ = 	snop  }
__scs_overlays_trampoline_lowered:
0x8: {  	[smem:$0x3FA6] =	sst s0  }
0x9: {  	[smem:$0x3FA7] =	sst s1  }
0xa: {  	[smem:$0x3FA8] =	sst s2  }
0xb: {  	[smem:$0x3FA9] =	sst s3  }
0xc: {  	[smem:$0x3FAA] =	sst s4  }
0xd: {  	[smem:$0x3FAB] =	sst s5  }
0xe: {  	[smem:$0x3FAC] =	sst s6  }
0xf: {  	[smem:$0x3FAD] =	sst s7  }
0x10: {  	[smem:$0x3FAE] =	sst s8  }
0x11: {  	[smem:$0x3FAF] =	sst s9;
	s0 =	simm.s32 @!p0 $0x0  }
0x12: {  	s1 =	sld [smem:$0x3F95];
	s0 =	simm.s32 @p0 $0x1  }
0x13: {  	[smem:$0x3FB0] =	sst s0;
	s0 =	simm.s32 @!p1 $0x0  }
0x14: {  	s2 =	sld [smem:$0x3F94];
	s0 =	simm.s32 @p1 $0x1  }
0x15: {  	[smem:$0x3FB1] =	sst s0;
	s0 =	simm.s32 @!p2 $0x0  }
0x16: {  	s3 =	sld [smem:$0x3FDB];
	s0 =	simm.s32 @p2 $0x1  }
0x17: {  	s4 =	simm.s32 $0x1BF5;
	[smem:$0x3FB3] =	sst s0  }
0x18: {  	s0 =	sld [smem:$0x3F96];
	_ =	swait.ge [sflag:s4], $0x0  }
0x19: {  	s7 =	sld [smem:$0x3F97]  }
0x1a: {  	s8 =	sadd.s32 $0xFFFFE003, lr  }
0x1b: {  	s9 =	sadd.s32 $0xFFFFFEF7, lr;
	s5 =	simm.s32 $0xFFFFFFFF;
	p2 =	slt.u32 s8, $0xFFFFF086  }
0x1c: {  	p1 =	slt.u32 s9, $0xF7A;
	s5 =	simm.s32 @!p2 $0x0  }
0x1d: {  	s5 =	simm.s32 @p1 $0x1;
	p0 =	seq.s32 s7, s2  }
0x1e: {  	s7 =	smul.u32 @!p0 $0xF7A, s2;
	p2 =	seq.s32 @!p0 s5, $0x0  }
0x1f: {  	s9 =	smul.u32 $0xF7A, s1;
	s8 =	simm.s32 @!p0 $0x1BF5;
	p2 =	por !p2, p0  }
0x20: {  	[sflag:s8] =	ssyncset.s32 @!p0 $0xFFFFF086;
	s6 =	sadd.s32 @!p0 s3, s7;
	s7 =	simm.s32 @!p0 $0x108  }
0x21: {  	s3 =	sadd.s32 s3, s9;
	s6 =	sadd.s32 @!p0 $0x88, s6;
	s7 =	simm.s32 @p2 $0x1082  }
0x22: {  	[simem:s7], [sflag:s8] =	dma.local @!p0 [hbm:s6], $0xF7A  }
0x23: {  	s9 =	sor.u32 $0xD0000000, s2;
	s6 =	simm.s32 $0x108;
	_ =	swait.ge @!p0 [sflag:s8], $0x0  }
0x24: {  	s3 =	sadd.s32 $0x88, s3;
	s6 =	simm.s32 @!p1 $0x1082;
	[sflag:s4] =	ssyncset.s32 $0xFFFFF086  }
0x25: {  	[simem:s6], [sflag:s4] =	dma.local [hbm:s3], $0xF7A  }
0x26: {  	[smem:$0x3F97] =	sst s1;
	(tag) =	ssettag s2;
	_ =	strace s9  }
0x27: {  	s1 =	sld [smem:$0x3FA7]  }
0x28: {  	s2 =	sld [smem:$0x3FA8]  }
0x29: {  	s4 =	sld [smem:$0x3FAA]  }
0x2a: {  	p0 =	seq.s32 s5, $0x0;
	s5 =	sld [smem:$0x3FAB]  }
0x2b: {  	s6 =	sld [smem:$0x3FAC]  }
0x2c: {  	s7 =	sld [smem:$0x3FAD]  }
0x2d: {  	s3 =	simm.s32 $0x108;
	s8 =	sld [smem:$0x3FAE]  }
0x2e: {  	s3 =	simm.s32 @!p0 $0x1082;
	s9 =	sld [smem:$0x3FAF]  }
0x2f: {  	lr =	sadd.s32 s0, s3;
	s0 =	sld [smem:$0x3FA6]  }
0x30: {  	s3 =	sld [smem:$0x3FA9]  }
0x31: {  	[smem:$0x3FB2] =	sst s10  }
0x32: {  	s10 =	sld [smem:$0x3FB0];
	_ =	sdelay $0x3  }
0x33: {  	p0 =	seq.s32 s10, $0x1;
	s10 =	sld [smem:$0x3FB2];
	_ =	sdelay $0x3  }
0x34: {  	[smem:$0x3FB2] =	sst s10  }
0x35: {  	s10 =	sld [smem:$0x3FB1];
	_ =	sdelay $0x3  }
0x36: {  	p1 =	seq.s32 s10, $0x1;
	s10 =	sld [smem:$0x3FB2];
	_ =	sdelay $0x3  }
0x37: {  	[smem:$0x3FB2] =	sst s10  }
0x38: {  	s10 =	sld [smem:$0x3FB3]  }
0x39: {  	_ = 	snop;
	(pc) =	sbr.ind lr, $3  }
0x3a: {  	_ = 	snop  }
0x3b: {  	_ = 	snop  }
0x3c: {  	p2 =	seq.s32 s10, $0x1;
	s10 =	sld [smem:$0x3FB2]  }
0x3d: {  	_ =	shalt  }
0x3e: {  	_ =	shalt  }
0x3f: {  	_ =	shalt  }
0x40: {  	_ =	shalt  }
0x41: {  	_ =	shalt  }
0x42: {  	_ =	shalt  }
0x43: {  	_ =	shalt  }
0x44: {  	_ =	shalt  }
0x45: {  	_ =	shalt  }
0x46: {  	_ =	shalt  }
0x47: {  	_ =	shalt  }
0x48: {  	_ =	shalt  }
0x49: {  	_ =	shalt  }
0x4a: {  	_ =	shalt  }
0x4b: {  	_ =	shalt  }
0x4c: {  	_ =	shalt  }
0x4d: {  	_ =	shalt  }
0x4e: {  	_ =	shalt  }
0x4f: {  	_ =	shalt  }
0x50: {  	_ =	shalt  }
0x51: {  	_ =	shalt  }
0x52: {  	_ =	shalt  }
0x53: {  	_ =	shalt  }
0x54: {  	_ =	shalt  }
0x55: {  	_ =	shalt  }
0x56: {  	_ =	shalt  }
0x57: {  	_ =	shalt  }
0x58: {  	_ =	shalt  }
0x59: {  	_ =	shalt  }
0x5a: {  	_ =	shalt  }
0x5b: {  	_ =	shalt  }
0x5c: {  	_ =	shalt  }
0x5d: {  	_ =	shalt  }
0x5e: {  	_ =	shalt  }
0x5f: {  	_ =	shalt  }
0x60: {  	_ =	shalt  }
0x61: {  	_ =	shalt  }
0x62: {  	_ =	shalt  }
0x63: {  	_ =	shalt  }
0x64: {  	_ =	shalt  }
0x65: {  	_ =	shalt  }
0x66: {  	_ =	shalt  }
0x67: {  	_ =	shalt  }
0x68: {  	_ =	shalt  }
0x69: {  	_ =	shalt  }
0x6a: {  	_ =	shalt  }
0x6b: {  	_ =	shalt  }
0x6c: {  	_ =	shalt  }
0x6d: {  	_ =	shalt  }
0x6e: {  	_ =	shalt  }
0x6f: {  	_ =	shalt  }
0x70: {  	_ =	shalt  }
0x71: {  	_ =	shalt  }
0x72: {  	_ =	shalt  }
0x73: {  	_ =	shalt  }
0x74: {  	_ =	shalt  }
0x75: {  	_ =	shalt  }
0x76: {  	_ =	shalt  }
0x77: {  	_ =	shalt  }
0x78: {  	_ =	shalt  }
0x79: {  	_ =	shalt  }
0x7a: {  	_ =	shalt  }
0x7b: {  	_ =	shalt  }
0x7c: {  	_ =	shalt  }
0x7d: {  	_ =	shalt  }
0x7e: {  	_ =	shalt  }
0x7f: {  	_ =	shalt  }
0x80: {  	_ =	shalt  }
0x81: {  	_ =	shalt  }
0x82: {  	_ =	shalt  }
0x83: {  	_ =	shalt  }
0x84: {  	_ =	shalt  }
0x85: {  	_ =	shalt  }
0x86: {  	_ =	shalt  }
0x87: {  	_ =	shalt  }
.Lfunc_end0:
.L_simem_size_0:
called_computation_lowered:
.L_overlay_start_0:
0x88: {  	s0 =	sld [smem:$0x3FD9]  }
0x89: {  	s1 =	sld [smem:$0x3FFE];
	_ =	sdelay $0x3  }
0x8a: {  	s0 =	sadd.s32 s1, s0  }
0x8b: {  	[smem:$0x3FBE] =	sst s0  }
0x8c: {  	_ = 	snop  }
0x8d: {  	s0 =	sld [smem:$0x3FD0];
	(tm) =	ssettm $0x1  }
0x8e: {  	s16 =	sld [smem:$0x3FFB];
	_ =	sdelay $0x3  }
0x8f: {  	_ =	strace s16  }
0x90: {  	s1 =	sld [smem:$0x3FFC];
	_ =	sdelay $0x3  }
0x91: {  	_ =	strace s1  }
0x92: {  	s1 =	sld [smem:$0x3FFD];
	_ =	sdelay $0x3  }
0x93: {  	_ =	strace s1  }
0x94: {  	_ =	strace $0x8FFFFFFF  }
0x95: {  	s17 =	sld [smem:$0x3FDB];
	_ =	sdelay $0x1  }
0x96: {  	s2 =	simm.s32 $_scs_section_size  }
0x97: {  	s3 =	simm.s32 $_size__tile_overlayer_lowered;
	s4 =	simm.s32 $_tile_overlayer_lowered  }
0x98: {  	s20 =	simm.s32 $0x1BFF;
	s19 =	sshll.u32 s4, $0x1;
	s1 =	sadd.s32 s2, s17  }
0x99: {  	s5 =	simm.s32 $0x0;
	s18 =	sshll.u32 s3, $0x1;
	s3 =	sadd.s32 s19, s1  }
0x9a: {  	[timem:s5], [sflag:s20] =	dma.local [hbm:s3], s18  }
0x9b: {  	_ =	swait.ge [sflag:s20], s18  }
0x9c: {  	s2 =	ssub.s32 $0x0, s18;
	[sflag:s20] =	ssyncset.done $0x0  }
0x9d: {  	[sflag:s20] =	ssyncadd.s32 s2;
	_ =	sdelay $0x1  }
0x9e: {  	s21 =	simm.s32 $0x1B8B  }
0x9f: {  	_ =	swait.ge [sflag:s21], $0x1  }
0xa0: {  	[sflag:s21] =	ssyncset.done $0x0  }
0xa1: {  	s23 =	simm.s32 $0x1B8E;
	s22 =	sld [smem:$0x3FFE];
	[sflag:s21] =	ssyncadd.s32 $0xFFFFFFFF  }
0xa2: {  	s24 =	simm.s32 $execute0_lowered;
	[smem:$0x3FD2] =	sst s23  }
0xa3: {  	s3 =	sshll.u32 s24, $0x1;
	_ =	strace $0x80000046;
	[dreg:$0x1] =	wrdreg $0xFFFFFFFF  }
0xa4: {  	s25 =	simm.s32 $_size_execute0_lowered;
	s1 =	sadd.s32 s1, s3;
	[dreg:$0x0] =	wrdreg $0x0  }
0xa5: {  	s3 =	sshll.u32 s25, $0x1;
	[dreg:$0x2] =	wrdreg s1  }
0xa6: {  	[dreg:$0x3] =	wrdreg s3  }
0xa7: {  	[dreg:$0x4] =	wrdreg $0xC0  }
0xa8: {  	_ =	task [dreg:s5], $0x5FFFF  }
0xa9: {  	[dreg:$0x1] =	wrdreg $0xFFFFFFFF  }
0xaa: {  	[dreg:$0x0] =	wrdreg $0x60  }
0xab: {  	[dreg:$0x2] =	wrdreg s0  }
0xac: {  	[dreg:$0x3] =	wrdreg s22  }
0xad: {  	[dreg:$0x4] =	wrdreg $0x9  }
0xae: {  	_ =	task.clear_ibuf [dreg:s5], $0x5FFFF;
	_ =	strace $0x90000046  }
0xaf: {  	s26 =	simm.s32 $0x9;
	_ =	strace $0x80000048  }
0xb0: {  	_ =	swait.ge [sflag:s26], $0x1  }
0xb1: {  	[sflag:s26] =	ssyncadd.s32 $0xFFFFFFFF  }
0xb2: {  	_ =	strace $0x90000048  }
0xb3: {  	_ =	sfence  }
0xb4: {  	s28 =	sld [smem:$0x0];
	_ =	sdelay $0x1  }
0xb5: {  	s29 =	srdreg.scid  }
0xb6: {  	s30 =	sshll.u32 s29, $0xD;
	s31 =	sshrl.u32 s29, $0x2  }
0xb7: {  	s2 =	sand.u32 $0x4000, s30;
	s1 =	sand.u32 $0x1, s29;
	s0 =	sadd.s32 s31, s28  }
0xb8: {  	s1 =	sor.u32 s2, s1;
	s0 =	sshll.u32 s0, $0x11  }
0xb9: {  	s0 =	sor.u32 s0, s1  }
0xba: {  	s0 =	sadd.s32 $0x8F2B, s0  }
0xbb: {  	[sflag:s0] =	ssyncadd.remote.s32 $0x1  }
0xbc: {  	_ =	sfence.sel $0xFFFF  }
0xbd: {  	[dreg:$0x0] =	wrdreg $0xFFFFFFFF;
	(pc) =	sbr.abs _section_cstart, $3  }
0xbe: {  	[dreg:$0x1] =	wrdreg $0xFFFFFFFF  }
0xbf: {  	_ =	task.clear_ibuf [dreg:s5], $0x2FFFF;
	_ =	strace $0x9FFFFFFF  }
0xc0: {  	(tm) =	ssettm $0x7FFFFFFF  }
0xc1: {  	_ =	shalt  }
tec
execute0_lowered:
.L_overlay_start_1:
0x0: {  	(tag) =	ssettag $0x1  }
0x1: {  	s1 =	rddreg [dreg:$0x0]  }
0x2: {  	s2 =	rddreg [dreg:$0x1]  }
0x3: {  	s0 =	rddreg [dreg:$0x2];
	s3 =	stileid.u32  }
0x4: {  	_ =	strace $0x80000047;
	s4 =	simm.s32 $0x3E;
	p0 =	sne.s32 s3, $0x0  }
0x5: {  	[sflag:s4] =	ssyncpa.u1 $0x0;
	s5 =	simm.s32 @!p0 $0x1C3E;
	s6 =	simm.s32 @!p0 $0x0  }
0x6: {  	[spmem:s6], [sflag:s5] =	dma.local @!p0 [hbm:s1], $0x10  }
0x7: {  	s5 =	simm.s32 @!p0 $0x3E  }
0x8: {  	_ =	swait.ge @!p0 [sflag:s5], $0x10  }
0x9: {  	[sflag:s5] =	ssyncset.done @!p0 $0x0  }
0xa: {  	s26 =	simm.s32 $0x1;
	[sflag:s5] =	ssyncadd.s32 @!p0 $0xFFFFFFF0  }
0xb: {  	s29 =	simm.s32 $0x2;
	s7 =	simm.s32 $0x408;
	[bflag:$0x0] =	sbarrier.arrive $0xFFFF  }
0xc: {  	s28 =	sadd.s32 $0xC1000, s2;
	s30 =	sadd.s32 $0xC1800, s2;
	[sflag:s4] =	ssyncpa.u1 $0x1  }
0xd: {  	s3 =	sshll.u32 s3, $0x7;
	s2 =	simm.s32 $0x0;
	[sflag:s26] =	ssyncpa.u1 $0x0  }
0xe: {  	s4 =	sadd.s32 s28, s3;
	(ifvalue) =	ssetifvalue $0x80;
	[sflag:s29] =	ssyncpa.u1 $0x0  }
0xf: {  	[tilespmem:s7], [sflag:$0x2] =	stream.linear.gather [hbm4b:s4+s2], $0x400, $0x38;
	[tilespmem:$0x1008] =	vst v63  }
0x10: {  	s31 =	sadd.s32 s30, s3;
	s3 =	simm.s32 $0xC08  }
0x11: {  	[tilespmem:s3], [sflag:$0x2] =	stream.linear.gather [hbm4b:s31+s2], $0x400, $0x38;
	[tilespmem:$0x1008] =	vst v63  }
0x12: {  	_ =	swait.ge [sflag:s29], $0x800  }
0x13: {  	[sflag:s29] =	ssyncset.done $0x0  }
0x14: {  	[sflag:s29] =	ssyncadd.s32 $0xFFFFF800  }
0x15: {  	v0 =	vld.msk [tilespmem:s7+$0x0 ss:$0x1], $0xffff;
	_ =	sdelay $0x4  }
0x16: {  	v0 =	vmin.u32 v0, $0x80;
	_ =	sdelay $0x3  }
0x17: {  	vm0 =	vmmov $0xffff;
	s5 =	simm.s32 $0x418;
	s4 =	simm.s32 $0x0  }
0x18: {  	[spmem:s2] =	stream.indirect_vreg.scatter.add.s32 [tilespmem:s3], [sflag:$0x1], $0x1, v0, vm0, $0x4038;
	[tilespmem:$0x1008] =	vst v63  }
.LBB2_1:
0x19: {  	v0 =	vld.msk [tilespmem:s5+$0x0 ss:$0x1], $0xffff;
	s4 =	sadd.s32 $0x10, s4  }
0x1a: {  	p1 =	slt.u32 s4, $0x3F0;
	_ =	sdelay $0x4  }
0x1b: {  	v0 =	vmin.u32 v0, $0x80  }
.Ltmp0:
0x1c: {  	(pc) =	sbr.rel @p1 .LBB2_1-.Ltmp0, $3  }
0x1d: {  	_ =	sdelay $0x1  }
0x1e: {  	s5 =	sadd.s32 $0x10, s5;
	s3 =	sadd.s32 $0x10, s3  }
0x1f: {  	[spmem:s2] =	stream.indirect_vreg.scatter.add.s32 [tilespmem:s3], [sflag:$0x1], $0x1, v0, vm0, $0x4038;
	[tilespmem:$0x1008] =	vst v63  }
0x20: {  	s2 =	simm.s32 $0x1  }
0x21: {  	_ =	swait.ge [sflag:s2], $0x400  }
0x22: {  	[sflag:s2] =	ssyncset.done $0x0  }
0x23: {  	[sflag:s2] =	ssyncadd.s32 $0xFFFFFC00  }
0x24: {  	_ =	sfence.sel $0x180000  }
0x25: {  	s3 =	simm.s32 $0x2;
	[bflag:$0x0] =	sbarrier.arrive $0xFFFF  }
0x26: {  	[sflag:s3] =	ssyncpa.u1 $0x1  }
0x27: {  	[sflag:s2] =	ssyncpa.u1 $0x1  }
0x28: {  	_ =	sfence.stream.spmem  }
0x29: {  	s31 =	simm.s32 $0x3D;
	[bflag:$0x0] =	sbarrier.arrive $0xFFFF  }
0x2a: {  	s2 =	simm.s32 @p0 $0x3D;
	[sflag:s31] =	ssyncpa.u1 $0x0  }
0x2b: {  	[sflag:s2] =	ssyncpa.u1 @p0 $0x1  }
0x2c: {  	[bflag:$0x0] =	sbarrier.arrive @p0 $0xFFFF  }
0x2d: {  	_ =	strace @p0 $0x90000047  }
0x2e: {  	s3 =	simm.s32 @!p0 $0x1C3D;
	s2 =	simm.s32 @!p0 $0x0;
	[bflag:$0x2] =	sbarrier.arrive @p0 $0xFFFF  }
0x2f: {  	[hbm:s1], [sflag:s3] =	dma.local @!p0 [spmem:s2], $0x10  }
0x30: {  	s1 =	simm.s32 @!p0 $0x3D  }
0x31: {  	_ =	swait.ge @!p0 [sflag:s1], $0x10  }
0x32: {  	[sflag:s1] =	ssyncset.done @!p0 $0x0  }
0x33: {  	[sflag:s1] =	ssyncadd.s32 @!p0 $0xFFFFFFF0  }
0x34: {  	[sflag:s1] =	ssyncpa.u1 @!p0 $0x1  }
0x35: {  	[bflag:$0x0] =	sbarrier.arrive @!p0 $0xFFFF  }
0x36: {  	_ =	strace @!p0 $0x90000047  }
0x37: {  	s0 =	sadd.s32 @!p0 $0x100000, s0;
	[bflag:$0x2] =	sbarrier.arrive @!p0 $0xFFFF  }
0x38: {  	[sflag:s0] =	ssyncadd.tile.s32 @!p0 $0x1;
	_ =	shalt  }
.Lfunc_end2:
_tile_overlayer_lowered:
.L_overlay_start_2:
0x39: {  	(tag) =	ssettag $0x2  }
0x3a: {  	s0 =	rddreg [dreg:$0x0];
	s2 =	stileid.u32  }
0x3b: {  	s1 =	rddreg [dreg:$0x1];
	p0 =	sne.s32 s2, $0x0  }
0x3c: {  	s3 =	rddreg [dreg:$0x2];
	[bflag:$0x3] =	sbarrier.arrive $0xFFFF;
	s2 =	simm.s32 @!p0 $0x1C01  }
0x3d: {  	[timem:s3], [sflag:s2] =	dma.local @!p0 [hbm:s0], s1  }
0x3e: {  	s0 =	simm.s32 @!p0 $0x1  }
0x3f: {  	_ =	swait.ge @!p0 [sflag:s0], s1  }
0x40: {  	s1 =	ssub.s32 @!p0 $0x0, s1;
	[sflag:s0] =	ssyncset.done @!p0 $0x0  }
0x41: {  	[sflag:s0] =	ssyncadd.s32 @!p0 s1  }
0x42: {  	[bflag:$0x3] =	sbarrier.arrive $0xFFFF  }
0x43: {  	_ =	shalt  }

</sc_bundles>
